<compile_context>
chip_gen: v7x
topology: tpu7x:2x2x1
jax: 0.10.2.dev20260603
libtpu: 0.0.44.dev20260713+nightly
codegen_flags: <defaults>
</compile_context>

<pallas_src>
import functools

import jax
import jax.numpy as jnp
from jax import lax
from jax.experimental import pallas as pl
from jax.experimental.pallas import tpu as pltpu
from jax.experimental.pallas import tpu_sc as plsc

N_NODES = 100000
MEM_DIM = 128
MSG_DIM = 256
B = 4096

_NC = 2
_NS = 16
_NW = _NC * _NS
_CHUNK = B // _NW

_CP_CHUNK = 3200
_CP_LAST = N_NODES - _CP_CHUNK * (_NW - 1)


def _sc_mesh():
    return plsc.VectorSubcoreMesh(
        core_axis_name="c", subcore_axis_name="s", num_cores=_NC, num_subcores=_NS
    )


def _worker_id():
    return lax.axis_index("s") * _NC + lax.axis_index("c")


def _sc_gather(mem, idx):

    @functools.partial(
        pl.kernel,
        out_type=jax.ShapeDtypeStruct((B, MEM_DIM), jnp.float32),
        mesh=_sc_mesh(),
        scratch_types=[
            pltpu.VMEM((_CHUNK,), jnp.int32),
            pltpu.VMEM((_CHUNK, MEM_DIM), jnp.float32),
            pltpu.SemaphoreType.DMA,
        ],
    )
    def gk(mem_hbm, idx_hbm, out_hbm, idx_v, rows_v, sem):
        base = _worker_id() * _CHUNK
        pltpu.sync_copy(idx_hbm.at[pl.ds(base, _CHUNK)], idx_v)
        pltpu.async_copy(mem_hbm.at[idx_v], rows_v, sem).wait()
        pltpu.sync_copy(rows_v, out_hbm.at[pl.ds(base, _CHUNK)])

    return gk(mem, idx)


_GRU_BLK = 1024
_JL_CHUNK = 512
_JL_IBLK = 1024


_CPB = 4000
_NCH = N_NODES // _CPB
_CPS = 6


def _comp_body(x_ref, h_ref, wih_ref, whh_ref, bih_ref, bhh_ref,
               nlane_ref, ncol_ref, mem_hbm, lu_hbm,
               newh_ref, jl_ref, memout_hbm, luout_hbm,
               nb_scratch, *bufs_and_sems):
    bufs = bufs_and_sems[:7]
    lubuf = bufs_and_sems[7]
    isem = bufs_and_sems[8:15]
    osem = bufs_and_sems[15:22]
    lusem_i = bufs_and_sems[22]
    lusem_o = bufs_and_sems[23]
    i = pl.program_id(0)

    def chunk_at(ref, g):
        off = pl.multiple_of(g * _CPB, _CPB)
        return ref.at[pl.ds(off, _CPB)]

    for kk in range(_CPS):
        @pl.when(i > 0)
        def _drain(kk=kk):
            pltpu.make_async_copy(bufs[kk], chunk_at(memout_hbm, 0), osem[kk]).wait()
        g = i * _CPS + kk
        pltpu.make_async_copy(chunk_at(mem_hbm, g), bufs[kk], isem[kk]).start()

    @pl.when(i == B // _GRU_BLK - 1)
    def _extra_in():
        pltpu.make_async_copy(chunk_at(mem_hbm, _NCH - 1), bufs[6], isem[6]).start()

    @pl.when(i == 0)
    def _build_nbcast():
        pltpu.make_async_copy(lu_hbm, lubuf, lusem_i).start()
        nb_scratch[...] = jnp.broadcast_to(ncol_ref[...], (B, 128))

    x = x_ref[...].astype(jnp.bfloat16)
    h32 = h_ref[...]
    h = h32.astype(jnp.bfloat16)
    dn = (((1,), (1,)), ((), ()))
    wih = wih_ref[...].astype(jnp.bfloat16)
    whh = whh_ref[...].astype(jnp.bfloat16)
    gi = lax.dot_general(x, wih, dn, preferred_element_type=jnp.float32) + bih_ref[...]
    gh = lax.dot_general(h, whh, dn, preferred_element_type=jnp.float32) + bhh_ref[...]
    i_r, i_z, i_n = gi[:, :MEM_DIM], gi[:, MEM_DIM : 2 * MEM_DIM], gi[:, 2 * MEM_DIM :]
    h_r, h_z, h_n = gh[:, :MEM_DIM], gh[:, MEM_DIM : 2 * MEM_DIM], gh[:, 2 * MEM_DIM :]
    r = jax.nn.sigmoid(i_r + h_r)
    z = jax.nn.sigmoid(i_z + h_z)
    n = jnp.tanh(i_n + r * h_n)
    newh_ref[...] = n + z * (h32 - n)

    ni = nlane_ref[0]
    nrows = _JL_IBLK // 128
    nchunks = B // _JL_CHUNK

    def _sweep(start):
        def go(ni_op):
            bests = [jnp.full((1, 128), -1, jnp.int32) for _ in range(nrows)]
            for c in range(start, nchunks):
                nj = nb_scratch[pl.ds(c * _JL_CHUNK, _JL_CHUNK), :]
                jv = lax.broadcasted_iota(jnp.int32, (_JL_CHUNK, 128), 0) + c * _JL_CHUNK
                for rr in range(nrows):
                    m = jnp.where(nj == ni_op[rr : rr + 1, :], jv, -1)
                    bests[rr] = jnp.maximum(bests[rr], jnp.max(m, axis=0, keepdims=True))
            return jnp.concatenate(bests, axis=0)
        return go

    nsweep = _JL_IBLK // _JL_CHUNK
    jl_ref[0] = lax.switch(i, [_sweep(s * nsweep) for s in range(B // _JL_IBLK)], ni)

    for kk in range(_CPS):
        g = i * _CPS + kk
        pltpu.make_async_copy(chunk_at(mem_hbm, g), bufs[kk], isem[kk]).wait()
        pltpu.make_async_copy(bufs[kk], chunk_at(memout_hbm, g), osem[kk]).start()

    @pl.when(i == B // _GRU_BLK - 1)
    def _final_drain():
        pltpu.make_async_copy(chunk_at(mem_hbm, _NCH - 1), bufs[6], isem[6]).wait()
        pltpu.make_async_copy(bufs[6], chunk_at(memout_hbm, _NCH - 1), osem[6]).start()
        pltpu.make_async_copy(lu_hbm, lubuf, lusem_i).wait()
        pltpu.make_async_copy(lubuf, luout_hbm, lusem_o).start()
        for kk in range(_CPS):
            pltpu.make_async_copy(bufs[kk], chunk_at(memout_hbm, 0), osem[kk]).wait()
        pltpu.make_async_copy(bufs[6], chunk_at(memout_hbm, 0), osem[6]).wait()
        pltpu.make_async_copy(lubuf, luout_hbm, lusem_o).wait()


def _tc_compute(x, h, W_ih, W_hh, b_ih, b_hh, nodes, mem, lu):
    bih = b_ih.reshape(1, -1)
    bhh = b_hh.reshape(1, -1)
    nlane = nodes.reshape(B // _JL_IBLK, _JL_IBLK // 128, 128)
    ncol = nodes.reshape(B, 1)
    blk = lambda i: (i, 0)
    blk3 = lambda i: (i, 0, 0)
    const2 = lambda i: (0, 0)
    new_h, jl, mem_out, lu_out = pl.pallas_call(
        _comp_body,
        grid=(B // _GRU_BLK,),
        in_specs=[
            pl.BlockSpec((_GRU_BLK, MSG_DIM), blk),
            pl.BlockSpec((_GRU_BLK, MEM_DIM), blk),
            pl.BlockSpec((3 * MEM_DIM, MSG_DIM), const2),
            pl.BlockSpec((3 * MEM_DIM, MEM_DIM), const2),
            pl.BlockSpec((1, 3 * MEM_DIM), const2),
            pl.BlockSpec((1, 3 * MEM_DIM), const2),
            pl.BlockSpec((1, _JL_IBLK // 128, 128), blk3),
            pl.BlockSpec((B, 1), const2),
            pl.BlockSpec(memory_space=pltpu.HBM),
            pl.BlockSpec(memory_space=pltpu.HBM),
        ],
        out_specs=[
            pl.BlockSpec((_GRU_BLK, MEM_DIM), blk),
            pl.BlockSpec((1, _JL_IBLK // 128, 128), blk3),
            pl.BlockSpec(memory_space=pltpu.HBM),
            pl.BlockSpec(memory_space=pltpu.HBM),
        ],
        out_shape=[
            jax.ShapeDtypeStruct((B, MEM_DIM), jnp.float32),
            jax.ShapeDtypeStruct((B // _JL_IBLK, _JL_IBLK // 128, 128), jnp.int32),
            jax.ShapeDtypeStruct((N_NODES, MEM_DIM), jnp.float32),
            jax.ShapeDtypeStruct((N_NODES,), jnp.float32),
        ],
        scratch_shapes=[pltpu.VMEM((B, 128), jnp.int32)]
        + [pltpu.VMEM((_CPB, MEM_DIM), jnp.float32) for _ in range(7)]
        + [pltpu.VMEM((N_NODES,), jnp.float32)]
        + [pltpu.SemaphoreType.DMA for _ in range(16)],
    )(x, h, W_ih, W_hh, bih, bhh, nlane, ncol, mem, lu)
    return new_h, jl, mem_out, lu_out


def _sc_scatter(new_h, j_last, idx, ts, mem_ref, lu_ref):

    @functools.partial(
        pl.kernel,
        out_type=(),
        mesh=_sc_mesh(),
        scratch_types=[
            pltpu.VMEM((_CHUNK // 2,), jnp.int32),
            pltpu.VMEM((_CHUNK // 2,), jnp.int32),
            pltpu.VMEM((_CHUNK // 2,), jnp.int32),
            pltpu.VMEM((_CHUNK // 2,), jnp.int32),
            pltpu.VMEM((_CHUNK // 2, MEM_DIM), jnp.float32),
            pltpu.VMEM((_CHUNK // 2, MEM_DIM), jnp.float32),
            pltpu.VMEM((_CHUNK,), jnp.float32),
            pltpu.SemaphoreType.DMA,
            pltpu.SemaphoreType.DMA,
            pltpu.SemaphoreType.DMA,
        ],
    )
    def sk(newh_hbm, jl_hbm, idx_hbm, ts_hbm, outmem_hbm, outlu_hbm,
           jla_v, jlb_v, idxa_v, idxb_v, rowsa_v, rowsb_v, ts_v,
           sema, semb, semt):
        w = _worker_id()
        base = w * _CHUNK
        half = _CHUNK // 2
        pltpu.sync_copy(jl_hbm.at[w // 8, w % 8, pl.ds(0, half)], jla_v)
        pltpu.sync_copy(jl_hbm.at[w // 8, w % 8, pl.ds(half, half)], jlb_v)
        pltpu.sync_copy(idx_hbm.at[pl.ds(base, half)], idxa_v)
        pltpu.sync_copy(idx_hbm.at[pl.ds(base + half, half)], idxb_v)
        ga = pltpu.async_copy(newh_hbm.at[jla_v], rowsa_v, sema)
        gb = pltpu.async_copy(newh_hbm.at[jlb_v], rowsb_v, semb)
        gt = pltpu.async_copy(ts_hbm.at[jla_v], ts_v.at[pl.ds(0, half)], semt)
        ga.wait()
        sa = pltpu.async_copy(rowsa_v, outmem_hbm.at[idxa_v], sema)
        gb.wait()
        sb = pltpu.async_copy(rowsb_v, outmem_hbm.at[idxb_v], semb)
        gt.wait()
        gt2 = pltpu.async_copy(ts_hbm.at[jlb_v], ts_v.at[pl.ds(half, half)], semt)
        gt2.wait()
        st1 = pltpu.async_copy(ts_v.at[pl.ds(0, half)], outlu_hbm.at[idxa_v], semt)
        st1.wait()
        st2 = pltpu.async_copy(ts_v.at[pl.ds(half, half)], outlu_hbm.at[idxb_v], semt)
        sa.wait()
        sb.wait()
        st2.wait()

    sk(new_h, j_last, idx, ts, mem_ref, lu_ref)


def kernel(memory_tensor, last_update, unique_nodes, unique_messages, unique_ts, W_ih, W_hh, b_ih, b_hh):
    h = _sc_gather(memory_tensor, unique_nodes)
    new_h, j_last, mem_out, lu_out = _tc_compute(
        unique_messages, h, W_ih, W_hh, b_ih, b_hh, unique_nodes, memory_tensor, last_update
    )
    mem_ref = jax.new_ref(mem_out)
    lu_ref = jax.new_ref(lu_out)
    _sc_scatter(new_h, j_last, unique_nodes, unique_ts, mem_ref, lu_ref)
    return mem_ref[...], lu_ref[...]

# --- scband reference (transcript-rebuilt; emitter-appended) ---
"""Pipeline reference for scband-sequence-memory-updater-4681514352898 (READ-ONLY COPY).

The authoritative reference and input builder live on the scoring server;
editing this copy changes nothing except your own understanding.
"""

import jax, jax.numpy as jnp
import numpy as np

N_NODES = 100000
MEM_DIM = 128
MSG_DIM = 256
B = 4096


def setup_inputs(seed: int = 0) -> dict:
    key = jax.random.key(seed)
    ks = jax.random.split(key, 9)
    return {
        "memory_tensor": jax.random.normal(ks[0], (N_NODES, MEM_DIM), dtype=jnp.float32),
        "last_update": jnp.zeros((N_NODES,), dtype=jnp.float32),
        "unique_nodes": jax.random.randint(ks[1], (B,), 0, N_NODES, dtype=jnp.int32),
        "unique_messages": jax.random.normal(ks[2], (B, MSG_DIM), dtype=jnp.float32) * 0.1,
        "unique_ts": jax.random.uniform(ks[3], (B,), dtype=jnp.float32) * 1000.0,
        "W_ih": jax.random.normal(ks[4], (3 * MEM_DIM, MSG_DIM), dtype=jnp.float32) * 0.05,
        "W_hh": jax.random.normal(ks[5], (3 * MEM_DIM, MEM_DIM), dtype=jnp.float32) * 0.05,
        "b_ih": jnp.zeros((3 * MEM_DIM,), dtype=jnp.float32),
        "b_hh": jnp.zeros((3 * MEM_DIM,), dtype=jnp.float32),
    }


def _gru_cell(x, h, W_ih, W_hh, b_ih, b_hh):
    # Faithful nn.GRUCell math (the standard concrete _update for SequenceMemoryUpdater in TGN)
    gi = x @ W_ih.T + b_ih
    gh = h @ W_hh.T + b_hh
    i_r, i_z, i_n = jnp.split(gi, 3, axis=1)
    h_r, h_z, h_n = jnp.split(gh, 3, axis=1)
    r = jax.nn.sigmoid(i_r + h_r)
    z = jax.nn.sigmoid(i_z + h_z)
    n = jnp.tanh(i_n + r * h_n)
    return (1.0 - z) * n + z * h


def reference(memory_tensor, last_update, unique_nodes, unique_messages, unique_ts, W_ih, W_hh, b_ih, b_hh):
    # get_updated_memory: clone semantics are implicit (functional update)
    h = memory_tensor[unique_nodes]                      # gather
    new_h = _gru_cell(unique_messages, h, W_ih, W_hh, b_ih, b_hh)
    updated_memory = memory_tensor.at[unique_nodes].set(new_h)   # scatter-overwrite
    updated_last_update = last_update.at[unique_nodes].set(unique_ts)
    return (updated_memory, updated_last_update)

if __name__ == "__main__":
    import jax
    _d = setup_inputs()
    print(jax.jit(kernel)(*tuple(_d.values())))

</pallas_src>

<mosaic_0001>
#map = affine_map<(d0, d1) -> (0, 0)>
#map1 = affine_map<(d0, d1) -> (0, 0, 0)>
#map2 = affine_map<(d0, d1) -> (0)>
module attributes {stable_mosaic.version = 14 : i64} {
  func.func @new_body(%arg0: i32, %arg1: i32, %arg2: memref<4096x128xf32, #tpu.memory_space<hbm>>, %arg3: memref<4x8x128xi32, #tpu.memory_space<hbm>>, %arg4: memref<4096xi32, #tpu.memory_space<hbm>>, %arg5: memref<4096xf32, #tpu.memory_space<hbm>>, %arg6: memref<100000x128xf32, #tpu.memory_space<hbm>>, %arg7: memref<100000xf32, #tpu.memory_space<hbm>>, %arg8: memref<100000x128xf32, #tpu.memory_space<hbm>>, %arg9: memref<100000xf32, #tpu.memory_space<hbm>>, %arg10: memref<64xi32, #tpu.memory_space<vmem>>, %arg11: memref<64xi32, #tpu.memory_space<vmem>>, %arg12: memref<64xi32, #tpu.memory_space<vmem>>, %arg13: memref<64xi32, #tpu.memory_space<vmem>>, %arg14: memref<64x128xf32, #tpu.memory_space<vmem>>, %arg15: memref<64x128xf32, #tpu.memory_space<vmem>>, %arg16: memref<128xf32, #tpu.memory_space<vmem>>, %arg17: memref<!tpu.dma_semaphore, #tpu.memory_space<semaphore_mem>>, %arg18: memref<!tpu.dma_semaphore, #tpu.memory_space<semaphore_mem>>, %arg19: memref<!tpu.dma_semaphore, #tpu.memory_space<semaphore_mem>>) attributes {dimension_semantics = [#tpu.dimension_semantics<core_parallel>, #tpu.dimension_semantics<subcore_parallel>], iteration_bounds = array<i64: 2, 16>, scalar_prefetch = 0 : i64, scratch_operands = 10 : i64, tpu.core_type = #tpu.core_type<sc_vector_subcore>, window_params = [{transform_indices = #map}, {transform_indices = #map1}, {transform_indices = #map2}, {transform_indices = #map2}, {transform_indices = #map}, {transform_indices = #map2}, {transform_indices = #map}, {transform_indices = #map2}]} {
    %mul3A = arith.constant 2 : i32
    %mul3A_0 = arith.muli %arg1, %mul3A : i32
    %add3A = arith.addi %mul3A_0, %arg0 : i32
    %mul3A_1 = arith.constant 128 : i32
    %mul3A_2 = arith.muli %add3A, %mul3A_1 : i32
    %jit3A = arith.constant 8 : i32
    %div3A = arith.divsi %add3A, %jit3A : i32
    %sign3A = arith.constant 0 : i32
    %sign3A_3 = arith.cmpi sgt, %add3A, %sign3A : i32
    %sign3A_4 = arith.extui %sign3A_3 : i1 to i32
    %sign3A_5 = arith.constant 0 : i32
    %sign3A_6 = arith.cmpi slt, %add3A, %sign3A_5 : i32
    %sign3A_7 = arith.extui %sign3A_6 : i1 to i32
    %sign3A_8 = arith.subi %sign3A_4, %sign3A_7 : i32
    %sign3A_9 = arith.constant 0 : i32
    %sign3A_10 = arith.cmpi sgt, %jit3A, %sign3A_9 : i32
    %sign3A_11 = arith.extui %sign3A_10 : i1 to i32
    %sign3A_12 = arith.constant 0 : i32
    %sign3A_13 = arith.cmpi slt, %jit3A, %sign3A_12 : i32
    %sign3A_14 = arith.extui %sign3A_13 : i1 to i32
    %sign3A_15 = arith.subi %sign3A_11, %sign3A_14 : i32
    %ne3A = arith.cmpi ne, %sign3A_8, %sign3A_15 : i32
    %rem3A = arith.remsi %add3A, %jit3A : i32
    %ne3A_16 = arith.constant 0 : i32
    %ne3A_17 = arith.cmpi ne, %rem3A, %ne3A_16 : i32
    %and3A = arith.andi %ne3A, %ne3A_17 : i1
    %sub3A = arith.constant 1 : i32
    %sub3A_18 = arith.subi %div3A, %sub3A : i32
    %select_n3A = arith.select %and3A, %sub3A_18, %div3A : i32
    %jit3A_19 = arith.constant 8 : i32
    %eq3A = arith.constant 0 : i32
    %eq3A_20 = arith.cmpi eq, %jit3A_19, %eq3A : i32
    %jit3A_21 = arith.constant 1 : i32
    %select_n3A_22 = arith.select %eq3A_20, %jit3A_21, %jit3A_19 : i32
    %rem3A_23 = arith.remsi %add3A, %select_n3A_22 : i32
    %ne3A_24 = arith.constant 0 : i32
    %ne3A_25 = arith.cmpi ne, %rem3A_23, %ne3A_24 : i32
    %lt3A = arith.constant 0 : i32
    %lt3A_26 = arith.cmpi slt, %rem3A_23, %lt3A : i32
    %lt3A_27 = arith.constant 0 : i32
    %lt3A_28 = arith.cmpi slt, %select_n3A_22, %lt3A_27 : i32
    %ne3A_29 = arith.xori %lt3A_26, %lt3A_28 : i1
    %and3A_30 = arith.andi %ne3A_29, %ne3A_25 : i1
    %add3A_31 = arith.addi %rem3A_23, %select_n3A_22 : i32
    %select_n3A_32 = arith.select %and3A_30, %add3A_31, %rem3A_23 : i32
    "tpu.region"() ({
      %run_scoped3A = tpu.sem_alloc : memref<!tpu.dma_semaphore, #tpu.memory_space<semaphore_mem>>
      %dma_start3A_129 = arith.constant 0 : i32
      %dma_start3A_130 = tpu.memref_slice %arg3[%select_n3A, %select_n3A_32, %dma_start3A_129] : memref<4x8x128xi32, #tpu.memory_space<hbm>> -> memref<1x1x64xi32, #tpu.memory_space<hbm>>
      %dma_start3A_131 = tpu.memref_squeeze %dma_start3A_130 : memref<1x1x64xi32, #tpu.memory_space<hbm>> -> memref<64xi32, #tpu.memory_space<hbm>>
      %dma_start3A_132 = arith.constant 0 : i32
      %dma_start3A_133 = tpu.memref_slice %arg3[%select_n3A, %select_n3A_32, %dma_start3A_132] : memref<4x8x128xi32, #tpu.memory_space<hbm>> -> memref<1x1x64xi32, #tpu.memory_space<hbm>>
      %dma_start3A_134 = tpu.memref_squeeze %dma_start3A_133 : memref<1x1x64xi32, #tpu.memory_space<hbm>> -> memref<64xi32, #tpu.memory_space<hbm>>
      tpu.enqueue_dma source(%dma_start3A_134 : memref<64xi32, #tpu.memory_space<hbm>>) target(%arg10 : memref<64xi32, #tpu.memory_space<vmem>>) target_semaphore(%run_scoped3A : memref<!tpu.dma_semaphore, #tpu.memory_space<semaphore_mem>>)
      %dma_wait3A_135 = arith.constant 0 : i32
      %dma_wait3A_136 = tpu.memref_slice %arg3[%select_n3A, %select_n3A_32, %dma_wait3A_135] : memref<4x8x128xi32, #tpu.memory_space<hbm>> -> memref<1x1x64xi32, #tpu.memory_space<hbm>>
      %dma_wait3A_137 = tpu.memref_squeeze %dma_wait3A_136 : memref<1x1x64xi32, #tpu.memory_space<hbm>> -> memref<64xi32, #tpu.memory_space<hbm>>
      %dma_wait3A_138 = arith.constant 0 : i32
      %dma_wait3A_139 = tpu.memref_slice %arg3[%select_n3A, %select_n3A_32, %dma_wait3A_138] : memref<4x8x128xi32, #tpu.memory_space<hbm>> -> memref<1x1x64xi32, #tpu.memory_space<hbm>>
      %dma_wait3A_140 = tpu.memref_squeeze %dma_wait3A_139 : memref<1x1x64xi32, #tpu.memory_space<hbm>> -> memref<64xi32, #tpu.memory_space<hbm>>
      tpu.wait_dma2 semaphore(%run_scoped3A : memref<!tpu.dma_semaphore, #tpu.memory_space<semaphore_mem>>) src(%dma_wait3A_140 : memref<64xi32, #tpu.memory_space<hbm>>) dst(%arg10 : memref<64xi32, #tpu.memory_space<vmem>>)
      tpu.yield
    }) : () -> ()
    %jit3A_33 = arith.constant 8 : i32
    %div3A_34 = arith.divsi %add3A, %jit3A_33 : i32
    %sign3A_35 = arith.constant 0 : i32
    %sign3A_36 = arith.cmpi sgt, %add3A, %sign3A_35 : i32
    %sign3A_37 = arith.extui %sign3A_36 : i1 to i32
    %sign3A_38 = arith.constant 0 : i32
    %sign3A_39 = arith.cmpi slt, %add3A, %sign3A_38 : i32
    %sign3A_40 = arith.extui %sign3A_39 : i1 to i32
    %sign3A_41 = arith.subi %sign3A_37, %sign3A_40 : i32
    %sign3A_42 = arith.constant 0 : i32
    %sign3A_43 = arith.cmpi sgt, %jit3A_33, %sign3A_42 : i32
    %sign3A_44 = arith.extui %sign3A_43 : i1 to i32
    %sign3A_45 = arith.constant 0 : i32
    %sign3A_46 = arith.cmpi slt, %jit3A_33, %sign3A_45 : i32
    %sign3A_47 = arith.extui %sign3A_46 : i1 to i32
    %sign3A_48 = arith.subi %sign3A_44, %sign3A_47 : i32
    %ne3A_49 = arith.cmpi ne, %sign3A_41, %sign3A_48 : i32
    %rem3A_50 = arith.remsi %add3A, %jit3A_33 : i32
    %ne3A_51 = arith.constant 0 : i32
    %ne3A_52 = arith.cmpi ne, %rem3A_50, %ne3A_51 : i32
    %and3A_53 = arith.andi %ne3A_49, %ne3A_52 : i1
    %sub3A_54 = arith.constant 1 : i32
    %sub3A_55 = arith.subi %div3A_34, %sub3A_54 : i32
    %select_n3A_56 = arith.select %and3A_53, %sub3A_55, %div3A_34 : i32
    %jit3A_57 = arith.constant 8 : i32
    %eq3A_58 = arith.constant 0 : i32
    %eq3A_59 = arith.cmpi eq, %jit3A_57, %eq3A_58 : i32
    %jit3A_60 = arith.constant 1 : i32
    %select_n3A_61 = arith.select %eq3A_59, %jit3A_60, %jit3A_57 : i32
    %rem3A_62 = arith.remsi %add3A, %select_n3A_61 : i32
    %ne3A_63 = arith.constant 0 : i32
    %ne3A_64 = arith.cmpi ne, %rem3A_62, %ne3A_63 : i32
    %lt3A_65 = arith.constant 0 : i32
    %lt3A_66 = arith.cmpi slt, %rem3A_62, %lt3A_65 : i32
    %lt3A_67 = arith.constant 0 : i32
    %lt3A_68 = arith.cmpi slt, %select_n3A_61, %lt3A_67 : i32
    %ne3A_69 = arith.xori %lt3A_66, %lt3A_68 : i1
    %and3A_70 = arith.andi %ne3A_69, %ne3A_64 : i1
    %add3A_71 = arith.addi %rem3A_62, %select_n3A_61 : i32
    %select_n3A_72 = arith.select %and3A_70, %add3A_71, %rem3A_62 : i32
    "tpu.region"() ({
      %run_scoped3A = tpu.sem_alloc : memref<!tpu.dma_semaphore, #tpu.memory_space<semaphore_mem>>
      %dma_start3A_129 = arith.constant 64 : i32
      %dma_start3A_130 = tpu.memref_slice %arg3[%select_n3A_56, %select_n3A_72, %dma_start3A_129] : memref<4x8x128xi32, #tpu.memory_space<hbm>> -> memref<1x1x64xi32, #tpu.memory_space<hbm>>
      %dma_start3A_131 = tpu.memref_squeeze %dma_start3A_130 : memref<1x1x64xi32, #tpu.memory_space<hbm>> -> memref<64xi32, #tpu.memory_space<hbm>>
      %dma_start3A_132 = arith.constant 64 : i32
      %dma_start3A_133 = tpu.memref_slice %arg3[%select_n3A_56, %select_n3A_72, %dma_start3A_132] : memref<4x8x128xi32, #tpu.memory_space<hbm>> -> memref<1x1x64xi32, #tpu.memory_space<hbm>>
      %dma_start3A_134 = tpu.memref_squeeze %dma_start3A_133 : memref<1x1x64xi32, #tpu.memory_space<hbm>> -> memref<64xi32, #tpu.memory_space<hbm>>
      tpu.enqueue_dma source(%dma_start3A_134 : memref<64xi32, #tpu.memory_space<hbm>>) target(%arg11 : memref<64xi32, #tpu.memory_space<vmem>>) target_semaphore(%run_scoped3A : memref<!tpu.dma_semaphore, #tpu.memory_space<semaphore_mem>>)
      %dma_wait3A_135 = arith.constant 64 : i32
      %dma_wait3A_136 = tpu.memref_slice %arg3[%select_n3A_56, %select_n3A_72, %dma_wait3A_135] : memref<4x8x128xi32, #tpu.memory_space<hbm>> -> memref<1x1x64xi32, #tpu.memory_space<hbm>>
      %dma_wait3A_137 = tpu.memref_squeeze %dma_wait3A_136 : memref<1x1x64xi32, #tpu.memory_space<hbm>> -> memref<64xi32, #tpu.memory_space<hbm>>
      %dma_wait3A_138 = arith.constant 64 : i32
      %dma_wait3A_139 = tpu.memref_slice %arg3[%select_n3A_56, %select_n3A_72, %dma_wait3A_138] : memref<4x8x128xi32, #tpu.memory_space<hbm>> -> memref<1x1x64xi32, #tpu.memory_space<hbm>>
      %dma_wait3A_140 = tpu.memref_squeeze %dma_wait3A_139 : memref<1x1x64xi32, #tpu.memory_space<hbm>> -> memref<64xi32, #tpu.memory_space<hbm>>
      tpu.wait_dma2 semaphore(%run_scoped3A : memref<!tpu.dma_semaphore, #tpu.memory_space<semaphore_mem>>) src(%dma_wait3A_140 : memref<64xi32, #tpu.memory_space<hbm>>) dst(%arg11 : memref<64xi32, #tpu.memory_space<vmem>>)
      tpu.yield
    }) : () -> ()
    "tpu.region"() ({
      %run_scoped3A = tpu.sem_alloc : memref<!tpu.dma_semaphore, #tpu.memory_space<semaphore_mem>>
      %dma_start3A_129 = tpu.memref_slice %arg4[%mul3A_2] : memref<4096xi32, #tpu.memory_space<hbm>> -> memref<64xi32, #tpu.memory_space<hbm>>
      %dma_start3A_130 = tpu.memref_slice %arg4[%mul3A_2] : memref<4096xi32, #tpu.memory_space<hbm>> -> memref<64xi32, #tpu.memory_space<hbm>>
      tpu.enqueue_dma source(%dma_start3A_130 : memref<64xi32, #tpu.memory_space<hbm>>) target(%arg12 : memref<64xi32, #tpu.memory_space<vmem>>) target_semaphore(%run_scoped3A : memref<!tpu.dma_semaphore, #tpu.memory_space<semaphore_mem>>)
      %dma_wait3A_131 = tpu.memref_slice %arg4[%mul3A_2] : memref<4096xi32, #tpu.memory_space<hbm>> -> memref<64xi32, #tpu.memory_space<hbm>>
      %dma_wait3A_132 = tpu.memref_slice %arg4[%mul3A_2] : memref<4096xi32, #tpu.memory_space<hbm>> -> memref<64xi32, #tpu.memory_space<hbm>>
      tpu.wait_dma2 semaphore(%run_scoped3A : memref<!tpu.dma_semaphore, #tpu.memory_space<semaphore_mem>>) src(%dma_wait3A_132 : memref<64xi32, #tpu.memory_space<hbm>>) dst(%arg12 : memref<64xi32, #tpu.memory_space<vmem>>)
      tpu.yield
    }) : () -> ()
    %add3A_73 = arith.constant 64 : i32
    %add3A_74 = arith.addi %mul3A_2, %add3A_73 : i32
    "tpu.region"() ({
      %run_scoped3A = tpu.sem_alloc : memref<!tpu.dma_semaphore, #tpu.memory_space<semaphore_mem>>
      %dma_start3A_129 = tpu.memref_slice %arg4[%add3A_74] : memref<4096xi32, #tpu.memory_space<hbm>> -> memref<64xi32, #tpu.memory_space<hbm>>
      %dma_start3A_130 = tpu.memref_slice %arg4[%add3A_74] : memref<4096xi32, #tpu.memory_space<hbm>> -> memref<64xi32, #tpu.memory_space<hbm>>
      tpu.enqueue_dma source(%dma_start3A_130 : memref<64xi32, #tpu.memory_space<hbm>>) target(%arg13 : memref<64xi32, #tpu.memory_space<vmem>>) target_semaphore(%run_scoped3A : memref<!tpu.dma_semaphore, #tpu.memory_space<semaphore_mem>>)
      %dma_wait3A_131 = tpu.memref_slice %arg4[%add3A_74] : memref<4096xi32, #tpu.memory_space<hbm>> -> memref<64xi32, #tpu.memory_space<hbm>>
      %dma_wait3A_132 = tpu.memref_slice %arg4[%add3A_74] : memref<4096xi32, #tpu.memory_space<hbm>> -> memref<64xi32, #tpu.memory_space<hbm>>
      tpu.wait_dma2 semaphore(%run_scoped3A : memref<!tpu.dma_semaphore, #tpu.memory_space<semaphore_mem>>) src(%dma_wait3A_132 : memref<64xi32, #tpu.memory_space<hbm>>) dst(%arg13 : memref<64xi32, #tpu.memory_space<vmem>>)
      tpu.yield
    }) : () -> ()
    %dma_start3A = arith.constant 0 : i32
    %dma_start3A_75 = arith.constant 0 : i32
    %dma_start3A_76 = tpu.memref_slice %arg2[%dma_start3A, %dma_start3A_75] : memref<4096x128xf32, #tpu.memory_space<hbm>> -> memref<4096x128xf32, #tpu.memory_space<hbm>>
    tpu.enqueue_indirect_dma source(%dma_start3A_76 : memref<4096x128xf32, #tpu.memory_space<hbm>>) target(%arg14 : memref<64x128xf32, #tpu.memory_space<vmem>>) offsets(%arg10 : memref<64xi32, #tpu.memory_space<vmem>>) semaphore(%arg17 : memref<!tpu.dma_semaphore, #tpu.memory_space<semaphore_mem>>)
    %dma_start3A_77 = arith.constant 0 : i32
    %dma_start3A_78 = arith.constant 0 : i32
    %dma_start3A_79 = tpu.memref_slice %arg2[%dma_start3A_77, %dma_start3A_78] : memref<4096x128xf32, #tpu.memory_space<hbm>> -> memref<4096x128xf32, #tpu.memory_space<hbm>>
    tpu.enqueue_indirect_dma source(%dma_start3A_79 : memref<4096x128xf32, #tpu.memory_space<hbm>>) target(%arg15 : memref<64x128xf32, #tpu.memory_space<vmem>>) offsets(%arg11 : memref<64xi32, #tpu.memory_space<vmem>>) semaphore(%arg18 : memref<!tpu.dma_semaphore, #tpu.memory_space<semaphore_mem>>)
    %dma_start3A_80 = arith.constant 0 : i32
    %dma_start3A_81 = tpu.memref_slice %arg16[%dma_start3A_80] : memref<128xf32, #tpu.memory_space<vmem>> -> memref<64xf32, #tpu.memory_space<vmem>>
    %dma_start3A_82 = arith.constant 0 : i32
    %dma_start3A_83 = tpu.memref_slice %arg5[%dma_start3A_82] : memref<4096xf32, #tpu.memory_space<hbm>> -> memref<4096xf32, #tpu.memory_space<hbm>>
    tpu.enqueue_indirect_dma source(%dma_start3A_83 : memref<4096xf32, #tpu.memory_space<hbm>>) target(%dma_start3A_81 : memref<64xf32, #tpu.memory_space<vmem>>) offsets(%arg10 : memref<64xi32, #tpu.memory_space<vmem>>) semaphore(%arg19 : memref<!tpu.dma_semaphore, #tpu.memory_space<semaphore_mem>>)
    %dma_wait3A = arith.constant 0 : i32
    %dma_wait3A_84 = arith.constant 0 : i32
    %dma_wait3A_85 = tpu.memref_slice %arg2[%dma_wait3A, %dma_wait3A_84] : memref<4096x128xf32, #tpu.memory_space<hbm>> -> memref<4096x128xf32, #tpu.memory_space<hbm>>
    tpu.wait_indirect_dma semaphore(%arg17 : memref<!tpu.dma_semaphore, #tpu.memory_space<semaphore_mem>>) src(%dma_wait3A_85 : memref<4096x128xf32, #tpu.memory_space<hbm>>) dst(%arg14 : memref<64x128xf32, #tpu.memory_space<vmem>>)
    %dma_start3A_86 = arith.constant 0 : i32
    %dma_start3A_87 = arith.constant 0 : i32
    %dma_start3A_88 = tpu.memref_slice %arg6[%dma_start3A_86, %dma_start3A_87] : memref<100000x128xf32, #tpu.memory_space<hbm>> -> memref<100000x128xf32, #tpu.memory_space<hbm>>
    tpu.enqueue_indirect_dma source(%arg14 : memref<64x128xf32, #tpu.memory_space<vmem>>) target(%dma_start3A_88 : memref<100000x128xf32, #tpu.memory_space<hbm>>) offsets(%arg12 : memref<64xi32, #tpu.memory_space<vmem>>) semaphore(%arg17 : memref<!tpu.dma_semaphore, #tpu.memory_space<semaphore_mem>>)
    %dma_wait3A_89 = arith.constant 0 : i32
    %dma_wait3A_90 = arith.constant 0 : i32
    %dma_wait3A_91 = tpu.memref_slice %arg2[%dma_wait3A_89, %dma_wait3A_90] : memref<4096x128xf32, #tpu.memory_space<hbm>> -> memref<4096x128xf32, #tpu.memory_space<hbm>>
    tpu.wait_indirect_dma semaphore(%arg18 : memref<!tpu.dma_semaphore, #tpu.memory_space<semaphore_mem>>) src(%dma_wait3A_91 : memref<4096x128xf32, #tpu.memory_space<hbm>>) dst(%arg15 : memref<64x128xf32, #tpu.memory_space<vmem>>)
    %dma_start3A_92 = arith.constant 0 : i32
    %dma_start3A_93 = arith.constant 0 : i32
    %dma_start3A_94 = tpu.memref_slice %arg6[%dma_start3A_92, %dma_start3A_93] : memref<100000x128xf32, #tpu.memory_space<hbm>> -> memref<100000x128xf32, #tpu.memory_space<hbm>>
    tpu.enqueue_indirect_dma source(%arg15 : memref<64x128xf32, #tpu.memory_space<vmem>>) target(%dma_start3A_94 : memref<100000x128xf32, #tpu.memory_space<hbm>>) offsets(%arg13 : memref<64xi32, #tpu.memory_space<vmem>>) semaphore(%arg18 : memref<!tpu.dma_semaphore, #tpu.memory_space<semaphore_mem>>)
    %dma_wait3A_95 = arith.constant 0 : i32
    %dma_wait3A_96 = tpu.memref_slice %arg16[%dma_wait3A_95] : memref<128xf32, #tpu.memory_space<vmem>> -> memref<64xf32, #tpu.memory_space<vmem>>
    %dma_wait3A_97 = arith.constant 0 : i32
    %dma_wait3A_98 = tpu.memref_slice %arg5[%dma_wait3A_97] : memref<4096xf32, #tpu.memory_space<hbm>> -> memref<4096xf32, #tpu.memory_space<hbm>>
    tpu.wait_indirect_dma semaphore(%arg19 : memref<!tpu.dma_semaphore, #tpu.memory_space<semaphore_mem>>) src(%dma_wait3A_98 : memref<4096xf32, #tpu.memory_space<hbm>>) dst(%dma_wait3A_96 : memref<64xf32, #tpu.memory_space<vmem>>)
    %dma_start3A_99 = arith.constant 64 : i32
    %dma_start3A_100 = tpu.memref_slice %arg16[%dma_start3A_99] : memref<128xf32, #tpu.memory_space<vmem>> -> memref<64xf32, #tpu.memory_space<vmem>>
    %dma_start3A_101 = arith.constant 0 : i32
    %dma_start3A_102 = tpu.memref_slice %arg5[%dma_start3A_101] : memref<4096xf32, #tpu.memory_space<hbm>> -> memref<4096xf32, #tpu.memory_space<hbm>>
    tpu.enqueue_indirect_dma source(%dma_start3A_102 : memref<4096xf32, #tpu.memory_space<hbm>>) target(%dma_start3A_100 : memref<64xf32, #tpu.memory_space<vmem>>) offsets(%arg11 : memref<64xi32, #tpu.memory_space<vmem>>) semaphore(%arg19 : memref<!tpu.dma_semaphore, #tpu.memory_space<semaphore_mem>>)
    %dma_wait3A_103 = arith.constant 64 : i32
    %dma_wait3A_104 = tpu.memref_slice %arg16[%dma_wait3A_103] : memref<128xf32, #tpu.memory_space<vmem>> -> memref<64xf32, #tpu.memory_space<vmem>>
    %dma_wait3A_105 = arith.constant 0 : i32
    %dma_wait3A_106 = tpu.memref_slice %arg5[%dma_wait3A_105] : memref<4096xf32, #tpu.memory_space<hbm>> -> memref<4096xf32, #tpu.memory_space<hbm>>
    tpu.wait_indirect_dma semaphore(%arg19 : memref<!tpu.dma_semaphore, #tpu.memory_space<semaphore_mem>>) src(%dma_wait3A_106 : memref<4096xf32, #tpu.memory_space<hbm>>) dst(%dma_wait3A_104 : memref<64xf32, #tpu.memory_space<vmem>>)
    %dma_start3A_107 = arith.constant 0 : i32
    %dma_start3A_108 = tpu.memref_slice %arg16[%dma_start3A_107] : memref<128xf32, #tpu.memory_space<vmem>> -> memref<64xf32, #tpu.memory_space<vmem>>
    %dma_start3A_109 = arith.constant 0 : i32
    %dma_start3A_110 = tpu.memref_slice %arg7[%dma_start3A_109] : memref<100000xf32, #tpu.memory_space<hbm>> -> memref<100000xf32, #tpu.memory_space<hbm>>
    tpu.enqueue_indirect_dma source(%dma_start3A_108 : memref<64xf32, #tpu.memory_space<vmem>>) target(%dma_start3A_110 : memref<100000xf32, #tpu.memory_space<hbm>>) offsets(%arg12 : memref<64xi32, #tpu.memory_space<vmem>>) semaphore(%arg19 : memref<!tpu.dma_semaphore, #tpu.memory_space<semaphore_mem>>)
    %dma_wait3A_111 = arith.constant 0 : i32
    %dma_wait3A_112 = tpu.memref_slice %arg16[%dma_wait3A_111] : memref<128xf32, #tpu.memory_space<vmem>> -> memref<64xf32, #tpu.memory_space<vmem>>
    %dma_wait3A_113 = arith.constant 0 : i32
    %dma_wait3A_114 = tpu.memref_slice %arg7[%dma_wait3A_113] : memref<100000xf32, #tpu.memory_space<hbm>> -> memref<100000xf32, #tpu.memory_space<hbm>>
    tpu.wait_indirect_dma semaphore(%arg19 : memref<!tpu.dma_semaphore, #tpu.memory_space<semaphore_mem>>) src(%dma_wait3A_112 : memref<64xf32, #tpu.memory_space<vmem>>) dst(%dma_wait3A_114 : memref<100000xf32, #tpu.memory_space<hbm>>)
    %dma_start3A_115 = arith.constant 64 : i32
    %dma_start3A_116 = tpu.memref_slice %arg16[%dma_start3A_115] : memref<128xf32, #tpu.memory_space<vmem>> -> memref<64xf32, #tpu.memory_space<vmem>>
    %dma_start3A_117 = arith.constant 0 : i32
    %dma_start3A_118 = tpu.memref_slice %arg7[%dma_start3A_117] : memref<100000xf32, #tpu.memory_space<hbm>> -> memref<100000xf32, #tpu.memory_space<hbm>>
    tpu.enqueue_indirect_dma source(%dma_start3A_116 : memref<64xf32, #tpu.memory_space<vmem>>) target(%dma_start3A_118 : memref<100000xf32, #tpu.memory_space<hbm>>) offsets(%arg13 : memref<64xi32, #tpu.memory_space<vmem>>) semaphore(%arg19 : memref<!tpu.dma_semaphore, #tpu.memory_space<semaphore_mem>>)
    %dma_wait3A_119 = arith.constant 0 : i32
    %dma_wait3A_120 = arith.constant 0 : i32
    %dma_wait3A_121 = tpu.memref_slice %arg6[%dma_wait3A_119, %dma_wait3A_120] : memref<100000x128xf32, #tpu.memory_space<hbm>> -> memref<100000x128xf32, #tpu.memory_space<hbm>>
    tpu.wait_indirect_dma semaphore(%arg17 : memref<!tpu.dma_semaphore, #tpu.memory_space<semaphore_mem>>) src(%arg14 : memref<64x128xf32, #tpu.memory_space<vmem>>) dst(%dma_wait3A_121 : memref<100000x128xf32, #tpu.memory_space<hbm>>)
    %dma_wait3A_122 = arith.constant 0 : i32
    %dma_wait3A_123 = arith.constant 0 : i32
    %dma_wait3A_124 = tpu.memref_slice %arg6[%dma_wait3A_122, %dma_wait3A_123] : memref<100000x128xf32, #tpu.memory_space<hbm>> -> memref<100000x128xf32, #tpu.memory_space<hbm>>
    tpu.wait_indirect_dma semaphore(%arg18 : memref<!tpu.dma_semaphore, #tpu.memory_space<semaphore_mem>>) src(%arg15 : memref<64x128xf32, #tpu.memory_space<vmem>>) dst(%dma_wait3A_124 : memref<100000x128xf32, #tpu.memory_space<hbm>>)
    %dma_wait3A_125 = arith.constant 64 : i32
    %dma_wait3A_126 = tpu.memref_slice %arg16[%dma_wait3A_125] : memref<128xf32, #tpu.memory_space<vmem>> -> memref<64xf32, #tpu.memory_space<vmem>>
    %dma_wait3A_127 = arith.constant 0 : i32
    %dma_wait3A_128 = tpu.memref_slice %arg7[%dma_wait3A_127] : memref<100000xf32, #tpu.memory_space<hbm>> -> memref<100000xf32, #tpu.memory_space<hbm>>
    tpu.wait_indirect_dma semaphore(%arg19 : memref<!tpu.dma_semaphore, #tpu.memory_space<semaphore_mem>>) src(%dma_wait3A_126 : memref<64xf32, #tpu.memory_space<vmem>>) dst(%dma_wait3A_128 : memref<100000xf32, #tpu.memory_space<hbm>>)
    return
  }
}

#map = affine_map<(d0, d1) -> (0, 0)>
#map1 = affine_map<(d0, d1) -> (0)>
module attributes {stable_mosaic.version = 14 : i64} {
  func.func @gk(%arg0: i32, %arg1: i32, %arg2: memref<100000x128xf32, #tpu.memory_space<hbm>>, %arg3: memref<4096xi32, #tpu.memory_space<hbm>>, %arg4: memref<4096x128xf32, #tpu.memory_space<hbm>>, %arg5: memref<128xi32, #tpu.memory_space<vmem>>, %arg6: memref<128x128xf32, #tpu.memory_space<vmem>>, %arg7: memref<!tpu.dma_semaphore, #tpu.memory_space<semaphore_mem>>) attributes {dimension_semantics = [#tpu.dimension_semantics<core_parallel>, #tpu.dimension_semantics<subcore_parallel>], iteration_bounds = array<i64: 2, 16>, scalar_prefetch = 0 : i64, scratch_operands = 3 : i64, tpu.core_type = #tpu.core_type<sc_vector_subcore>, window_params = [{transform_indices = #map}, {transform_indices = #map1}, {transform_indices = #map}]} {
    %mul3A = arith.constant 2 : i32
    %mul3A_0 = arith.muli %arg1, %mul3A : i32
    %add3A = arith.addi %mul3A_0, %arg0 : i32
    %mul3A_1 = arith.constant 128 : i32
    %mul3A_2 = arith.muli %add3A, %mul3A_1 : i32
    "tpu.region"() ({
      %run_scoped3A = tpu.sem_alloc : memref<!tpu.dma_semaphore, #tpu.memory_space<semaphore_mem>>
      %dma_start3A_7 = tpu.memref_slice %arg3[%mul3A_2] : memref<4096xi32, #tpu.memory_space<hbm>> -> memref<128xi32, #tpu.memory_space<hbm>>
      %dma_start3A_8 = tpu.memref_slice %arg3[%mul3A_2] : memref<4096xi32, #tpu.memory_space<hbm>> -> memref<128xi32, #tpu.memory_space<hbm>>
      tpu.enqueue_dma source(%dma_start3A_8 : memref<128xi32, #tpu.memory_space<hbm>>) target(%arg5 : memref<128xi32, #tpu.memory_space<vmem>>) target_semaphore(%run_scoped3A : memref<!tpu.dma_semaphore, #tpu.memory_space<semaphore_mem>>)
      %dma_wait3A_9 = tpu.memref_slice %arg3[%mul3A_2] : memref<4096xi32, #tpu.memory_space<hbm>> -> memref<128xi32, #tpu.memory_space<hbm>>
      %dma_wait3A_10 = tpu.memref_slice %arg3[%mul3A_2] : memref<4096xi32, #tpu.memory_space<hbm>> -> memref<128xi32, #tpu.memory_space<hbm>>
      tpu.wait_dma2 semaphore(%run_scoped3A : memref<!tpu.dma_semaphore, #tpu.memory_space<semaphore_mem>>) src(%dma_wait3A_10 : memref<128xi32, #tpu.memory_space<hbm>>) dst(%arg5 : memref<128xi32, #tpu.memory_space<vmem>>)
      tpu.yield
    }) : () -> ()
    %dma_start3A = arith.constant 0 : i32
    %dma_start3A_3 = arith.constant 0 : i32
    %dma_start3A_4 = tpu.memref_slice %arg2[%dma_start3A, %dma_start3A_3] : memref<100000x128xf32, #tpu.memory_space<hbm>> -> memref<100000x128xf32, #tpu.memory_space<hbm>>
    tpu.enqueue_indirect_dma source(%dma_start3A_4 : memref<100000x128xf32, #tpu.memory_space<hbm>>) target(%arg6 : memref<128x128xf32, #tpu.memory_space<vmem>>) offsets(%arg5 : memref<128xi32, #tpu.memory_space<vmem>>) semaphore(%arg7 : memref<!tpu.dma_semaphore, #tpu.memory_space<semaphore_mem>>)
    %dma_wait3A = arith.constant 0 : i32
    %dma_wait3A_5 = arith.constant 0 : i32
    %dma_wait3A_6 = tpu.memref_slice %arg2[%dma_wait3A, %dma_wait3A_5] : memref<100000x128xf32, #tpu.memory_space<hbm>> -> memref<100000x128xf32, #tpu.memory_space<hbm>>
    tpu.wait_indirect_dma semaphore(%arg7 : memref<!tpu.dma_semaphore, #tpu.memory_space<semaphore_mem>>) src(%dma_wait3A_6 : memref<100000x128xf32, #tpu.memory_space<hbm>>) dst(%arg6 : memref<128x128xf32, #tpu.memory_space<vmem>>)
    "tpu.region"() ({
      %run_scoped3A = tpu.sem_alloc : memref<!tpu.dma_semaphore, #tpu.memory_space<semaphore_mem>>
      %dma_start3A_7 = arith.constant 0 : i32
      %dma_start3A_8 = tpu.memref_slice %arg4[%mul3A_2, %dma_start3A_7] : memref<4096x128xf32, #tpu.memory_space<hbm>> -> memref<128x128xf32, #tpu.memory_space<hbm>>
      %dma_start3A_9 = arith.constant 0 : i32
      %dma_start3A_10 = tpu.memref_slice %arg4[%mul3A_2, %dma_start3A_9] : memref<4096x128xf32, #tpu.memory_space<hbm>> -> memref<128x128xf32, #tpu.memory_space<hbm>>
      tpu.enqueue_dma source(%arg6 : memref<128x128xf32, #tpu.memory_space<vmem>>) target(%dma_start3A_10 : memref<128x128xf32, #tpu.memory_space<hbm>>) target_semaphore(%run_scoped3A : memref<!tpu.dma_semaphore, #tpu.memory_space<semaphore_mem>>)
      %dma_wait3A_11 = arith.constant 0 : i32
      %dma_wait3A_12 = tpu.memref_slice %arg4[%mul3A_2, %dma_wait3A_11] : memref<4096x128xf32, #tpu.memory_space<hbm>> -> memref<128x128xf32, #tpu.memory_space<hbm>>
      %dma_wait3A_13 = arith.constant 0 : i32
      %dma_wait3A_14 = tpu.memref_slice %arg4[%mul3A_2, %dma_wait3A_13] : memref<4096x128xf32, #tpu.memory_space<hbm>> -> memref<128x128xf32, #tpu.memory_space<hbm>>
      tpu.wait_dma2 semaphore(%run_scoped3A : memref<!tpu.dma_semaphore, #tpu.memory_space<semaphore_mem>>) src(%arg6 : memref<128x128xf32, #tpu.memory_space<vmem>>) dst(%dma_wait3A_14 : memref<128x128xf32, #tpu.memory_space<hbm>>)
      tpu.yield
    }) : () -> ()
    return
  }
}

module attributes {stable_mosaic.version = 14 : i64} {
  func.func @_comp_body(%arg0: i32, %arg1: memref<1024x256xf32, #tpu.memory_space<vmem>>, %arg2: memref<1024x128xf32, #tpu.memory_space<vmem>>, %arg3: memref<384x256xf32, #tpu.memory_space<vmem>>, %arg4: memref<384x128xf32, #tpu.memory_space<vmem>>, %arg5: memref<1x384xf32, #tpu.memory_space<vmem>>, %arg6: memref<1x384xf32, #tpu.memory_space<vmem>>, %arg7: memref<1x8x128xi32, #tpu.memory_space<vmem>>, %arg8: memref<4096x1xi32, #tpu.memory_space<vmem>>, %arg9: memref<100000x128xf32, #tpu.memory_space<hbm>>, %arg10: memref<100000xf32, #tpu.memory_space<hbm>>, %arg11: memref<1024x128xf32, #tpu.memory_space<vmem>>, %arg12: memref<1x8x128xi32, #tpu.memory_space<vmem>>, %arg13: memref<100000x128xf32, #tpu.memory_space<hbm>>, %arg14: memref<100000xf32, #tpu.memory_space<hbm>>, %arg15: memref<4096x128xi32, #tpu.memory_space<vmem>>, %arg16: memref<4000x128xf32, #tpu.memory_space<vmem>>, %arg17: memref<4000x128xf32, #tpu.memory_space<vmem>>, %arg18: memref<4000x128xf32, #tpu.memory_space<vmem>>, %arg19: memref<4000x128xf32, #tpu.memory_space<vmem>>, %arg20: memref<4000x128xf32, #tpu.memory_space<vmem>>, %arg21: memref<4000x128xf32, #tpu.memory_space<vmem>>, %arg22: memref<4000x128xf32, #tpu.memory_space<vmem>>, %arg23: memref<100000xf32, #tpu.memory_space<vmem>>, %arg24: memref<!tpu.dma_semaphore, #tpu.memory_space<semaphore_mem>>, %arg25: memref<!tpu.dma_semaphore, #tpu.memory_space<semaphore_mem>>, %arg26: memref<!tpu.dma_semaphore, #tpu.memory_space<semaphore_mem>>, %arg27: memref<!tpu.dma_semaphore, #tpu.memory_space<semaphore_mem>>, %arg28: memref<!tpu.dma_semaphore, #tpu.memory_space<semaphore_mem>>, %arg29: memref<!tpu.dma_semaphore, #tpu.memory_space<semaphore_mem>>, %arg30: memref<!tpu.dma_semaphore, #tpu.memory_space<semaphore_mem>>, %arg31: memref<!tpu.dma_semaphore, #tpu.memory_space<semaphore_mem>>, %arg32: memref<!tpu.dma_semaphore, #tpu.memory_space<semaphore_mem>>, %arg33: memref<!tpu.dma_semaphore, #tpu.memory_space<semaphore_mem>>, %arg34: memref<!tpu.dma_semaphore, #tpu.memory_space<semaphore_mem>>, %arg35: memref<!tpu.dma_semaphore, #tpu.memory_space<semaphore_mem>>, %arg36: memref<!tpu.dma_semaphore, #tpu.memory_space<semaphore_mem>>, %arg37: memref<!tpu.dma_semaphore, #tpu.memory_space<semaphore_mem>>, %arg38: memref<!tpu.dma_semaphore, #tpu.memory_space<semaphore_mem>>, %arg39: memref<!tpu.dma_semaphore, #tpu.memory_space<semaphore_mem>>) attributes {dimension_semantics = [#tpu.dimension_semantics<arbitrary>], iteration_bounds = array<i64: 4>, scalar_prefetch = 0 : i64, scratch_operands = 25 : i64, tpu.core_type = #tpu.core_type<tc>, window_params = [{transform_indices = @transform_0, window_bounds = array<i64: 1024, 256>}, {transform_indices = @transform_1, window_bounds = array<i64: 1024, 128>}, {pipeline_mode = #tpu.pipeline_mode<synchronous>, transform_indices = @transform_2, window_bounds = array<i64: 384, 256>}, {pipeline_mode = #tpu.pipeline_mode<synchronous>, transform_indices = @transform_3, window_bounds = array<i64: 384, 128>}, {pipeline_mode = #tpu.pipeline_mode<synchronous>, transform_indices = @transform_4, window_bounds = array<i64: 1, 384>}, {pipeline_mode = #tpu.pipeline_mode<synchronous>, transform_indices = @transform_5, window_bounds = array<i64: 1, 384>}, {transform_indices = @transform_6, window_bounds = array<i64: 1, 8, 128>}, {pipeline_mode = #tpu.pipeline_mode<synchronous>, transform_indices = @transform_7, window_bounds = array<i64: 4096, 1>}, {}, {}, {transform_indices = @transform_10, window_bounds = array<i64: 1024, 128>}, {transform_indices = @transform_11, window_bounds = array<i64: 1, 8, 128>}, {}, {}]} {
    %gt3A = arith.constant 0 : i32
    %gt3A_0 = arith.cmpi sgt, %arg0, %gt3A : i32
    %convert_element_type3A = arith.extui %gt3A_0 : i1 to i32
    %cond3A = arith.constant 0 : i32
    %cond3A_1 = arith.cmpi ne, %convert_element_type3A, %cond3A : i32
    scf.if %cond3A_1 {
      %multiple_of3A_243 = arith.constant 0 : i32
      %multiple_of3A_244 = tpu.assume_multiple %multiple_of3A_243, 4000 : i32
      %dma_wait3A_245 = arith.constant 0 : i32
      %dma_wait3A_246 = tpu.memref_slice %arg13[%multiple_of3A_244, %dma_wait3A_245] : memref<100000x128xf32, #tpu.memory_space<hbm>> -> memref<4000x128xf32, #tpu.memory_space<hbm>>
      tpu.wait_dma2 semaphore(%arg31 : memref<!tpu.dma_semaphore, #tpu.memory_space<semaphore_mem>>) src(%arg16 : memref<4000x128xf32, #tpu.memory_space<vmem>>) dst(%dma_wait3A_246 : memref<4000x128xf32, #tpu.memory_space<hbm>>)
    } else {
    }
    %mul3A = arith.constant 6 : i32
    %mul3A_2 = arith.muli %arg0, %mul3A : i32
    %add3A = arith.constant 0 : i32
    %add3A_3 = arith.addi %mul3A_2, %add3A : i32
    %mul3A_4 = arith.constant 4000 : i32
    %mul3A_5 = arith.muli %add3A_3, %mul3A_4 : i32
    %multiple_of3A = tpu.assume_multiple %mul3A_5, 4000 : i32
    %dma_start3A = arith.constant 0 : i32
    %dma_start3A_6 = tpu.memref_slice %arg9[%multiple_of3A, %dma_start3A] : memref<100000x128xf32, #tpu.memory_space<hbm>> -> memref<4000x128xf32, #tpu.memory_space<hbm>>
    tpu.enqueue_dma source(%dma_start3A_6 : memref<4000x128xf32, #tpu.memory_space<hbm>>) target(%arg16 : memref<4000x128xf32, #tpu.memory_space<vmem>>) target_semaphore(%arg24 : memref<!tpu.dma_semaphore, #tpu.memory_space<semaphore_mem>>)
    %gt3A_7 = arith.constant 0 : i32
    %gt3A_8 = arith.cmpi sgt, %arg0, %gt3A_7 : i32
    %convert_element_type3A_9 = arith.extui %gt3A_8 : i1 to i32
    %cond3A_10 = arith.constant 0 : i32
    %cond3A_11 = arith.cmpi ne, %convert_element_type3A_9, %cond3A_10 : i32
    scf.if %cond3A_11 {
      %multiple_of3A_243 = arith.constant 0 : i32
      %multiple_of3A_244 = tpu.assume_multiple %multiple_of3A_243, 4000 : i32
      %dma_wait3A_245 = arith.constant 0 : i32
      %dma_wait3A_246 = tpu.memref_slice %arg13[%multiple_of3A_244, %dma_wait3A_245] : memref<100000x128xf32, #tpu.memory_space<hbm>> -> memref<4000x128xf32, #tpu.memory_space<hbm>>
      tpu.wait_dma2 semaphore(%arg32 : memref<!tpu.dma_semaphore, #tpu.memory_space<semaphore_mem>>) src(%arg17 : memref<4000x128xf32, #tpu.memory_space<vmem>>) dst(%dma_wait3A_246 : memref<4000x128xf32, #tpu.memory_space<hbm>>)
    } else {
    }
    %mul3A_12 = arith.constant 6 : i32
    %mul3A_13 = arith.muli %arg0, %mul3A_12 : i32
    %add3A_14 = arith.constant 1 : i32
    %add3A_15 = arith.addi %mul3A_13, %add3A_14 : i32
    %mul3A_16 = arith.constant 4000 : i32
    %mul3A_17 = arith.muli %add3A_15, %mul3A_16 : i32
    %multiple_of3A_18 = tpu.assume_multiple %mul3A_17, 4000 : i32
    %dma_start3A_19 = arith.constant 0 : i32
    %dma_start3A_20 = tpu.memref_slice %arg9[%multiple_of3A_18, %dma_start3A_19] : memref<100000x128xf32, #tpu.memory_space<hbm>> -> memref<4000x128xf32, #tpu.memory_space<hbm>>
    tpu.enqueue_dma source(%dma_start3A_20 : memref<4000x128xf32, #tpu.memory_space<hbm>>) target(%arg17 : memref<4000x128xf32, #tpu.memory_space<vmem>>) target_semaphore(%arg25 : memref<!tpu.dma_semaphore, #tpu.memory_space<semaphore_mem>>)
    %gt3A_21 = arith.constant 0 : i32
    %gt3A_22 = arith.cmpi sgt, %arg0, %gt3A_21 : i32
    %convert_element_type3A_23 = arith.extui %gt3A_22 : i1 to i32
    %cond3A_24 = arith.constant 0 : i32
    %cond3A_25 = arith.cmpi ne, %convert_element_type3A_23, %cond3A_24 : i32
    scf.if %cond3A_25 {
      %multiple_of3A_243 = arith.constant 0 : i32
      %multiple_of3A_244 = tpu.assume_multiple %multiple_of3A_243, 4000 : i32
      %dma_wait3A_245 = arith.constant 0 : i32
      %dma_wait3A_246 = tpu.memref_slice %arg13[%multiple_of3A_244, %dma_wait3A_245] : memref<100000x128xf32, #tpu.memory_space<hbm>> -> memref<4000x128xf32, #tpu.memory_space<hbm>>
      tpu.wait_dma2 semaphore(%arg33 : memref<!tpu.dma_semaphore, #tpu.memory_space<semaphore_mem>>) src(%arg18 : memref<4000x128xf32, #tpu.memory_space<vmem>>) dst(%dma_wait3A_246 : memref<4000x128xf32, #tpu.memory_space<hbm>>)
    } else {
    }
    %mul3A_26 = arith.constant 6 : i32
    %mul3A_27 = arith.muli %arg0, %mul3A_26 : i32
    %add3A_28 = arith.constant 2 : i32
    %add3A_29 = arith.addi %mul3A_27, %add3A_28 : i32
    %mul3A_30 = arith.constant 4000 : i32
    %mul3A_31 = arith.muli %add3A_29, %mul3A_30 : i32
    %multiple_of3A_32 = tpu.assume_multiple %mul3A_31, 4000 : i32
    %dma_start3A_33 = arith.constant 0 : i32
    %dma_start3A_34 = tpu.memref_slice %arg9[%multiple_of3A_32, %dma_start3A_33] : memref<100000x128xf32, #tpu.memory_space<hbm>> -> memref<4000x128xf32, #tpu.memory_space<hbm>>
    tpu.enqueue_dma source(%dma_start3A_34 : memref<4000x128xf32, #tpu.memory_space<hbm>>) target(%arg18 : memref<4000x128xf32, #tpu.memory_space<vmem>>) target_semaphore(%arg26 : memref<!tpu.dma_semaphore, #tpu.memory_space<semaphore_mem>>)
    %gt3A_35 = arith.constant 0 : i32
    %gt3A_36 = arith.cmpi sgt, %arg0, %gt3A_35 : i32
    %convert_element_type3A_37 = arith.extui %gt3A_36 : i1 to i32
    %cond3A_38 = arith.constant 0 : i32
    %cond3A_39 = arith.cmpi ne, %convert_element_type3A_37, %cond3A_38 : i32
    scf.if %cond3A_39 {
      %multiple_of3A_243 = arith.constant 0 : i32
      %multiple_of3A_244 = tpu.assume_multiple %multiple_of3A_243, 4000 : i32
      %dma_wait3A_245 = arith.constant 0 : i32
      %dma_wait3A_246 = tpu.memref_slice %arg13[%multiple_of3A_244, %dma_wait3A_245] : memref<100000x128xf32, #tpu.memory_space<hbm>> -> memref<4000x128xf32, #tpu.memory_space<hbm>>
      tpu.wait_dma2 semaphore(%arg34 : memref<!tpu.dma_semaphore, #tpu.memory_space<semaphore_mem>>) src(%arg19 : memref<4000x128xf32, #tpu.memory_space<vmem>>) dst(%dma_wait3A_246 : memref<4000x128xf32, #tpu.memory_space<hbm>>)
    } else {
    }
    %mul3A_40 = arith.constant 6 : i32
    %mul3A_41 = arith.muli %arg0, %mul3A_40 : i32
    %add3A_42 = arith.constant 3 : i32
    %add3A_43 = arith.addi %mul3A_41, %add3A_42 : i32
    %mul3A_44 = arith.constant 4000 : i32
    %mul3A_45 = arith.muli %add3A_43, %mul3A_44 : i32
    %multiple_of3A_46 = tpu.assume_multiple %mul3A_45, 4000 : i32
    %dma_start3A_47 = arith.constant 0 : i32
    %dma_start3A_48 = tpu.memref_slice %arg9[%multiple_of3A_46, %dma_start3A_47] : memref<100000x128xf32, #tpu.memory_space<hbm>> -> memref<4000x128xf32, #tpu.memory_space<hbm>>
    tpu.enqueue_dma source(%dma_start3A_48 : memref<4000x128xf32, #tpu.memory_space<hbm>>) target(%arg19 : memref<4000x128xf32, #tpu.memory_space<vmem>>) target_semaphore(%arg27 : memref<!tpu.dma_semaphore, #tpu.memory_space<semaphore_mem>>)
    %gt3A_49 = arith.constant 0 : i32
    %gt3A_50 = arith.cmpi sgt, %arg0, %gt3A_49 : i32
    %convert_element_type3A_51 = arith.extui %gt3A_50 : i1 to i32
    %cond3A_52 = arith.constant 0 : i32
    %cond3A_53 = arith.cmpi ne, %convert_element_type3A_51, %cond3A_52 : i32
    scf.if %cond3A_53 {
      %multiple_of3A_243 = arith.constant 0 : i32
      %multiple_of3A_244 = tpu.assume_multiple %multiple_of3A_243, 4000 : i32
      %dma_wait3A_245 = arith.constant 0 : i32
      %dma_wait3A_246 = tpu.memref_slice %arg13[%multiple_of3A_244, %dma_wait3A_245] : memref<100000x128xf32, #tpu.memory_space<hbm>> -> memref<4000x128xf32, #tpu.memory_space<hbm>>
      tpu.wait_dma2 semaphore(%arg35 : memref<!tpu.dma_semaphore, #tpu.memory_space<semaphore_mem>>) src(%arg20 : memref<4000x128xf32, #tpu.memory_space<vmem>>) dst(%dma_wait3A_246 : memref<4000x128xf32, #tpu.memory_space<hbm>>)
    } else {
    }
    %mul3A_54 = arith.constant 6 : i32
    %mul3A_55 = arith.muli %arg0, %mul3A_54 : i32
    %add3A_56 = arith.constant 4 : i32
    %add3A_57 = arith.addi %mul3A_55, %add3A_56 : i32
    %mul3A_58 = arith.constant 4000 : i32
    %mul3A_59 = arith.muli %add3A_57, %mul3A_58 : i32
    %multiple_of3A_60 = tpu.assume_multiple %mul3A_59, 4000 : i32
    %dma_start3A_61 = arith.constant 0 : i32
    %dma_start3A_62 = tpu.memref_slice %arg9[%multiple_of3A_60, %dma_start3A_61] : memref<100000x128xf32, #tpu.memory_space<hbm>> -> memref<4000x128xf32, #tpu.memory_space<hbm>>
    tpu.enqueue_dma source(%dma_start3A_62 : memref<4000x128xf32, #tpu.memory_space<hbm>>) target(%arg20 : memref<4000x128xf32, #tpu.memory_space<vmem>>) target_semaphore(%arg28 : memref<!tpu.dma_semaphore, #tpu.memory_space<semaphore_mem>>)
    %gt3A_63 = arith.constant 0 : i32
    %gt3A_64 = arith.cmpi sgt, %arg0, %gt3A_63 : i32
    %convert_element_type3A_65 = arith.extui %gt3A_64 : i1 to i32
    %cond3A_66 = arith.constant 0 : i32
    %cond3A_67 = arith.cmpi ne, %convert_element_type3A_65, %cond3A_66 : i32
    scf.if %cond3A_67 {
      %multiple_of3A_243 = arith.constant 0 : i32
      %multiple_of3A_244 = tpu.assume_multiple %multiple_of3A_243, 4000 : i32
      %dma_wait3A_245 = arith.constant 0 : i32
      %dma_wait3A_246 = tpu.memref_slice %arg13[%multiple_of3A_244, %dma_wait3A_245] : memref<100000x128xf32, #tpu.memory_space<hbm>> -> memref<4000x128xf32, #tpu.memory_space<hbm>>
      tpu.wait_dma2 semaphore(%arg36 : memref<!tpu.dma_semaphore, #tpu.memory_space<semaphore_mem>>) src(%arg21 : memref<4000x128xf32, #tpu.memory_space<vmem>>) dst(%dma_wait3A_246 : memref<4000x128xf32, #tpu.memory_space<hbm>>)
    } else {
    }
    %mul3A_68 = arith.constant 6 : i32
    %mul3A_69 = arith.muli %arg0, %mul3A_68 : i32
    %add3A_70 = arith.constant 5 : i32
    %add3A_71 = arith.addi %mul3A_69, %add3A_70 : i32
    %mul3A_72 = arith.constant 4000 : i32
    %mul3A_73 = arith.muli %add3A_71, %mul3A_72 : i32
    %multiple_of3A_74 = tpu.assume_multiple %mul3A_73, 4000 : i32
    %dma_start3A_75 = arith.constant 0 : i32
    %dma_start3A_76 = tpu.memref_slice %arg9[%multiple_of3A_74, %dma_start3A_75] : memref<100000x128xf32, #tpu.memory_space<hbm>> -> memref<4000x128xf32, #tpu.memory_space<hbm>>
    tpu.enqueue_dma source(%dma_start3A_76 : memref<4000x128xf32, #tpu.memory_space<hbm>>) target(%arg21 : memref<4000x128xf32, #tpu.memory_space<vmem>>) target_semaphore(%arg29 : memref<!tpu.dma_semaphore, #tpu.memory_space<semaphore_mem>>)
    %eq3A = arith.constant 3 : i32
    %eq3A_77 = arith.cmpi eq, %arg0, %eq3A : i32
    %convert_element_type3A_78 = arith.extui %eq3A_77 : i1 to i32
    %cond3A_79 = arith.constant 0 : i32
    %cond3A_80 = arith.cmpi ne, %convert_element_type3A_78, %cond3A_79 : i32
    scf.if %cond3A_80 {
      %multiple_of3A_243 = arith.constant 96000 : i32
      %multiple_of3A_244 = tpu.assume_multiple %multiple_of3A_243, 4000 : i32
      %dma_start3A_245 = arith.constant 0 : i32
      %dma_start3A_246 = tpu.memref_slice %arg9[%multiple_of3A_244, %dma_start3A_245] : memref<100000x128xf32, #tpu.memory_space<hbm>> -> memref<4000x128xf32, #tpu.memory_space<hbm>>
      tpu.enqueue_dma source(%dma_start3A_246 : memref<4000x128xf32, #tpu.memory_space<hbm>>) target(%arg22 : memref<4000x128xf32, #tpu.memory_space<vmem>>) target_semaphore(%arg30 : memref<!tpu.dma_semaphore, #tpu.memory_space<semaphore_mem>>)
    } else {
    }
    %eq3A_81 = arith.constant 0 : i32
    %eq3A_82 = arith.cmpi eq, %arg0, %eq3A_81 : i32
    %convert_element_type3A_83 = arith.extui %eq3A_82 : i1 to i32
    %cond3A_84 = arith.constant 0 : i32
    %cond3A_85 = arith.cmpi ne, %convert_element_type3A_83, %cond3A_84 : i32
    scf.if %cond3A_85 {
      tpu.enqueue_dma source(%arg10 : memref<100000xf32, #tpu.memory_space<hbm>>) target(%arg23 : memref<100000xf32, #tpu.memory_space<vmem>>) target_semaphore(%arg38 : memref<!tpu.dma_semaphore, #tpu.memory_space<semaphore_mem>>)
      %get3A_243 = arith.constant 0 : index
      %get3A_244 = arith.constant 0 : index
      %get3A_245 = vector.load %arg8[%get3A_243, %get3A_244] : memref<4096x1xi32, #tpu.memory_space<vmem>>, vector<4096x1xi32>
      %broadcast_in_dim3A = vector.shape_cast %get3A_245 : vector<4096x1xi32> to vector<4096x1xi32>
      %broadcast_in_dim3A_246 = vector.broadcast %broadcast_in_dim3A : vector<4096x1xi32> to vector<4096x128xi32>
      %swap3A_247 = arith.constant 0 : index
      %swap3A_248 = arith.constant 0 : index
      %swap3A_249 = vector.load %arg15[%swap3A_247, %swap3A_248] : memref<4096x128xi32, #tpu.memory_space<vmem>>, vector<4096x128xi32>
      tpu.vector_store %arg15[%swap3A_247, %swap3A_248], %broadcast_in_dim3A_246 {strides = array<i32>} : memref<4096x128xi32, #tpu.memory_space<vmem>>, vector<4096x128xi32>,
    } else {
    }
    %get3A = arith.constant 0 : index
    %get3A_86 = arith.constant 0 : index
    %get3A_87 = vector.load %arg1[%get3A, %get3A_86] : memref<1024x256xf32, #tpu.memory_space<vmem>>, vector<1024x256xf32>
    %convert_element_type3A_88 = arith.truncf %get3A_87 : vector<1024x256xf32> to vector<1024x256xbf16>
    %get3A_89 = arith.constant 0 : index
    %get3A_90 = arith.constant 0 : index
    %get3A_91 = vector.load %arg2[%get3A_89, %get3A_90] : memref<1024x128xf32, #tpu.memory_space<vmem>>, vector<1024x128xf32>
    %convert_element_type3A_92 = arith.truncf %get3A_91 : vector<1024x128xf32> to vector<1024x128xbf16>
    %get3A_93 = arith.constant 0 : index
    %get3A_94 = arith.constant 0 : index
    %get3A_95 = vector.load %arg3[%get3A_93, %get3A_94] : memref<384x256xf32, #tpu.memory_space<vmem>>, vector<384x256xf32>
    %convert_element_type3A_96 = arith.truncf %get3A_95 : vector<384x256xf32> to vector<384x256xbf16>
    %get3A_97 = arith.constant 0 : index
    %get3A_98 = arith.constant 0 : index
    %get3A_99 = vector.load %arg4[%get3A_97, %get3A_98] : memref<384x128xf32, #tpu.memory_space<vmem>>, vector<384x128xf32>
    %convert_element_type3A_100 = arith.truncf %get3A_99 : vector<384x128xf32> to vector<384x128xbf16>
    %dot_general3A = arith.constant dense<0.000000e+00> : vector<1024x384xf32>
    %dot_general3A_101 = tpu.matmul %convert_element_type3A_88, %convert_element_type3A_96, %dot_general3A {dimension_numbers = #tpu.dot_dimension_numbers<[1], [1], [0], [0], [0, 0, 1, 0], [], []>, transpose_lhs_hint = false} : vector<1024x256xbf16>, vector<384x256xbf16>, vector<1024x384xf32> -> vector<1024x384xf32>
    %get3A_102 = arith.constant 0 : index
    %get3A_103 = arith.constant 0 : index
    %get3A_104 = vector.load %arg5[%get3A_102, %get3A_103] : memref<1x384xf32, #tpu.memory_space<vmem>>, vector<1x384xf32>
    %add3A_105 = vector.broadcast %get3A_104 : vector<1x384xf32> to vector<1024x384xf32>
    %add3A_106 = arith.addf %dot_general3A_101, %add3A_105 : vector<1024x384xf32>
    %dot_general3A_107 = arith.constant dense<0.000000e+00> : vector<1024x384xf32>
    %dot_general3A_108 = tpu.matmul %convert_element_type3A_92, %convert_element_type3A_100, %dot_general3A_107 {dimension_numbers = #tpu.dot_dimension_numbers<[1], [1], [0], [0], [0, 0, 1, 0], [], []>, transpose_lhs_hint = false} : vector<1024x128xbf16>, vector<384x128xbf16>, vector<1024x384xf32> -> vector<1024x384xf32>
    %get3A_109 = arith.constant 0 : index
    %get3A_110 = arith.constant 0 : index
    %get3A_111 = vector.load %arg6[%get3A_109, %get3A_110] : memref<1x384xf32, #tpu.memory_space<vmem>>, vector<1x384xf32>
    %add3A_112 = vector.broadcast %get3A_111 : vector<1x384xf32> to vector<1024x384xf32>
    %add3A_113 = arith.addf %dot_general3A_108, %add3A_112 : vector<1024x384xf32>
    %slice3A = vector.extract_strided_slice %add3A_106 {offsets = [0, 0], sizes = [1024, 128], strides = [1, 1]} : vector<1024x384xf32> to vector<1024x128xf32>
    %slice3A_114 = vector.extract_strided_slice %add3A_106 {offsets = [0, 128], sizes = [1024, 128], strides = [1, 1]} : vector<1024x384xf32> to vector<1024x128xf32>
    %slice3A_115 = vector.extract_strided_slice %add3A_106 {offsets = [0, 256], sizes = [1024, 128], strides = [1, 1]} : vector<1024x384xf32> to vector<1024x128xf32>
    %slice3A_116 = vector.extract_strided_slice %add3A_113 {offsets = [0, 0], sizes = [1024, 128], strides = [1, 1]} : vector<1024x384xf32> to vector<1024x128xf32>
    %slice3A_117 = vector.extract_strided_slice %add3A_113 {offsets = [0, 128], sizes = [1024, 128], strides = [1, 1]} : vector<1024x384xf32> to vector<1024x128xf32>
    %slice3A_118 = vector.extract_strided_slice %add3A_113 {offsets = [0, 256], sizes = [1024, 128], strides = [1, 1]} : vector<1024x384xf32> to vector<1024x128xf32>
    %add3A_119 = arith.addf %slice3A, %slice3A_116 : vector<1024x128xf32>
    %logistic3A = arith.negf %add3A_119 : vector<1024x128xf32>
    %logistic3A_120 = math.exp %logistic3A : vector<1024x128xf32>
    %logistic3A_121 = arith.constant 1.000000e+00 : f32
    %logistic3A_122 = vector.broadcast %logistic3A_121 : f32 to vector<1024x128xf32>
    %logistic3A_123 = arith.addf %logistic3A_122, %logistic3A_120 : vector<1024x128xf32>
    %logistic3A_124 = arith.divf %logistic3A_122, %logistic3A_123 : vector<1024x128xf32>
    %add3A_125 = arith.addf %slice3A_114, %slice3A_117 : vector<1024x128xf32>
    %logistic3A_126 = arith.negf %add3A_125 : vector<1024x128xf32>
    %logistic3A_127 = math.exp %logistic3A_126 : vector<1024x128xf32>
    %logistic3A_128 = arith.constant 1.000000e+00 : f32
    %logistic3A_129 = vector.broadcast %logistic3A_128 : f32 to vector<1024x128xf32>
    %logistic3A_130 = arith.addf %logistic3A_129, %logistic3A_127 : vector<1024x128xf32>
    %logistic3A_131 = arith.divf %logistic3A_129, %logistic3A_130 : vector<1024x128xf32>
    %mul3A_132 = arith.mulf %logistic3A_124, %slice3A_118 : vector<1024x128xf32>
    %add3A_133 = arith.addf %slice3A_115, %mul3A_132 : vector<1024x128xf32>
    %tanh3A = math.tanh %add3A_133 : vector<1024x128xf32>
    %sub3A = arith.subf %get3A_91, %tanh3A : vector<1024x128xf32>
    %mul3A_134 = arith.mulf %logistic3A_131, %sub3A : vector<1024x128xf32>
    %add3A_135 = arith.addf %tanh3A, %mul3A_134 : vector<1024x128xf32>
    %swap3A = arith.constant 0 : index
    %swap3A_136 = arith.constant 0 : index
    %swap3A_137 = vector.load %arg11[%swap3A, %swap3A_136] : memref<1024x128xf32, #tpu.memory_space<vmem>>, vector<1024x128xf32>
    tpu.vector_store %arg11[%swap3A, %swap3A_136], %add3A_135 {strides = array<i32>} : memref<1024x128xf32, #tpu.memory_space<vmem>>, vector<1024x128xf32>,
    %get3A_138 = arith.constant 0 : index
    %get3A_139 = arith.constant 0 : index
    %get3A_140 = arith.constant 0 : index
    %get3A_141 = vector.load %arg7[%get3A_138, %get3A_139, %get3A_140] : memref<1x8x128xi32, #tpu.memory_space<vmem>>, vector<1x8x128xi32>
    %get3A_142 = vector.shape_cast %get3A_141 : vector<1x8x128xi32> to vector<8x128xi32>
    %clamp3A = arith.constant 0 : i32
    %clamp3A_143 = arith.constant 3 : i32
    %clamp3A_144 = arith.maxsi %arg0, %clamp3A : i32
    %clamp3A_145 = arith.minsi %clamp3A_144, %clamp3A_143 : i32
    %cond3A_146 = arith.constant 0 : i32
    %cond3A_147 = arith.cmpi ne, %clamp3A_145, %cond3A_146 : i32
    %cond3A_148 = scf.if %cond3A_147 -> (vector<8x128xi32>) {
      %cond3A_243 = arith.constant 1 : i32
      %cond3A_244 = arith.subi %clamp3A_145, %cond3A_243 : i32
      %cond3A_245 = arith.constant 0 : i32
      %cond3A_246 = arith.cmpi ne, %cond3A_244, %cond3A_245 : i32
      %cond3A_247 = scf.if %cond3A_246 -> (vector<8x128xi32>) {
        %cond3A_248 = arith.constant 1 : i32
        %cond3A_249 = arith.subi %cond3A_244, %cond3A_248 : i32
        %cond3A_250 = arith.constant 0 : i32
        %cond3A_251 = arith.cmpi ne, %cond3A_249, %cond3A_250 : i32
        %cond3A_252 = scf.if %cond3A_251 -> (vector<8x128xi32>) {
          %broadcast_in_dim3A = arith.constant -1 : i32
          %broadcast_in_dim3A_253 = vector.broadcast %broadcast_in_dim3A : i32 to vector<1x128xi32>
          %broadcast_in_dim3A_254 = arith.constant -1 : i32
          %broadcast_in_dim3A_255 = vector.broadcast %broadcast_in_dim3A_254 : i32 to vector<1x128xi32>
          %broadcast_in_dim3A_256 = arith.constant -1 : i32
          %broadcast_in_dim3A_257 = vector.broadcast %broadcast_in_dim3A_256 : i32 to vector<1x128xi32>
          %broadcast_in_dim3A_258 = arith.constant -1 : i32
          %broadcast_in_dim3A_259 = vector.broadcast %broadcast_in_dim3A_258 : i32 to vector<1x128xi32>
          %broadcast_in_dim3A_260 = arith.constant -1 : i32
          %broadcast_in_dim3A_261 = vector.broadcast %broadcast_in_dim3A_260 : i32 to vector<1x128xi32>
          %broadcast_in_dim3A_262 = arith.constant -1 : i32
          %broadcast_in_dim3A_263 = vector.broadcast %broadcast_in_dim3A_262 : i32 to vector<1x128xi32>
          %broadcast_in_dim3A_264 = arith.constant -1 : i32
          %broadcast_in_dim3A_265 = vector.broadcast %broadcast_in_dim3A_264 : i32 to vector<1x128xi32>
          %broadcast_in_dim3A_266 = arith.constant -1 : i32
          %broadcast_in_dim3A_267 = vector.broadcast %broadcast_in_dim3A_266 : i32 to vector<1x128xi32>
          %get3A_268 = arith.constant 3072 : index
          %get3A_269 = arith.constant 0 : index
          %get3A_270 = vector.load %arg15[%get3A_268, %get3A_269] : memref<4096x128xi32, #tpu.memory_space<vmem>>, vector<512x128xi32>
          %iota3A = tpu.iota {dimensions = array<i32: 0>} : vector<512x128xi32>
          %add3A_271 = arith.constant 3072 : i32
          %add3A_272 = vector.broadcast %add3A_271 : i32 to vector<512x128xi32>
          %add3A_273 = arith.addi %iota3A, %add3A_272 : vector<512x128xi32>
          %slice3A_274 = vector.extract_strided_slice %get3A_142 {offsets = [0, 0], sizes = [1, 128], strides = [1, 1]} : vector<8x128xi32> to vector<1x128xi32>
          %eq3A_275 = vector.broadcast %slice3A_274 : vector<1x128xi32> to vector<512x128xi32>
          %eq3A_276 = arith.cmpi eq, %get3A_270, %eq3A_275 : vector<512x128xi32>
          %jit3A = arith.constant -1 : i32
          %broadcast_in_dim3A_277 = vector.broadcast %jit3A : i32 to vector<512x128xi32>
          %select_n3A = arith.select %eq3A_276, %add3A_273, %broadcast_in_dim3A_277 : vector<512x128xi1>, vector<512x128xi32>
          %reduce_max3A = arith.constant dense<-2147483648> : vector<128xi32>
          %reduce_max3A_278 = vector.multi_reduction <maxsi>, %select_n3A, %reduce_max3A [0] : vector<512x128xi32> to vector<128xi32>
          %broadcast_in_dim3A_279 = vector.shape_cast %reduce_max3A_278 : vector<128xi32> to vector<1x128xi32>
          %max3A = arith.maxsi %broadcast_in_dim3A_253, %broadcast_in_dim3A_279 : vector<1x128xi32>
          %slice3A_280 = vector.extract_strided_slice %get3A_142 {offsets = [1, 0], sizes = [1, 128], strides = [1, 1]} : vector<8x128xi32> to vector<1x128xi32>
          %eq3A_281 = vector.broadcast %slice3A_280 : vector<1x128xi32> to vector<512x128xi32>
          %eq3A_282 = arith.cmpi eq, %get3A_270, %eq3A_281 : vector<512x128xi32>
          %jit3A_283 = arith.constant -1 : i32
          %broadcast_in_dim3A_284 = vector.broadcast %jit3A_283 : i32 to vector<512x128xi32>
          %select_n3A_285 = arith.select %eq3A_282, %add3A_273, %broadcast_in_dim3A_284 : vector<512x128xi1>, vector<512x128xi32>
          %reduce_max3A_286 = arith.constant dense<-2147483648> : vector<128xi32>
          %reduce_max3A_287 = vector.multi_reduction <maxsi>, %select_n3A_285, %reduce_max3A_286 [0] : vector<512x128xi32> to vector<128xi32>
          %broadcast_in_dim3A_288 = vector.shape_cast %reduce_max3A_287 : vector<128xi32> to vector<1x128xi32>
          %max3A_289 = arith.maxsi %broadcast_in_dim3A_255, %broadcast_in_dim3A_288 : vector<1x128xi32>
          %slice3A_290 = vector.extract_strided_slice %get3A_142 {offsets = [2, 0], sizes = [1, 128], strides = [1, 1]} : vector<8x128xi32> to vector<1x128xi32>
          %eq3A_291 = vector.broadcast %slice3A_290 : vector<1x128xi32> to vector<512x128xi32>
          %eq3A_292 = arith.cmpi eq, %get3A_270, %eq3A_291 : vector<512x128xi32>
          %jit3A_293 = arith.constant -1 : i32
          %broadcast_in_dim3A_294 = vector.broadcast %jit3A_293 : i32 to vector<512x128xi32>
          %select_n3A_295 = arith.select %eq3A_292, %add3A_273, %broadcast_in_dim3A_294 : vector<512x128xi1>, vector<512x128xi32>
          %reduce_max3A_296 = arith.constant dense<-2147483648> : vector<128xi32>
          %reduce_max3A_297 = vector.multi_reduction <maxsi>, %select_n3A_295, %reduce_max3A_296 [0] : vector<512x128xi32> to vector<128xi32>
          %broadcast_in_dim3A_298 = vector.shape_cast %reduce_max3A_297 : vector<128xi32> to vector<1x128xi32>
          %max3A_299 = arith.maxsi %broadcast_in_dim3A_257, %broadcast_in_dim3A_298 : vector<1x128xi32>
          %slice3A_300 = vector.extract_strided_slice %get3A_142 {offsets = [3, 0], sizes = [1, 128], strides = [1, 1]} : vector<8x128xi32> to vector<1x128xi32>
          %eq3A_301 = vector.broadcast %slice3A_300 : vector<1x128xi32> to vector<512x128xi32>
          %eq3A_302 = arith.cmpi eq, %get3A_270, %eq3A_301 : vector<512x128xi32>
          %jit3A_303 = arith.constant -1 : i32
          %broadcast_in_dim3A_304 = vector.broadcast %jit3A_303 : i32 to vector<512x128xi32>
          %select_n3A_305 = arith.select %eq3A_302, %add3A_273, %broadcast_in_dim3A_304 : vector<512x128xi1>, vector<512x128xi32>
          %reduce_max3A_306 = arith.constant dense<-2147483648> : vector<128xi32>
          %reduce_max3A_307 = vector.multi_reduction <maxsi>, %select_n3A_305, %reduce_max3A_306 [0] : vector<512x128xi32> to vector<128xi32>
          %broadcast_in_dim3A_308 = vector.shape_cast %reduce_max3A_307 : vector<128xi32> to vector<1x128xi32>
          %max3A_309 = arith.maxsi %broadcast_in_dim3A_259, %broadcast_in_dim3A_308 : vector<1x128xi32>
          %slice3A_310 = vector.extract_strided_slice %get3A_142 {offsets = [4, 0], sizes = [1, 128], strides = [1, 1]} : vector<8x128xi32> to vector<1x128xi32>
          %eq3A_311 = vector.broadcast %slice3A_310 : vector<1x128xi32> to vector<512x128xi32>
          %eq3A_312 = arith.cmpi eq, %get3A_270, %eq3A_311 : vector<512x128xi32>
          %jit3A_313 = arith.constant -1 : i32
          %broadcast_in_dim3A_314 = vector.broadcast %jit3A_313 : i32 to vector<512x128xi32>
          %select_n3A_315 = arith.select %eq3A_312, %add3A_273, %broadcast_in_dim3A_314 : vector<512x128xi1>, vector<512x128xi32>
          %reduce_max3A_316 = arith.constant dense<-2147483648> : vector<128xi32>
          %reduce_max3A_317 = vector.multi_reduction <maxsi>, %select_n3A_315, %reduce_max3A_316 [0] : vector<512x128xi32> to vector<128xi32>
          %broadcast_in_dim3A_318 = vector.shape_cast %reduce_max3A_317 : vector<128xi32> to vector<1x128xi32>
          %max3A_319 = arith.maxsi %broadcast_in_dim3A_261, %broadcast_in_dim3A_318 : vector<1x128xi32>
          %slice3A_320 = vector.extract_strided_slice %get3A_142 {offsets = [5, 0], sizes = [1, 128], strides = [1, 1]} : vector<8x128xi32> to vector<1x128xi32>
          %eq3A_321 = vector.broadcast %slice3A_320 : vector<1x128xi32> to vector<512x128xi32>
          %eq3A_322 = arith.cmpi eq, %get3A_270, %eq3A_321 : vector<512x128xi32>
          %jit3A_323 = arith.constant -1 : i32
          %broadcast_in_dim3A_324 = vector.broadcast %jit3A_323 : i32 to vector<512x128xi32>
          %select_n3A_325 = arith.select %eq3A_322, %add3A_273, %broadcast_in_dim3A_324 : vector<512x128xi1>, vector<512x128xi32>
          %reduce_max3A_326 = arith.constant dense<-2147483648> : vector<128xi32>
          %reduce_max3A_327 = vector.multi_reduction <maxsi>, %select_n3A_325, %reduce_max3A_326 [0] : vector<512x128xi32> to vector<128xi32>
          %broadcast_in_dim3A_328 = vector.shape_cast %reduce_max3A_327 : vector<128xi32> to vector<1x128xi32>
          %max3A_329 = arith.maxsi %broadcast_in_dim3A_263, %broadcast_in_dim3A_328 : vector<1x128xi32>
          %slice3A_330 = vector.extract_strided_slice %get3A_142 {offsets = [6, 0], sizes = [1, 128], strides = [1, 1]} : vector<8x128xi32> to vector<1x128xi32>
          %eq3A_331 = vector.broadcast %slice3A_330 : vector<1x128xi32> to vector<512x128xi32>
          %eq3A_332 = arith.cmpi eq, %get3A_270, %eq3A_331 : vector<512x128xi32>
          %jit3A_333 = arith.constant -1 : i32
          %broadcast_in_dim3A_334 = vector.broadcast %jit3A_333 : i32 to vector<512x128xi32>
          %select_n3A_335 = arith.select %eq3A_332, %add3A_273, %broadcast_in_dim3A_334 : vector<512x128xi1>, vector<512x128xi32>
          %reduce_max3A_336 = arith.constant dense<-2147483648> : vector<128xi32>
          %reduce_max3A_337 = vector.multi_reduction <maxsi>, %select_n3A_335, %reduce_max3A_336 [0] : vector<512x128xi32> to vector<128xi32>
          %broadcast_in_dim3A_338 = vector.shape_cast %reduce_max3A_337 : vector<128xi32> to vector<1x128xi32>
          %max3A_339 = arith.maxsi %broadcast_in_dim3A_265, %broadcast_in_dim3A_338 : vector<1x128xi32>
          %slice3A_340 = vector.extract_strided_slice %get3A_142 {offsets = [7, 0], sizes = [1, 128], strides = [1, 1]} : vector<8x128xi32> to vector<1x128xi32>
          %eq3A_341 = vector.broadcast %slice3A_340 : vector<1x128xi32> to vector<512x128xi32>
          %eq3A_342 = arith.cmpi eq, %get3A_270, %eq3A_341 : vector<512x128xi32>
          %jit3A_343 = arith.constant -1 : i32
          %broadcast_in_dim3A_344 = vector.broadcast %jit3A_343 : i32 to vector<512x128xi32>
          %select_n3A_345 = arith.select %eq3A_342, %add3A_273, %broadcast_in_dim3A_344 : vector<512x128xi1>, vector<512x128xi32>
          %reduce_max3A_346 = arith.constant dense<-2147483648> : vector<128xi32>
          %reduce_max3A_347 = vector.multi_reduction <maxsi>, %select_n3A_345, %reduce_max3A_346 [0] : vector<512x128xi32> to vector<128xi32>
          %broadcast_in_dim3A_348 = vector.shape_cast %reduce_max3A_347 : vector<128xi32> to vector<1x128xi32>
          %max3A_349 = arith.maxsi %broadcast_in_dim3A_267, %broadcast_in_dim3A_348 : vector<1x128xi32>
          %get3A_350 = arith.constant 3584 : index
          %get3A_351 = arith.constant 0 : index
          %get3A_352 = vector.load %arg15[%get3A_350, %get3A_351] : memref<4096x128xi32, #tpu.memory_space<vmem>>, vector<512x128xi32>
          %iota3A_353 = tpu.iota {dimensions = array<i32: 0>} : vector<512x128xi32>
          %add3A_354 = arith.constant 3584 : i32
          %add3A_355 = vector.broadcast %add3A_354 : i32 to vector<512x128xi32>
          %add3A_356 = arith.addi %iota3A_353, %add3A_355 : vector<512x128xi32>
          %slice3A_357 = vector.extract_strided_slice %get3A_142 {offsets = [0, 0], sizes = [1, 128], strides = [1, 1]} : vector<8x128xi32> to vector<1x128xi32>
          %eq3A_358 = vector.broadcast %slice3A_357 : vector<1x128xi32> to vector<512x128xi32>
          %eq3A_359 = arith.cmpi eq, %get3A_352, %eq3A_358 : vector<512x128xi32>
          %jit3A_360 = arith.constant -1 : i32
          %broadcast_in_dim3A_361 = vector.broadcast %jit3A_360 : i32 to vector<512x128xi32>
          %select_n3A_362 = arith.select %eq3A_359, %add3A_356, %broadcast_in_dim3A_361 : vector<512x128xi1>, vector<512x128xi32>
          %reduce_max3A_363 = arith.constant dense<-2147483648> : vector<128xi32>
          %reduce_max3A_364 = vector.multi_reduction <maxsi>, %select_n3A_362, %reduce_max3A_363 [0] : vector<512x128xi32> to vector<128xi32>
          %broadcast_in_dim3A_365 = vector.shape_cast %reduce_max3A_364 : vector<128xi32> to vector<1x128xi32>
          %max3A_366 = arith.maxsi %max3A, %broadcast_in_dim3A_365 : vector<1x128xi32>
          %slice3A_367 = vector.extract_strided_slice %get3A_142 {offsets = [1, 0], sizes = [1, 128], strides = [1, 1]} : vector<8x128xi32> to vector<1x128xi32>
          %eq3A_368 = vector.broadcast %slice3A_367 : vector<1x128xi32> to vector<512x128xi32>
          %eq3A_369 = arith.cmpi eq, %get3A_352, %eq3A_368 : vector<512x128xi32>
          %jit3A_370 = arith.constant -1 : i32
          %broadcast_in_dim3A_371 = vector.broadcast %jit3A_370 : i32 to vector<512x128xi32>
          %select_n3A_372 = arith.select %eq3A_369, %add3A_356, %broadcast_in_dim3A_371 : vector<512x128xi1>, vector<512x128xi32>
          %reduce_max3A_373 = arith.constant dense<-2147483648> : vector<128xi32>
          %reduce_max3A_374 = vector.multi_reduction <maxsi>, %select_n3A_372, %reduce_max3A_373 [0] : vector<512x128xi32> to vector<128xi32>
          %broadcast_in_dim3A_375 = vector.shape_cast %reduce_max3A_374 : vector<128xi32> to vector<1x128xi32>
          %max3A_376 = arith.maxsi %max3A_289, %broadcast_in_dim3A_375 : vector<1x128xi32>
          %slice3A_377 = vector.extract_strided_slice %get3A_142 {offsets = [2, 0], sizes = [1, 128], strides = [1, 1]} : vector<8x128xi32> to vector<1x128xi32>
          %eq3A_378 = vector.broadcast %slice3A_377 : vector<1x128xi32> to vector<512x128xi32>
          %eq3A_379 = arith.cmpi eq, %get3A_352, %eq3A_378 : vector<512x128xi32>
          %jit3A_380 = arith.constant -1 : i32
          %broadcast_in_dim3A_381 = vector.broadcast %jit3A_380 : i32 to vector<512x128xi32>
          %select_n3A_382 = arith.select %eq3A_379, %add3A_356, %broadcast_in_dim3A_381 : vector<512x128xi1>, vector<512x128xi32>
          %reduce_max3A_383 = arith.constant dense<-2147483648> : vector<128xi32>
          %reduce_max3A_384 = vector.multi_reduction <maxsi>, %select_n3A_382, %reduce_max3A_383 [0] : vector<512x128xi32> to vector<128xi32>
          %broadcast_in_dim3A_385 = vector.shape_cast %reduce_max3A_384 : vector<128xi32> to vector<1x128xi32>
          %max3A_386 = arith.maxsi %max3A_299, %broadcast_in_dim3A_385 : vector<1x128xi32>
          %slice3A_387 = vector.extract_strided_slice %get3A_142 {offsets = [3, 0], sizes = [1, 128], strides = [1, 1]} : vector<8x128xi32> to vector<1x128xi32>
          %eq3A_388 = vector.broadcast %slice3A_387 : vector<1x128xi32> to vector<512x128xi32>
          %eq3A_389 = arith.cmpi eq, %get3A_352, %eq3A_388 : vector<512x128xi32>
          %jit3A_390 = arith.constant -1 : i32
          %broadcast_in_dim3A_391 = vector.broadcast %jit3A_390 : i32 to vector<512x128xi32>
          %select_n3A_392 = arith.select %eq3A_389, %add3A_356, %broadcast_in_dim3A_391 : vector<512x128xi1>, vector<512x128xi32>
          %reduce_max3A_393 = arith.constant dense<-2147483648> : vector<128xi32>
          %reduce_max3A_394 = vector.multi_reduction <maxsi>, %select_n3A_392, %reduce_max3A_393 [0] : vector<512x128xi32> to vector<128xi32>
          %broadcast_in_dim3A_395 = vector.shape_cast %reduce_max3A_394 : vector<128xi32> to vector<1x128xi32>
          %max3A_396 = arith.maxsi %max3A_309, %broadcast_in_dim3A_395 : vector<1x128xi32>
          %slice3A_397 = vector.extract_strided_slice %get3A_142 {offsets = [4, 0], sizes = [1, 128], strides = [1, 1]} : vector<8x128xi32> to vector<1x128xi32>
          %eq3A_398 = vector.broadcast %slice3A_397 : vector<1x128xi32> to vector<512x128xi32>
          %eq3A_399 = arith.cmpi eq, %get3A_352, %eq3A_398 : vector<512x128xi32>
          %jit3A_400 = arith.constant -1 : i32
          %broadcast_in_dim3A_401 = vector.broadcast %jit3A_400 : i32 to vector<512x128xi32>
          %select_n3A_402 = arith.select %eq3A_399, %add3A_356, %broadcast_in_dim3A_401 : vector<512x128xi1>, vector<512x128xi32>
          %reduce_max3A_403 = arith.constant dense<-2147483648> : vector<128xi32>
          %reduce_max3A_404 = vector.multi_reduction <maxsi>, %select_n3A_402, %reduce_max3A_403 [0] : vector<512x128xi32> to vector<128xi32>
          %broadcast_in_dim3A_405 = vector.shape_cast %reduce_max3A_404 : vector<128xi32> to vector<1x128xi32>
          %max3A_406 = arith.maxsi %max3A_319, %broadcast_in_dim3A_405 : vector<1x128xi32>
          %slice3A_407 = vector.extract_strided_slice %get3A_142 {offsets = [5, 0], sizes = [1, 128], strides = [1, 1]} : vector<8x128xi32> to vector<1x128xi32>
          %eq3A_408 = vector.broadcast %slice3A_407 : vector<1x128xi32> to vector<512x128xi32>
          %eq3A_409 = arith.cmpi eq, %get3A_352, %eq3A_408 : vector<512x128xi32>
          %jit3A_410 = arith.constant -1 : i32
          %broadcast_in_dim3A_411 = vector.broadcast %jit3A_410 : i32 to vector<512x128xi32>
          %select_n3A_412 = arith.select %eq3A_409, %add3A_356, %broadcast_in_dim3A_411 : vector<512x128xi1>, vector<512x128xi32>
          %reduce_max3A_413 = arith.constant dense<-2147483648> : vector<128xi32>
          %reduce_max3A_414 = vector.multi_reduction <maxsi>, %select_n3A_412, %reduce_max3A_413 [0] : vector<512x128xi32> to vector<128xi32>
          %broadcast_in_dim3A_415 = vector.shape_cast %reduce_max3A_414 : vector<128xi32> to vector<1x128xi32>
          %max3A_416 = arith.maxsi %max3A_329, %broadcast_in_dim3A_415 : vector<1x128xi32>
          %slice3A_417 = vector.extract_strided_slice %get3A_142 {offsets = [6, 0], sizes = [1, 128], strides = [1, 1]} : vector<8x128xi32> to vector<1x128xi32>
          %eq3A_418 = vector.broadcast %slice3A_417 : vector<1x128xi32> to vector<512x128xi32>
          %eq3A_419 = arith.cmpi eq, %get3A_352, %eq3A_418 : vector<512x128xi32>
          %jit3A_420 = arith.constant -1 : i32
          %broadcast_in_dim3A_421 = vector.broadcast %jit3A_420 : i32 to vector<512x128xi32>
          %select_n3A_422 = arith.select %eq3A_419, %add3A_356, %broadcast_in_dim3A_421 : vector<512x128xi1>, vector<512x128xi32>
          %reduce_max3A_423 = arith.constant dense<-2147483648> : vector<128xi32>
          %reduce_max3A_424 = vector.multi_reduction <maxsi>, %select_n3A_422, %reduce_max3A_423 [0] : vector<512x128xi32> to vector<128xi32>
          %broadcast_in_dim3A_425 = vector.shape_cast %reduce_max3A_424 : vector<128xi32> to vector<1x128xi32>
          %max3A_426 = arith.maxsi %max3A_339, %broadcast_in_dim3A_425 : vector<1x128xi32>
          %slice3A_427 = vector.extract_strided_slice %get3A_142 {offsets = [7, 0], sizes = [1, 128], strides = [1, 1]} : vector<8x128xi32> to vector<1x128xi32>
          %eq3A_428 = vector.broadcast %slice3A_427 : vector<1x128xi32> to vector<512x128xi32>
          %eq3A_429 = arith.cmpi eq, %get3A_352, %eq3A_428 : vector<512x128xi32>
          %jit3A_430 = arith.constant -1 : i32
          %broadcast_in_dim3A_431 = vector.broadcast %jit3A_430 : i32 to vector<512x128xi32>
          %select_n3A_432 = arith.select %eq3A_429, %add3A_356, %broadcast_in_dim3A_431 : vector<512x128xi1>, vector<512x128xi32>
          %reduce_max3A_433 = arith.constant dense<-2147483648> : vector<128xi32>
          %reduce_max3A_434 = vector.multi_reduction <maxsi>, %select_n3A_432, %reduce_max3A_433 [0] : vector<512x128xi32> to vector<128xi32>
          %broadcast_in_dim3A_435 = vector.shape_cast %reduce_max3A_434 : vector<128xi32> to vector<1x128xi32>
          %max3A_436 = arith.maxsi %max3A_349, %broadcast_in_dim3A_435 : vector<1x128xi32>
          %concatenate3A = tpu.concatenate %max3A_366, %max3A_376, %max3A_386, %max3A_396, %max3A_406, %max3A_416, %max3A_426, %max3A_436 in 0 : vector<1x128xi32>, vector<1x128xi32>, vector<1x128xi32>, vector<1x128xi32>, vector<1x128xi32>, vector<1x128xi32>, vector<1x128xi32>, vector<1x128xi32> -> vector<8x128xi32>
          scf.yield %concatenate3A : vector<8x128xi32>
        } else {
          %broadcast_in_dim3A = arith.constant -1 : i32
          %broadcast_in_dim3A_253 = vector.broadcast %broadcast_in_dim3A : i32 to vector<1x128xi32>
          %broadcast_in_dim3A_254 = arith.constant -1 : i32
          %broadcast_in_dim3A_255 = vector.broadcast %broadcast_in_dim3A_254 : i32 to vector<1x128xi32>
          %broadcast_in_dim3A_256 = arith.constant -1 : i32
          %broadcast_in_dim3A_257 = vector.broadcast %broadcast_in_dim3A_256 : i32 to vector<1x128xi32>
          %broadcast_in_dim3A_258 = arith.constant -1 : i32
          %broadcast_in_dim3A_259 = vector.broadcast %broadcast_in_dim3A_258 : i32 to vector<1x128xi32>
          %broadcast_in_dim3A_260 = arith.constant -1 : i32
          %broadcast_in_dim3A_261 = vector.broadcast %broadcast_in_dim3A_260 : i32 to vector<1x128xi32>
          %broadcast_in_dim3A_262 = arith.constant -1 : i32
          %broadcast_in_dim3A_263 = vector.broadcast %broadcast_in_dim3A_262 : i32 to vector<1x128xi32>
          %broadcast_in_dim3A_264 = arith.constant -1 : i32
          %broadcast_in_dim3A_265 = vector.broadcast %broadcast_in_dim3A_264 : i32 to vector<1x128xi32>
          %broadcast_in_dim3A_266 = arith.constant -1 : i32
          %broadcast_in_dim3A_267 = vector.broadcast %broadcast_in_dim3A_266 : i32 to vector<1x128xi32>
          %get3A_268 = arith.constant 2048 : index
          %get3A_269 = arith.constant 0 : index
          %get3A_270 = vector.load %arg15[%get3A_268, %get3A_269] : memref<4096x128xi32, #tpu.memory_space<vmem>>, vector<512x128xi32>
          %iota3A = tpu.iota {dimensions = array<i32: 0>} : vector<512x128xi32>
          %add3A_271 = arith.constant 2048 : i32
          %add3A_272 = vector.broadcast %add3A_271 : i32 to vector<512x128xi32>
          %add3A_273 = arith.addi %iota3A, %add3A_272 : vector<512x128xi32>
          %slice3A_274 = vector.extract_strided_slice %get3A_142 {offsets = [0, 0], sizes = [1, 128], strides = [1, 1]} : vector<8x128xi32> to vector<1x128xi32>
          %eq3A_275 = vector.broadcast %slice3A_274 : vector<1x128xi32> to vector<512x128xi32>
          %eq3A_276 = arith.cmpi eq, %get3A_270, %eq3A_275 : vector<512x128xi32>
          %jit3A = arith.constant -1 : i32
          %broadcast_in_dim3A_277 = vector.broadcast %jit3A : i32 to vector<512x128xi32>
          %select_n3A = arith.select %eq3A_276, %add3A_273, %broadcast_in_dim3A_277 : vector<512x128xi1>, vector<512x128xi32>
          %reduce_max3A = arith.constant dense<-2147483648> : vector<128xi32>
          %reduce_max3A_278 = vector.multi_reduction <maxsi>, %select_n3A, %reduce_max3A [0] : vector<512x128xi32> to vector<128xi32>
          %broadcast_in_dim3A_279 = vector.shape_cast %reduce_max3A_278 : vector<128xi32> to vector<1x128xi32>
          %max3A = arith.maxsi %broadcast_in_dim3A_253, %broadcast_in_dim3A_279 : vector<1x128xi32>
          %slice3A_280 = vector.extract_strided_slice %get3A_142 {offsets = [1, 0], sizes = [1, 128], strides = [1, 1]} : vector<8x128xi32> to vector<1x128xi32>
          %eq3A_281 = vector.broadcast %slice3A_280 : vector<1x128xi32> to vector<512x128xi32>
          %eq3A_282 = arith.cmpi eq, %get3A_270, %eq3A_281 : vector<512x128xi32>
          %jit3A_283 = arith.constant -1 : i32
          %broadcast_in_dim3A_284 = vector.broadcast %jit3A_283 : i32 to vector<512x128xi32>
          %select_n3A_285 = arith.select %eq3A_282, %add3A_273, %broadcast_in_dim3A_284 : vector<512x128xi1>, vector<512x128xi32>
          %reduce_max3A_286 = arith.constant dense<-2147483648> : vector<128xi32>
          %reduce_max3A_287 = vector.multi_reduction <maxsi>, %select_n3A_285, %reduce_max3A_286 [0] : vector<512x128xi32> to vector<128xi32>
          %broadcast_in_dim3A_288 = vector.shape_cast %reduce_max3A_287 : vector<128xi32> to vector<1x128xi32>
          %max3A_289 = arith.maxsi %broadcast_in_dim3A_255, %broadcast_in_dim3A_288 : vector<1x128xi32>
          %slice3A_290 = vector.extract_strided_slice %get3A_142 {offsets = [2, 0], sizes = [1, 128], strides = [1, 1]} : vector<8x128xi32> to vector<1x128xi32>
          %eq3A_291 = vector.broadcast %slice3A_290 : vector<1x128xi32> to vector<512x128xi32>
          %eq3A_292 = arith.cmpi eq, %get3A_270, %eq3A_291 : vector<512x128xi32>
          %jit3A_293 = arith.constant -1 : i32
          %broadcast_in_dim3A_294 = vector.broadcast %jit3A_293 : i32 to vector<512x128xi32>
          %select_n3A_295 = arith.select %eq3A_292, %add3A_273, %broadcast_in_dim3A_294 : vector<512x128xi1>, vector<512x128xi32>
          %reduce_max3A_296 = arith.constant dense<-2147483648> : vector<128xi32>
          %reduce_max3A_297 = vector.multi_reduction <maxsi>, %select_n3A_295, %reduce_max3A_296 [0] : vector<512x128xi32> to vector<128xi32>
          %broadcast_in_dim3A_298 = vector.shape_cast %reduce_max3A_297 : vector<128xi32> to vector<1x128xi32>
          %max3A_299 = arith.maxsi %broadcast_in_dim3A_257, %broadcast_in_dim3A_298 : vector<1x128xi32>
          %slice3A_300 = vector.extract_strided_slice %get3A_142 {offsets = [3, 0], sizes = [1, 128], strides = [1, 1]} : vector<8x128xi32> to vector<1x128xi32>
          %eq3A_301 = vector.broadcast %slice3A_300 : vector<1x128xi32> to vector<512x128xi32>
          %eq3A_302 = arith.cmpi eq, %get3A_270, %eq3A_301 : vector<512x128xi32>
          %jit3A_303 = arith.constant -1 : i32
          %broadcast_in_dim3A_304 = vector.broadcast %jit3A_303 : i32 to vector<512x128xi32>
          %select_n3A_305 = arith.select %eq3A_302, %add3A_273, %broadcast_in_dim3A_304 : vector<512x128xi1>, vector<512x128xi32>
          %reduce_max3A_306 = arith.constant dense<-2147483648> : vector<128xi32>
          %reduce_max3A_307 = vector.multi_reduction <maxsi>, %select_n3A_305, %reduce_max3A_306 [0] : vector<512x128xi32> to vector<128xi32>
          %broadcast_in_dim3A_308 = vector.shape_cast %reduce_max3A_307 : vector<128xi32> to vector<1x128xi32>
          %max3A_309 = arith.maxsi %broadcast_in_dim3A_259, %broadcast_in_dim3A_308 : vector<1x128xi32>
          %slice3A_310 = vector.extract_strided_slice %get3A_142 {offsets = [4, 0], sizes = [1, 128], strides = [1, 1]} : vector<8x128xi32> to vector<1x128xi32>
          %eq3A_311 = vector.broadcast %slice3A_310 : vector<1x128xi32> to vector<512x128xi32>
          %eq3A_312 = arith.cmpi eq, %get3A_270, %eq3A_311 : vector<512x128xi32>
          %jit3A_313 = arith.constant -1 : i32
          %broadcast_in_dim3A_314 = vector.broadcast %jit3A_313 : i32 to vector<512x128xi32>
          %select_n3A_315 = arith.select %eq3A_312, %add3A_273, %broadcast_in_dim3A_314 : vector<512x128xi1>, vector<512x128xi32>
          %reduce_max3A_316 = arith.constant dense<-2147483648> : vector<128xi32>
          %reduce_max3A_317 = vector.multi_reduction <maxsi>, %select_n3A_315, %reduce_max3A_316 [0] : vector<512x128xi32> to vector<128xi32>
          %broadcast_in_dim3A_318 = vector.shape_cast %reduce_max3A_317 : vector<128xi32> to vector<1x128xi32>
          %max3A_319 = arith.maxsi %broadcast_in_dim3A_261, %broadcast_in_dim3A_318 : vector<1x128xi32>
          %slice3A_320 = vector.extract_strided_slice %get3A_142 {offsets = [5, 0], sizes = [1, 128], strides = [1, 1]} : vector<8x128xi32> to vector<1x128xi32>
          %eq3A_321 = vector.broadcast %slice3A_320 : vector<1x128xi32> to vector<512x128xi32>
          %eq3A_322 = arith.cmpi eq, %get3A_270, %eq3A_321 : vector<512x128xi32>
          %jit3A_323 = arith.constant -1 : i32
          %broadcast_in_dim3A_324 = vector.broadcast %jit3A_323 : i32 to vector<512x128xi32>
          %select_n3A_325 = arith.select %eq3A_322, %add3A_273, %broadcast_in_dim3A_324 : vector<512x128xi1>, vector<512x128xi32>
          %reduce_max3A_326 = arith.constant dense<-2147483648> : vector<128xi32>
          %reduce_max3A_327 = vector.multi_reduction <maxsi>, %select_n3A_325, %reduce_max3A_326 [0] : vector<512x128xi32> to vector<128xi32>
          %broadcast_in_dim3A_328 = vector.shape_cast %reduce_max3A_327 : vector<128xi32> to vector<1x128xi32>
          %max3A_329 = arith.maxsi %broadcast_in_dim3A_263, %broadcast_in_dim3A_328 : vector<1x128xi32>
          %slice3A_330 = vector.extract_strided_slice %get3A_142 {offsets = [6, 0], sizes = [1, 128], strides = [1, 1]} : vector<8x128xi32> to vector<1x128xi32>
          %eq3A_331 = vector.broadcast %slice3A_330 : vector<1x128xi32> to vector<512x128xi32>
          %eq3A_332 = arith.cmpi eq, %get3A_270, %eq3A_331 : vector<512x128xi32>
          %jit3A_333 = arith.constant -1 : i32
          %broadcast_in_dim3A_334 = vector.broadcast %jit3A_333 : i32 to vector<512x128xi32>
          %select_n3A_335 = arith.select %eq3A_332, %add3A_273, %broadcast_in_dim3A_334 : vector<512x128xi1>, vector<512x128xi32>
          %reduce_max3A_336 = arith.constant dense<-2147483648> : vector<128xi32>
          %reduce_max3A_337 = vector.multi_reduction <maxsi>, %select_n3A_335, %reduce_max3A_336 [0] : vector<512x128xi32> to vector<128xi32>
          %broadcast_in_dim3A_338 = vector.shape_cast %reduce_max3A_337 : vector<128xi32> to vector<1x128xi32>
          %max3A_339 = arith.maxsi %broadcast_in_dim3A_265, %broadcast_in_dim3A_338 : vector<1x128xi32>
          %slice3A_340 = vector.extract_strided_slice %get3A_142 {offsets = [7, 0], sizes = [1, 128], strides = [1, 1]} : vector<8x128xi32> to vector<1x128xi32>
          %eq3A_341 = vector.broadcast %slice3A_340 : vector<1x128xi32> to vector<512x128xi32>
          %eq3A_342 = arith.cmpi eq, %get3A_270, %eq3A_341 : vector<512x128xi32>
          %jit3A_343 = arith.constant -1 : i32
          %broadcast_in_dim3A_344 = vector.broadcast %jit3A_343 : i32 to vector<512x128xi32>
          %select_n3A_345 = arith.select %eq3A_342, %add3A_273, %broadcast_in_dim3A_344 : vector<512x128xi1>, vector<512x128xi32>
          %reduce_max3A_346 = arith.constant dense<-2147483648> : vector<128xi32>
          %reduce_max3A_347 = vector.multi_reduction <maxsi>, %select_n3A_345, %reduce_max3A_346 [0] : vector<512x128xi32> to vector<128xi32>
          %broadcast_in_dim3A_348 = vector.shape_cast %reduce_max3A_347 : vector<128xi32> to vector<1x128xi32>
          %max3A_349 = arith.maxsi %broadcast_in_dim3A_267, %broadcast_in_dim3A_348 : vector<1x128xi32>
          %get3A_350 = arith.constant 2560 : index
          %get3A_351 = arith.constant 0 : index
          %get3A_352 = vector.load %arg15[%get3A_350, %get3A_351] : memref<4096x128xi32, #tpu.memory_space<vmem>>, vector<512x128xi32>
          %iota3A_353 = tpu.iota {dimensions = array<i32: 0>} : vector<512x128xi32>
          %add3A_354 = arith.constant 2560 : i32
          %add3A_355 = vector.broadcast %add3A_354 : i32 to vector<512x128xi32>
          %add3A_356 = arith.addi %iota3A_353, %add3A_355 : vector<512x128xi32>
          %slice3A_357 = vector.extract_strided_slice %get3A_142 {offsets = [0, 0], sizes = [1, 128], strides = [1, 1]} : vector<8x128xi32> to vector<1x128xi32>
          %eq3A_358 = vector.broadcast %slice3A_357 : vector<1x128xi32> to vector<512x128xi32>
          %eq3A_359 = arith.cmpi eq, %get3A_352, %eq3A_358 : vector<512x128xi32>
          %jit3A_360 = arith.constant -1 : i32
          %broadcast_in_dim3A_361 = vector.broadcast %jit3A_360 : i32 to vector<512x128xi32>
          %select_n3A_362 = arith.select %eq3A_359, %add3A_356, %broadcast_in_dim3A_361 : vector<512x128xi1>, vector<512x128xi32>
          %reduce_max3A_363 = arith.constant dense<-2147483648> : vector<128xi32>
          %reduce_max3A_364 = vector.multi_reduction <maxsi>, %select_n3A_362, %reduce_max3A_363 [0] : vector<512x128xi32> to vector<128xi32>
          %broadcast_in_dim3A_365 = vector.shape_cast %reduce_max3A_364 : vector<128xi32> to vector<1x128xi32>
          %max3A_366 = arith.maxsi %max3A, %broadcast_in_dim3A_365 : vector<1x128xi32>
          %slice3A_367 = vector.extract_strided_slice %get3A_142 {offsets = [1, 0], sizes = [1, 128], strides = [1, 1]} : vector<8x128xi32> to vector<1x128xi32>
          %eq3A_368 = vector.broadcast %slice3A_367 : vector<1x128xi32> to vector<512x128xi32>
          %eq3A_369 = arith.cmpi eq, %get3A_352, %eq3A_368 : vector<512x128xi32>
          %jit3A_370 = arith.constant -1 : i32
          %broadcast_in_dim3A_371 = vector.broadcast %jit3A_370 : i32 to vector<512x128xi32>
          %select_n3A_372 = arith.select %eq3A_369, %add3A_356, %broadcast_in_dim3A_371 : vector<512x128xi1>, vector<512x128xi32>
          %reduce_max3A_373 = arith.constant dense<-2147483648> : vector<128xi32>
          %reduce_max3A_374 = vector.multi_reduction <maxsi>, %select_n3A_372, %reduce_max3A_373 [0] : vector<512x128xi32> to vector<128xi32>
          %broadcast_in_dim3A_375 = vector.shape_cast %reduce_max3A_374 : vector<128xi32> to vector<1x128xi32>
          %max3A_376 = arith.maxsi %max3A_289, %broadcast_in_dim3A_375 : vector<1x128xi32>
          %slice3A_377 = vector.extract_strided_slice %get3A_142 {offsets = [2, 0], sizes = [1, 128], strides = [1, 1]} : vector<8x128xi32> to vector<1x128xi32>
          %eq3A_378 = vector.broadcast %slice3A_377 : vector<1x128xi32> to vector<512x128xi32>
          %eq3A_379 = arith.cmpi eq, %get3A_352, %eq3A_378 : vector<512x128xi32>
          %jit3A_380 = arith.constant -1 : i32
          %broadcast_in_dim3A_381 = vector.broadcast %jit3A_380 : i32 to vector<512x128xi32>
          %select_n3A_382 = arith.select %eq3A_379, %add3A_356, %broadcast_in_dim3A_381 : vector<512x128xi1>, vector<512x128xi32>
          %reduce_max3A_383 = arith.constant dense<-2147483648> : vector<128xi32>
          %reduce_max3A_384 = vector.multi_reduction <maxsi>, %select_n3A_382, %reduce_max3A_383 [0] : vector<512x128xi32> to vector<128xi32>
          %broadcast_in_dim3A_385 = vector.shape_cast %reduce_max3A_384 : vector<128xi32> to vector<1x128xi32>
          %max3A_386 = arith.maxsi %max3A_299, %broadcast_in_dim3A_385 : vector<1x128xi32>
          %slice3A_387 = vector.extract_strided_slice %get3A_142 {offsets = [3, 0], sizes = [1, 128], strides = [1, 1]} : vector<8x128xi32> to vector<1x128xi32>
          %eq3A_388 = vector.broadcast %slice3A_387 : vector<1x128xi32> to vector<512x128xi32>
          %eq3A_389 = arith.cmpi eq, %get3A_352, %eq3A_388 : vector<512x128xi32>
          %jit3A_390 = arith.constant -1 : i32
          %broadcast_in_dim3A_391 = vector.broadcast %jit3A_390 : i32 to vector<512x128xi32>
          %select_n3A_392 = arith.select %eq3A_389, %add3A_356, %broadcast_in_dim3A_391 : vector<512x128xi1>, vector<512x128xi32>
          %reduce_max3A_393 = arith.constant dense<-2147483648> : vector<128xi32>
          %reduce_max3A_394 = vector.multi_reduction <maxsi>, %select_n3A_392, %reduce_max3A_393 [0] : vector<512x128xi32> to vector<128xi32>
          %broadcast_in_dim3A_395 = vector.shape_cast %reduce_max3A_394 : vector<128xi32> to vector<1x128xi32>
          %max3A_396 = arith.maxsi %max3A_309, %broadcast_in_dim3A_395 : vector<1x128xi32>
          %slice3A_397 = vector.extract_strided_slice %get3A_142 {offsets = [4, 0], sizes = [1, 128], strides = [1, 1]} : vector<8x128xi32> to vector<1x128xi32>
          %eq3A_398 = vector.broadcast %slice3A_397 : vector<1x128xi32> to vector<512x128xi32>
          %eq3A_399 = arith.cmpi eq, %get3A_352, %eq3A_398 : vector<512x128xi32>
          %jit3A_400 = arith.constant -1 : i32
          %broadcast_in_dim3A_401 = vector.broadcast %jit3A_400 : i32 to vector<512x128xi32>
          %select_n3A_402 = arith.select %eq3A_399, %add3A_356, %broadcast_in_dim3A_401 : vector<512x128xi1>, vector<512x128xi32>
          %reduce_max3A_403 = arith.constant dense<-2147483648> : vector<128xi32>
          %reduce_max3A_404 = vector.multi_reduction <maxsi>, %select_n3A_402, %reduce_max3A_403 [0] : vector<512x128xi32> to vector<128xi32>
          %broadcast_in_dim3A_405 = vector.shape_cast %reduce_max3A_404 : vector<128xi32> to vector<1x128xi32>
          %max3A_406 = arith.maxsi %max3A_319, %broadcast_in_dim3A_405 : vector<1x128xi32>
          %slice3A_407 = vector.extract_strided_slice %get3A_142 {offsets = [5, 0], sizes = [1, 128], strides = [1, 1]} : vector<8x128xi32> to vector<1x128xi32>
          %eq3A_408 = vector.broadcast %slice3A_407 : vector<1x128xi32> to vector<512x128xi32>
          %eq3A_409 = arith.cmpi eq, %get3A_352, %eq3A_408 : vector<512x128xi32>
          %jit3A_410 = arith.constant -1 : i32
          %broadcast_in_dim3A_411 = vector.broadcast %jit3A_410 : i32 to vector<512x128xi32>
          %select_n3A_412 = arith.select %eq3A_409, %add3A_356, %broadcast_in_dim3A_411 : vector<512x128xi1>, vector<512x128xi32>
          %reduce_max3A_413 = arith.constant dense<-2147483648> : vector<128xi32>
          %reduce_max3A_414 = vector.multi_reduction <maxsi>, %select_n3A_412, %reduce_max3A_413 [0] : vector<512x128xi32> to vector<128xi32>
          %broadcast_in_dim3A_415 = vector.shape_cast %reduce_max3A_414 : vector<128xi32> to vector<1x128xi32>
          %max3A_416 = arith.maxsi %max3A_329, %broadcast_in_dim3A_415 : vector<1x128xi32>
          %slice3A_417 = vector.extract_strided_slice %get3A_142 {offsets = [6, 0], sizes = [1, 128], strides = [1, 1]} : vector<8x128xi32> to vector<1x128xi32>
          %eq3A_418 = vector.broadcast %slice3A_417 : vector<1x128xi32> to vector<512x128xi32>
          %eq3A_419 = arith.cmpi eq, %get3A_352, %eq3A_418 : vector<512x128xi32>
          %jit3A_420 = arith.constant -1 : i32
          %broadcast_in_dim3A_421 = vector.broadcast %jit3A_420 : i32 to vector<512x128xi32>
          %select_n3A_422 = arith.select %eq3A_419, %add3A_356, %broadcast_in_dim3A_421 : vector<512x128xi1>, vector<512x128xi32>
          %reduce_max3A_423 = arith.constant dense<-2147483648> : vector<128xi32>
          %reduce_max3A_424 = vector.multi_reduction <maxsi>, %select_n3A_422, %reduce_max3A_423 [0] : vector<512x128xi32> to vector<128xi32>
          %broadcast_in_dim3A_425 = vector.shape_cast %reduce_max3A_424 : vector<128xi32> to vector<1x128xi32>
          %max3A_426 = arith.maxsi %max3A_339, %broadcast_in_dim3A_425 : vector<1x128xi32>
          %slice3A_427 = vector.extract_strided_slice %get3A_142 {offsets = [7, 0], sizes = [1, 128], strides = [1, 1]} : vector<8x128xi32> to vector<1x128xi32>
          %eq3A_428 = vector.broadcast %slice3A_427 : vector<1x128xi32> to vector<512x128xi32>
          %eq3A_429 = arith.cmpi eq, %get3A_352, %eq3A_428 : vector<512x128xi32>
          %jit3A_430 = arith.constant -1 : i32
          %broadcast_in_dim3A_431 = vector.broadcast %jit3A_430 : i32 to vector<512x128xi32>
          %select_n3A_432 = arith.select %eq3A_429, %add3A_356, %broadcast_in_dim3A_431 : vector<512x128xi1>, vector<512x128xi32>
          %reduce_max3A_433 = arith.constant dense<-2147483648> : vector<128xi32>
          %reduce_max3A_434 = vector.multi_reduction <maxsi>, %select_n3A_432, %reduce_max3A_433 [0] : vector<512x128xi32> to vector<128xi32>
          %broadcast_in_dim3A_435 = vector.shape_cast %reduce_max3A_434 : vector<128xi32> to vector<1x128xi32>
          %max3A_436 = arith.maxsi %max3A_349, %broadcast_in_dim3A_435 : vector<1x128xi32>
          %get3A_437 = arith.constant 3072 : index
          %get3A_438 = arith.constant 0 : index
          %get3A_439 = vector.load %arg15[%get3A_437, %get3A_438] : memref<4096x128xi32, #tpu.memory_space<vmem>>, vector<512x128xi32>
          %iota3A_440 = tpu.iota {dimensions = array<i32: 0>} : vector<512x128xi32>
          %add3A_441 = arith.constant 3072 : i32
          %add3A_442 = vector.broadcast %add3A_441 : i32 to vector<512x128xi32>
          %add3A_443 = arith.addi %iota3A_440, %add3A_442 : vector<512x128xi32>
          %slice3A_444 = vector.extract_strided_slice %get3A_142 {offsets = [0, 0], sizes = [1, 128], strides = [1, 1]} : vector<8x128xi32> to vector<1x128xi32>
          %eq3A_445 = vector.broadcast %slice3A_444 : vector<1x128xi32> to vector<512x128xi32>
          %eq3A_446 = arith.cmpi eq, %get3A_439, %eq3A_445 : vector<512x128xi32>
          %jit3A_447 = arith.constant -1 : i32
          %broadcast_in_dim3A_448 = vector.broadcast %jit3A_447 : i32 to vector<512x128xi32>
          %select_n3A_449 = arith.select %eq3A_446, %add3A_443, %broadcast_in_dim3A_448 : vector<512x128xi1>, vector<512x128xi32>
          %reduce_max3A_450 = arith.constant dense<-2147483648> : vector<128xi32>
          %reduce_max3A_451 = vector.multi_reduction <maxsi>, %select_n3A_449, %reduce_max3A_450 [0] : vector<512x128xi32> to vector<128xi32>
          %broadcast_in_dim3A_452 = vector.shape_cast %reduce_max3A_451 : vector<128xi32> to vector<1x128xi32>
          %max3A_453 = arith.maxsi %max3A_366, %broadcast_in_dim3A_452 : vector<1x128xi32>
          %slice3A_454 = vector.extract_strided_slice %get3A_142 {offsets = [1, 0], sizes = [1, 128], strides = [1, 1]} : vector<8x128xi32> to vector<1x128xi32>
          %eq3A_455 = vector.broadcast %slice3A_454 : vector<1x128xi32> to vector<512x128xi32>
          %eq3A_456 = arith.cmpi eq, %get3A_439, %eq3A_455 : vector<512x128xi32>
          %jit3A_457 = arith.constant -1 : i32
          %broadcast_in_dim3A_458 = vector.broadcast %jit3A_457 : i32 to vector<512x128xi32>
          %select_n3A_459 = arith.select %eq3A_456, %add3A_443, %broadcast_in_dim3A_458 : vector<512x128xi1>, vector<512x128xi32>
          %reduce_max3A_460 = arith.constant dense<-2147483648> : vector<128xi32>
          %reduce_max3A_461 = vector.multi_reduction <maxsi>, %select_n3A_459, %reduce_max3A_460 [0] : vector<512x128xi32> to vector<128xi32>
          %broadcast_in_dim3A_462 = vector.shape_cast %reduce_max3A_461 : vector<128xi32> to vector<1x128xi32>
          %max3A_463 = arith.maxsi %max3A_376, %broadcast_in_dim3A_462 : vector<1x128xi32>
          %slice3A_464 = vector.extract_strided_slice %get3A_142 {offsets = [2, 0], sizes = [1, 128], strides = [1, 1]} : vector<8x128xi32> to vector<1x128xi32>
          %eq3A_465 = vector.broadcast %slice3A_464 : vector<1x128xi32> to vector<512x128xi32>
          %eq3A_466 = arith.cmpi eq, %get3A_439, %eq3A_465 : vector<512x128xi32>
          %jit3A_467 = arith.constant -1 : i32
          %broadcast_in_dim3A_468 = vector.broadcast %jit3A_467 : i32 to vector<512x128xi32>
          %select_n3A_469 = arith.select %eq3A_466, %add3A_443, %broadcast_in_dim3A_468 : vector<512x128xi1>, vector<512x128xi32>
          %reduce_max3A_470 = arith.constant dense<-2147483648> : vector<128xi32>
          %reduce_max3A_471 = vector.multi_reduction <maxsi>, %select_n3A_469, %reduce_max3A_470 [0] : vector<512x128xi32> to vector<128xi32>
          %broadcast_in_dim3A_472 = vector.shape_cast %reduce_max3A_471 : vector<128xi32> to vector<1x128xi32>
          %max3A_473 = arith.maxsi %max3A_386, %broadcast_in_dim3A_472 : vector<1x128xi32>
          %slice3A_474 = vector.extract_strided_slice %get3A_142 {offsets = [3, 0], sizes = [1, 128], strides = [1, 1]} : vector<8x128xi32> to vector<1x128xi32>
          %eq3A_475 = vector.broadcast %slice3A_474 : vector<1x128xi32> to vector<512x128xi32>
          %eq3A_476 = arith.cmpi eq, %get3A_439, %eq3A_475 : vector<512x128xi32>
          %jit3A_477 = arith.constant -1 : i32
          %broadcast_in_dim3A_478 = vector.broadcast %jit3A_477 : i32 to vector<512x128xi32>
          %select_n3A_479 = arith.select %eq3A_476, %add3A_443, %broadcast_in_dim3A_478 : vector<512x128xi1>, vector<512x128xi32>
          %reduce_max3A_480 = arith.constant dense<-2147483648> : vector<128xi32>
          %reduce_max3A_481 = vector.multi_reduction <maxsi>, %select_n3A_479, %reduce_max3A_480 [0] : vector<512x128xi32> to vector<128xi32>
          %broadcast_in_dim3A_482 = vector.shape_cast %reduce_max3A_481 : vector<128xi32> to vector<1x128xi32>
          %max3A_483 = arith.maxsi %max3A_396, %broadcast_in_dim3A_482 : vector<1x128xi32>
          %slice3A_484 = vector.extract_strided_slice %get3A_142 {offsets = [4, 0], sizes = [1, 128], strides = [1, 1]} : vector<8x128xi32> to vector<1x128xi32>
          %eq3A_485 = vector.broadcast %slice3A_484 : vector<1x128xi32> to vector<512x128xi32>
          %eq3A_486 = arith.cmpi eq, %get3A_439, %eq3A_485 : vector<512x128xi32>
          %jit3A_487 = arith.constant -1 : i32
          %broadcast_in_dim3A_488 = vector.broadcast %jit3A_487 : i32 to vector<512x128xi32>
          %select_n3A_489 = arith.select %eq3A_486, %add3A_443, %broadcast_in_dim3A_488 : vector<512x128xi1>, vector<512x128xi32>
          %reduce_max3A_490 = arith.constant dense<-2147483648> : vector<128xi32>
          %reduce_max3A_491 = vector.multi_reduction <maxsi>, %select_n3A_489, %reduce_max3A_490 [0] : vector<512x128xi32> to vector<128xi32>
          %broadcast_in_dim3A_492 = vector.shape_cast %reduce_max3A_491 : vector<128xi32> to vector<1x128xi32>
          %max3A_493 = arith.maxsi %max3A_406, %broadcast_in_dim3A_492 : vector<1x128xi32>
          %slice3A_494 = vector.extract_strided_slice %get3A_142 {offsets = [5, 0], sizes = [1, 128], strides = [1, 1]} : vector<8x128xi32> to vector<1x128xi32>
          %eq3A_495 = vector.broadcast %slice3A_494 : vector<1x128xi32> to vector<512x128xi32>
          %eq3A_496 = arith.cmpi eq, %get3A_439, %eq3A_495 : vector<512x128xi32>
          %jit3A_497 = arith.constant -1 : i32
          %broadcast_in_dim3A_498 = vector.broadcast %jit3A_497 : i32 to vector<512x128xi32>
          %select_n3A_499 = arith.select %eq3A_496, %add3A_443, %broadcast_in_dim3A_498 : vector<512x128xi1>, vector<512x128xi32>
          %reduce_max3A_500 = arith.constant dense<-2147483648> : vector<128xi32>
          %reduce_max3A_501 = vector.multi_reduction <maxsi>, %select_n3A_499, %reduce_max3A_500 [0] : vector<512x128xi32> to vector<128xi32>
          %broadcast_in_dim3A_502 = vector.shape_cast %reduce_max3A_501 : vector<128xi32> to vector<1x128xi32>
          %max3A_503 = arith.maxsi %max3A_416, %broadcast_in_dim3A_502 : vector<1x128xi32>
          %slice3A_504 = vector.extract_strided_slice %get3A_142 {offsets = [6, 0], sizes = [1, 128], strides = [1, 1]} : vector<8x128xi32> to vector<1x128xi32>
          %eq3A_505 = vector.broadcast %slice3A_504 : vector<1x128xi32> to vector<512x128xi32>
          %eq3A_506 = arith.cmpi eq, %get3A_439, %eq3A_505 : vector<512x128xi32>
          %jit3A_507 = arith.constant -1 : i32
          %broadcast_in_dim3A_508 = vector.broadcast %jit3A_507 : i32 to vector<512x128xi32>
          %select_n3A_509 = arith.select %eq3A_506, %add3A_443, %broadcast_in_dim3A_508 : vector<512x128xi1>, vector<512x128xi32>
          %reduce_max3A_510 = arith.constant dense<-2147483648> : vector<128xi32>
          %reduce_max3A_511 = vector.multi_reduction <maxsi>, %select_n3A_509, %reduce_max3A_510 [0] : vector<512x128xi32> to vector<128xi32>
          %broadcast_in_dim3A_512 = vector.shape_cast %reduce_max3A_511 : vector<128xi32> to vector<1x128xi32>
          %max3A_513 = arith.maxsi %max3A_426, %broadcast_in_dim3A_512 : vector<1x128xi32>
          %slice3A_514 = vector.extract_strided_slice %get3A_142 {offsets = [7, 0], sizes = [1, 128], strides = [1, 1]} : vector<8x128xi32> to vector<1x128xi32>
          %eq3A_515 = vector.broadcast %slice3A_514 : vector<1x128xi32> to vector<512x128xi32>
          %eq3A_516 = arith.cmpi eq, %get3A_439, %eq3A_515 : vector<512x128xi32>
          %jit3A_517 = arith.constant -1 : i32
          %broadcast_in_dim3A_518 = vector.broadcast %jit3A_517 : i32 to vector<512x128xi32>
          %select_n3A_519 = arith.select %eq3A_516, %add3A_443, %broadcast_in_dim3A_518 : vector<512x128xi1>, vector<512x128xi32>
          %reduce_max3A_520 = arith.constant dense<-2147483648> : vector<128xi32>
          %reduce_max3A_521 = vector.multi_reduction <maxsi>, %select_n3A_519, %reduce_max3A_520 [0] : vector<512x128xi32> to vector<128xi32>
          %broadcast_in_dim3A_522 = vector.shape_cast %reduce_max3A_521 : vector<128xi32> to vector<1x128xi32>
          %max3A_523 = arith.maxsi %max3A_436, %broadcast_in_dim3A_522 : vector<1x128xi32>
          %get3A_524 = arith.constant 3584 : index
          %get3A_525 = arith.constant 0 : index
          %get3A_526 = vector.load %arg15[%get3A_524, %get3A_525] : memref<4096x128xi32, #tpu.memory_space<vmem>>, vector<512x128xi32>
          %iota3A_527 = tpu.iota {dimensions = array<i32: 0>} : vector<512x128xi32>
          %add3A_528 = arith.constant 3584 : i32
          %add3A_529 = vector.broadcast %add3A_528 : i32 to vector<512x128xi32>
          %add3A_530 = arith.addi %iota3A_527, %add3A_529 : vector<512x128xi32>
          %slice3A_531 = vector.extract_strided_slice %get3A_142 {offsets = [0, 0], sizes = [1, 128], strides = [1, 1]} : vector<8x128xi32> to vector<1x128xi32>
          %eq3A_532 = vector.broadcast %slice3A_531 : vector<1x128xi32> to vector<512x128xi32>
          %eq3A_533 = arith.cmpi eq, %get3A_526, %eq3A_532 : vector<512x128xi32>
          %jit3A_534 = arith.constant -1 : i32
          %broadcast_in_dim3A_535 = vector.broadcast %jit3A_534 : i32 to vector<512x128xi32>
          %select_n3A_536 = arith.select %eq3A_533, %add3A_530, %broadcast_in_dim3A_535 : vector<512x128xi1>, vector<512x128xi32>
          %reduce_max3A_537 = arith.constant dense<-2147483648> : vector<128xi32>
          %reduce_max3A_538 = vector.multi_reduction <maxsi>, %select_n3A_536, %reduce_max3A_537 [0] : vector<512x128xi32> to vector<128xi32>
          %broadcast_in_dim3A_539 = vector.shape_cast %reduce_max3A_538 : vector<128xi32> to vector<1x128xi32>
          %max3A_540 = arith.maxsi %max3A_453, %broadcast_in_dim3A_539 : vector<1x128xi32>
          %slice3A_541 = vector.extract_strided_slice %get3A_142 {offsets = [1, 0], sizes = [1, 128], strides = [1, 1]} : vector<8x128xi32> to vector<1x128xi32>
          %eq3A_542 = vector.broadcast %slice3A_541 : vector<1x128xi32> to vector<512x128xi32>
          %eq3A_543 = arith.cmpi eq, %get3A_526, %eq3A_542 : vector<512x128xi32>
          %jit3A_544 = arith.constant -1 : i32
          %broadcast_in_dim3A_545 = vector.broadcast %jit3A_544 : i32 to vector<512x128xi32>
          %select_n3A_546 = arith.select %eq3A_543, %add3A_530, %broadcast_in_dim3A_545 : vector<512x128xi1>, vector<512x128xi32>
          %reduce_max3A_547 = arith.constant dense<-2147483648> : vector<128xi32>
          %reduce_max3A_548 = vector.multi_reduction <maxsi>, %select_n3A_546, %reduce_max3A_547 [0] : vector<512x128xi32> to vector<128xi32>
          %broadcast_in_dim3A_549 = vector.shape_cast %reduce_max3A_548 : vector<128xi32> to vector<1x128xi32>
          %max3A_550 = arith.maxsi %max3A_463, %broadcast_in_dim3A_549 : vector<1x128xi32>
          %slice3A_551 = vector.extract_strided_slice %get3A_142 {offsets = [2, 0], sizes = [1, 128], strides = [1, 1]} : vector<8x128xi32> to vector<1x128xi32>
          %eq3A_552 = vector.broadcast %slice3A_551 : vector<1x128xi32> to vector<512x128xi32>
          %eq3A_553 = arith.cmpi eq, %get3A_526, %eq3A_552 : vector<512x128xi32>
          %jit3A_554 = arith.constant -1 : i32
          %broadcast_in_dim3A_555 = vector.broadcast %jit3A_554 : i32 to vector<512x128xi32>
          %select_n3A_556 = arith.select %eq3A_553, %add3A_530, %broadcast_in_dim3A_555 : vector<512x128xi1>, vector<512x128xi32>
          %reduce_max3A_557 = arith.constant dense<-2147483648> : vector<128xi32>
          %reduce_max3A_558 = vector.multi_reduction <maxsi>, %select_n3A_556, %reduce_max3A_557 [0] : vector<512x128xi32> to vector<128xi32>
          %broadcast_in_dim3A_559 = vector.shape_cast %reduce_max3A_558 : vector<128xi32> to vector<1x128xi32>
          %max3A_560 = arith.maxsi %max3A_473, %broadcast_in_dim3A_559 : vector<1x128xi32>
          %slice3A_561 = vector.extract_strided_slice %get3A_142 {offsets = [3, 0], sizes = [1, 128], strides = [1, 1]} : vector<8x128xi32> to vector<1x128xi32>
          %eq3A_562 = vector.broadcast %slice3A_561 : vector<1x128xi32> to vector<512x128xi32>
          %eq3A_563 = arith.cmpi eq, %get3A_526, %eq3A_562 : vector<512x128xi32>
          %jit3A_564 = arith.constant -1 : i32
          %broadcast_in_dim3A_565 = vector.broadcast %jit3A_564 : i32 to vector<512x128xi32>
          %select_n3A_566 = arith.select %eq3A_563, %add3A_530, %broadcast_in_dim3A_565 : vector<512x128xi1>, vector<512x128xi32>
          %reduce_max3A_567 = arith.constant dense<-2147483648> : vector<128xi32>
          %reduce_max3A_568 = vector.multi_reduction <maxsi>, %select_n3A_566, %reduce_max3A_567 [0] : vector<512x128xi32> to vector<128xi32>
          %broadcast_in_dim3A_569 = vector.shape_cast %reduce_max3A_568 : vector<128xi32> to vector<1x128xi32>
          %max3A_570 = arith.maxsi %max3A_483, %broadcast_in_dim3A_569 : vector<1x128xi32>
          %slice3A_571 = vector.extract_strided_slice %get3A_142 {offsets = [4, 0], sizes = [1, 128], strides = [1, 1]} : vector<8x128xi32> to vector<1x128xi32>
          %eq3A_572 = vector.broadcast %slice3A_571 : vector<1x128xi32> to vector<512x128xi32>
          %eq3A_573 = arith.cmpi eq, %get3A_526, %eq3A_572 : vector<512x128xi32>
          %jit3A_574 = arith.constant -1 : i32
          %broadcast_in_dim3A_575 = vector.broadcast %jit3A_574 : i32 to vector<512x128xi32>
          %select_n3A_576 = arith.select %eq3A_573, %add3A_530, %broadcast_in_dim3A_575 : vector<512x128xi1>, vector<512x128xi32>
          %reduce_max3A_577 = arith.constant dense<-2147483648> : vector<128xi32>
          %reduce_max3A_578 = vector.multi_reduction <maxsi>, %select_n3A_576, %reduce_max3A_577 [0] : vector<512x128xi32> to vector<128xi32>
          %broadcast_in_dim3A_579 = vector.shape_cast %reduce_max3A_578 : vector<128xi32> to vector<1x128xi32>
          %max3A_580 = arith.maxsi %max3A_493, %broadcast_in_dim3A_579 : vector<1x128xi32>
          %slice3A_581 = vector.extract_strided_slice %get3A_142 {offsets = [5, 0], sizes = [1, 128], strides = [1, 1]} : vector<8x128xi32> to vector<1x128xi32>
          %eq3A_582 = vector.broadcast %slice3A_581 : vector<1x128xi32> to vector<512x128xi32>
          %eq3A_583 = arith.cmpi eq, %get3A_526, %eq3A_582 : vector<512x128xi32>
          %jit3A_584 = arith.constant -1 : i32
          %broadcast_in_dim3A_585 = vector.broadcast %jit3A_584 : i32 to vector<512x128xi32>
          %select_n3A_586 = arith.select %eq3A_583, %add3A_530, %broadcast_in_dim3A_585 : vector<512x128xi1>, vector<512x128xi32>
          %reduce_max3A_587 = arith.constant dense<-2147483648> : vector<128xi32>
          %reduce_max3A_588 = vector.multi_reduction <maxsi>, %select_n3A_586, %reduce_max3A_587 [0] : vector<512x128xi32> to vector<128xi32>
          %broadcast_in_dim3A_589 = vector.shape_cast %reduce_max3A_588 : vector<128xi32> to vector<1x128xi32>
          %max3A_590 = arith.maxsi %max3A_503, %broadcast_in_dim3A_589 : vector<1x128xi32>
          %slice3A_591 = vector.extract_strided_slice %get3A_142 {offsets = [6, 0], sizes = [1, 128], strides = [1, 1]} : vector<8x128xi32> to vector<1x128xi32>
          %eq3A_592 = vector.broadcast %slice3A_591 : vector<1x128xi32> to vector<512x128xi32>
          %eq3A_593 = arith.cmpi eq, %get3A_526, %eq3A_592 : vector<512x128xi32>
          %jit3A_594 = arith.constant -1 : i32
          %broadcast_in_dim3A_595 = vector.broadcast %jit3A_594 : i32 to vector<512x128xi32>
          %select_n3A_596 = arith.select %eq3A_593, %add3A_530, %broadcast_in_dim3A_595 : vector<512x128xi1>, vector<512x128xi32>
          %reduce_max3A_597 = arith.constant dense<-2147483648> : vector<128xi32>
          %reduce_max3A_598 = vector.multi_reduction <maxsi>, %select_n3A_596, %reduce_max3A_597 [0] : vector<512x128xi32> to vector<128xi32>
          %broadcast_in_dim3A_599 = vector.shape_cast %reduce_max3A_598 : vector<128xi32> to vector<1x128xi32>
          %max3A_600 = arith.maxsi %max3A_513, %broadcast_in_dim3A_599 : vector<1x128xi32>
          %slice3A_601 = vector.extract_strided_slice %get3A_142 {offsets = [7, 0], sizes = [1, 128], strides = [1, 1]} : vector<8x128xi32> to vector<1x128xi32>
          %eq3A_602 = vector.broadcast %slice3A_601 : vector<1x128xi32> to vector<512x128xi32>
          %eq3A_603 = arith.cmpi eq, %get3A_526, %eq3A_602 : vector<512x128xi32>
          %jit3A_604 = arith.constant -1 : i32
          %broadcast_in_dim3A_605 = vector.broadcast %jit3A_604 : i32 to vector<512x128xi32>
          %select_n3A_606 = arith.select %eq3A_603, %add3A_530, %broadcast_in_dim3A_605 : vector<512x128xi1>, vector<512x128xi32>
          %reduce_max3A_607 = arith.constant dense<-2147483648> : vector<128xi32>
          %reduce_max3A_608 = vector.multi_reduction <maxsi>, %select_n3A_606, %reduce_max3A_607 [0] : vector<512x128xi32> to vector<128xi32>
          %broadcast_in_dim3A_609 = vector.shape_cast %reduce_max3A_608 : vector<128xi32> to vector<1x128xi32>
          %max3A_610 = arith.maxsi %max3A_523, %broadcast_in_dim3A_609 : vector<1x128xi32>
          %concatenate3A = tpu.concatenate %max3A_540, %max3A_550, %max3A_560, %max3A_570, %max3A_580, %max3A_590, %max3A_600, %max3A_610 in 0 : vector<1x128xi32>, vector<1x128xi32>, vector<1x128xi32>, vector<1x128xi32>, vector<1x128xi32>, vector<1x128xi32>, vector<1x128xi32>, vector<1x128xi32> -> vector<8x128xi32>
          scf.yield %concatenate3A : vector<8x128xi32>
        }
        scf.yield %cond3A_252 : vector<8x128xi32>
      } else {
        %broadcast_in_dim3A = arith.constant -1 : i32
        %broadcast_in_dim3A_248 = vector.broadcast %broadcast_in_dim3A : i32 to vector<1x128xi32>
        %broadcast_in_dim3A_249 = arith.constant -1 : i32
        %broadcast_in_dim3A_250 = vector.broadcast %broadcast_in_dim3A_249 : i32 to vector<1x128xi32>
        %broadcast_in_dim3A_251 = arith.constant -1 : i32
        %broadcast_in_dim3A_252 = vector.broadcast %broadcast_in_dim3A_251 : i32 to vector<1x128xi32>
        %broadcast_in_dim3A_253 = arith.constant -1 : i32
        %broadcast_in_dim3A_254 = vector.broadcast %broadcast_in_dim3A_253 : i32 to vector<1x128xi32>
        %broadcast_in_dim3A_255 = arith.constant -1 : i32
        %broadcast_in_dim3A_256 = vector.broadcast %broadcast_in_dim3A_255 : i32 to vector<1x128xi32>
        %broadcast_in_dim3A_257 = arith.constant -1 : i32
        %broadcast_in_dim3A_258 = vector.broadcast %broadcast_in_dim3A_257 : i32 to vector<1x128xi32>
        %broadcast_in_dim3A_259 = arith.constant -1 : i32
        %broadcast_in_dim3A_260 = vector.broadcast %broadcast_in_dim3A_259 : i32 to vector<1x128xi32>
        %broadcast_in_dim3A_261 = arith.constant -1 : i32
        %broadcast_in_dim3A_262 = vector.broadcast %broadcast_in_dim3A_261 : i32 to vector<1x128xi32>
        %get3A_263 = arith.constant 1024 : index
        %get3A_264 = arith.constant 0 : index
        %get3A_265 = vector.load %arg15[%get3A_263, %get3A_264] : memref<4096x128xi32, #tpu.memory_space<vmem>>, vector<512x128xi32>
        %iota3A = tpu.iota {dimensions = array<i32: 0>} : vector<512x128xi32>
        %add3A_266 = arith.constant 1024 : i32
        %add3A_267 = vector.broadcast %add3A_266 : i32 to vector<512x128xi32>
        %add3A_268 = arith.addi %iota3A, %add3A_267 : vector<512x128xi32>
        %slice3A_269 = vector.extract_strided_slice %get3A_142 {offsets = [0, 0], sizes = [1, 128], strides = [1, 1]} : vector<8x128xi32> to vector<1x128xi32>
        %eq3A_270 = vector.broadcast %slice3A_269 : vector<1x128xi32> to vector<512x128xi32>
        %eq3A_271 = arith.cmpi eq, %get3A_265, %eq3A_270 : vector<512x128xi32>
        %jit3A = arith.constant -1 : i32
        %broadcast_in_dim3A_272 = vector.broadcast %jit3A : i32 to vector<512x128xi32>
        %select_n3A = arith.select %eq3A_271, %add3A_268, %broadcast_in_dim3A_272 : vector<512x128xi1>, vector<512x128xi32>
        %reduce_max3A = arith.constant dense<-2147483648> : vector<128xi32>
        %reduce_max3A_273 = vector.multi_reduction <maxsi>, %select_n3A, %reduce_max3A [0] : vector<512x128xi32> to vector<128xi32>
        %broadcast_in_dim3A_274 = vector.shape_cast %reduce_max3A_273 : vector<128xi32> to vector<1x128xi32>
        %max3A = arith.maxsi %broadcast_in_dim3A_248, %broadcast_in_dim3A_274 : vector<1x128xi32>
        %slice3A_275 = vector.extract_strided_slice %get3A_142 {offsets = [1, 0], sizes = [1, 128], strides = [1, 1]} : vector<8x128xi32> to vector<1x128xi32>
        %eq3A_276 = vector.broadcast %slice3A_275 : vector<1x128xi32> to vector<512x128xi32>
        %eq3A_277 = arith.cmpi eq, %get3A_265, %eq3A_276 : vector<512x128xi32>
        %jit3A_278 = arith.constant -1 : i32
        %broadcast_in_dim3A_279 = vector.broadcast %jit3A_278 : i32 to vector<512x128xi32>
        %select_n3A_280 = arith.select %eq3A_277, %add3A_268, %broadcast_in_dim3A_279 : vector<512x128xi1>, vector<512x128xi32>
        %reduce_max3A_281 = arith.constant dense<-2147483648> : vector<128xi32>
        %reduce_max3A_282 = vector.multi_reduction <maxsi>, %select_n3A_280, %reduce_max3A_281 [0] : vector<512x128xi32> to vector<128xi32>
        %broadcast_in_dim3A_283 = vector.shape_cast %reduce_max3A_282 : vector<128xi32> to vector<1x128xi32>
        %max3A_284 = arith.maxsi %broadcast_in_dim3A_250, %broadcast_in_dim3A_283 : vector<1x128xi32>
        %slice3A_285 = vector.extract_strided_slice %get3A_142 {offsets = [2, 0], sizes = [1, 128], strides = [1, 1]} : vector<8x128xi32> to vector<1x128xi32>
        %eq3A_286 = vector.broadcast %slice3A_285 : vector<1x128xi32> to vector<512x128xi32>
        %eq3A_287 = arith.cmpi eq, %get3A_265, %eq3A_286 : vector<512x128xi32>
        %jit3A_288 = arith.constant -1 : i32
        %broadcast_in_dim3A_289 = vector.broadcast %jit3A_288 : i32 to vector<512x128xi32>
        %select_n3A_290 = arith.select %eq3A_287, %add3A_268, %broadcast_in_dim3A_289 : vector<512x128xi1>, vector<512x128xi32>
        %reduce_max3A_291 = arith.constant dense<-2147483648> : vector<128xi32>
        %reduce_max3A_292 = vector.multi_reduction <maxsi>, %select_n3A_290, %reduce_max3A_291 [0] : vector<512x128xi32> to vector<128xi32>
        %broadcast_in_dim3A_293 = vector.shape_cast %reduce_max3A_292 : vector<128xi32> to vector<1x128xi32>
        %max3A_294 = arith.maxsi %broadcast_in_dim3A_252, %broadcast_in_dim3A_293 : vector<1x128xi32>
        %slice3A_295 = vector.extract_strided_slice %get3A_142 {offsets = [3, 0], sizes = [1, 128], strides = [1, 1]} : vector<8x128xi32> to vector<1x128xi32>
        %eq3A_296 = vector.broadcast %slice3A_295 : vector<1x128xi32> to vector<512x128xi32>
        %eq3A_297 = arith.cmpi eq, %get3A_265, %eq3A_296 : vector<512x128xi32>
        %jit3A_298 = arith.constant -1 : i32
        %broadcast_in_dim3A_299 = vector.broadcast %jit3A_298 : i32 to vector<512x128xi32>
        %select_n3A_300 = arith.select %eq3A_297, %add3A_268, %broadcast_in_dim3A_299 : vector<512x128xi1>, vector<512x128xi32>
        %reduce_max3A_301 = arith.constant dense<-2147483648> : vector<128xi32>
        %reduce_max3A_302 = vector.multi_reduction <maxsi>, %select_n3A_300, %reduce_max3A_301 [0] : vector<512x128xi32> to vector<128xi32>
        %broadcast_in_dim3A_303 = vector.shape_cast %reduce_max3A_302 : vector<128xi32> to vector<1x128xi32>
        %max3A_304 = arith.maxsi %broadcast_in_dim3A_254, %broadcast_in_dim3A_303 : vector<1x128xi32>
        %slice3A_305 = vector.extract_strided_slice %get3A_142 {offsets = [4, 0], sizes = [1, 128], strides = [1, 1]} : vector<8x128xi32> to vector<1x128xi32>
        %eq3A_306 = vector.broadcast %slice3A_305 : vector<1x128xi32> to vector<512x128xi32>
        %eq3A_307 = arith.cmpi eq, %get3A_265, %eq3A_306 : vector<512x128xi32>
        %jit3A_308 = arith.constant -1 : i32
        %broadcast_in_dim3A_309 = vector.broadcast %jit3A_308 : i32 to vector<512x128xi32>
        %select_n3A_310 = arith.select %eq3A_307, %add3A_268, %broadcast_in_dim3A_309 : vector<512x128xi1>, vector<512x128xi32>
        %reduce_max3A_311 = arith.constant dense<-2147483648> : vector<128xi32>
        %reduce_max3A_312 = vector.multi_reduction <maxsi>, %select_n3A_310, %reduce_max3A_311 [0] : vector<512x128xi32> to vector<128xi32>
        %broadcast_in_dim3A_313 = vector.shape_cast %reduce_max3A_312 : vector<128xi32> to vector<1x128xi32>
        %max3A_314 = arith.maxsi %broadcast_in_dim3A_256, %broadcast_in_dim3A_313 : vector<1x128xi32>
        %slice3A_315 = vector.extract_strided_slice %get3A_142 {offsets = [5, 0], sizes = [1, 128], strides = [1, 1]} : vector<8x128xi32> to vector<1x128xi32>
        %eq3A_316 = vector.broadcast %slice3A_315 : vector<1x128xi32> to vector<512x128xi32>
        %eq3A_317 = arith.cmpi eq, %get3A_265, %eq3A_316 : vector<512x128xi32>
        %jit3A_318 = arith.constant -1 : i32
        %broadcast_in_dim3A_319 = vector.broadcast %jit3A_318 : i32 to vector<512x128xi32>
        %select_n3A_320 = arith.select %eq3A_317, %add3A_268, %broadcast_in_dim3A_319 : vector<512x128xi1>, vector<512x128xi32>
        %reduce_max3A_321 = arith.constant dense<-2147483648> : vector<128xi32>
        %reduce_max3A_322 = vector.multi_reduction <maxsi>, %select_n3A_320, %reduce_max3A_321 [0] : vector<512x128xi32> to vector<128xi32>
        %broadcast_in_dim3A_323 = vector.shape_cast %reduce_max3A_322 : vector<128xi32> to vector<1x128xi32>
        %max3A_324 = arith.maxsi %broadcast_in_dim3A_258, %broadcast_in_dim3A_323 : vector<1x128xi32>
        %slice3A_325 = vector.extract_strided_slice %get3A_142 {offsets = [6, 0], sizes = [1, 128], strides = [1, 1]} : vector<8x128xi32> to vector<1x128xi32>
        %eq3A_326 = vector.broadcast %slice3A_325 : vector<1x128xi32> to vector<512x128xi32>
        %eq3A_327 = arith.cmpi eq, %get3A_265, %eq3A_326 : vector<512x128xi32>
        %jit3A_328 = arith.constant -1 : i32
        %broadcast_in_dim3A_329 = vector.broadcast %jit3A_328 : i32 to vector<512x128xi32>
        %select_n3A_330 = arith.select %eq3A_327, %add3A_268, %broadcast_in_dim3A_329 : vector<512x128xi1>, vector<512x128xi32>
        %reduce_max3A_331 = arith.constant dense<-2147483648> : vector<128xi32>
        %reduce_max3A_332 = vector.multi_reduction <maxsi>, %select_n3A_330, %reduce_max3A_331 [0] : vector<512x128xi32> to vector<128xi32>
        %broadcast_in_dim3A_333 = vector.shape_cast %reduce_max3A_332 : vector<128xi32> to vector<1x128xi32>
        %max3A_334 = arith.maxsi %broadcast_in_dim3A_260, %broadcast_in_dim3A_333 : vector<1x128xi32>
        %slice3A_335 = vector.extract_strided_slice %get3A_142 {offsets = [7, 0], sizes = [1, 128], strides = [1, 1]} : vector<8x128xi32> to vector<1x128xi32>
        %eq3A_336 = vector.broadcast %slice3A_335 : vector<1x128xi32> to vector<512x128xi32>
        %eq3A_337 = arith.cmpi eq, %get3A_265, %eq3A_336 : vector<512x128xi32>
        %jit3A_338 = arith.constant -1 : i32
        %broadcast_in_dim3A_339 = vector.broadcast %jit3A_338 : i32 to vector<512x128xi32>
        %select_n3A_340 = arith.select %eq3A_337, %add3A_268, %broadcast_in_dim3A_339 : vector<512x128xi1>, vector<512x128xi32>
        %reduce_max3A_341 = arith.constant dense<-2147483648> : vector<128xi32>
        %reduce_max3A_342 = vector.multi_reduction <maxsi>, %select_n3A_340, %reduce_max3A_341 [0] : vector<512x128xi32> to vector<128xi32>
        %broadcast_in_dim3A_343 = vector.shape_cast %reduce_max3A_342 : vector<128xi32> to vector<1x128xi32>
        %max3A_344 = arith.maxsi %broadcast_in_dim3A_262, %broadcast_in_dim3A_343 : vector<1x128xi32>
        %get3A_345 = arith.constant 1536 : index
        %get3A_346 = arith.constant 0 : index
        %get3A_347 = vector.load %arg15[%get3A_345, %get3A_346] : memref<4096x128xi32, #tpu.memory_space<vmem>>, vector<512x128xi32>
        %iota3A_348 = tpu.iota {dimensions = array<i32: 0>} : vector<512x128xi32>
        %add3A_349 = arith.constant 1536 : i32
        %add3A_350 = vector.broadcast %add3A_349 : i32 to vector<512x128xi32>
        %add3A_351 = arith.addi %iota3A_348, %add3A_350 : vector<512x128xi32>
        %slice3A_352 = vector.extract_strided_slice %get3A_142 {offsets = [0, 0], sizes = [1, 128], strides = [1, 1]} : vector<8x128xi32> to vector<1x128xi32>
        %eq3A_353 = vector.broadcast %slice3A_352 : vector<1x128xi32> to vector<512x128xi32>
        %eq3A_354 = arith.cmpi eq, %get3A_347, %eq3A_353 : vector<512x128xi32>
        %jit3A_355 = arith.constant -1 : i32
        %broadcast_in_dim3A_356 = vector.broadcast %jit3A_355 : i32 to vector<512x128xi32>
        %select_n3A_357 = arith.select %eq3A_354, %add3A_351, %broadcast_in_dim3A_356 : vector<512x128xi1>, vector<512x128xi32>
        %reduce_max3A_358 = arith.constant dense<-2147483648> : vector<128xi32>
        %reduce_max3A_359 = vector.multi_reduction <maxsi>, %select_n3A_357, %reduce_max3A_358 [0] : vector<512x128xi32> to vector<128xi32>
        %broadcast_in_dim3A_360 = vector.shape_cast %reduce_max3A_359 : vector<128xi32> to vector<1x128xi32>
        %max3A_361 = arith.maxsi %max3A, %broadcast_in_dim3A_360 : vector<1x128xi32>
        %slice3A_362 = vector.extract_strided_slice %get3A_142 {offsets = [1, 0], sizes = [1, 128], strides = [1, 1]} : vector<8x128xi32> to vector<1x128xi32>
        %eq3A_363 = vector.broadcast %slice3A_362 : vector<1x128xi32> to vector<512x128xi32>
        %eq3A_364 = arith.cmpi eq, %get3A_347, %eq3A_363 : vector<512x128xi32>
        %jit3A_365 = arith.constant -1 : i32
        %broadcast_in_dim3A_366 = vector.broadcast %jit3A_365 : i32 to vector<512x128xi32>
        %select_n3A_367 = arith.select %eq3A_364, %add3A_351, %broadcast_in_dim3A_366 : vector<512x128xi1>, vector<512x128xi32>
        %reduce_max3A_368 = arith.constant dense<-2147483648> : vector<128xi32>
        %reduce_max3A_369 = vector.multi_reduction <maxsi>, %select_n3A_367, %reduce_max3A_368 [0] : vector<512x128xi32> to vector<128xi32>
        %broadcast_in_dim3A_370 = vector.shape_cast %reduce_max3A_369 : vector<128xi32> to vector<1x128xi32>
        %max3A_371 = arith.maxsi %max3A_284, %broadcast_in_dim3A_370 : vector<1x128xi32>
        %slice3A_372 = vector.extract_strided_slice %get3A_142 {offsets = [2, 0], sizes = [1, 128], strides = [1, 1]} : vector<8x128xi32> to vector<1x128xi32>
        %eq3A_373 = vector.broadcast %slice3A_372 : vector<1x128xi32> to vector<512x128xi32>
        %eq3A_374 = arith.cmpi eq, %get3A_347, %eq3A_373 : vector<512x128xi32>
        %jit3A_375 = arith.constant -1 : i32
        %broadcast_in_dim3A_376 = vector.broadcast %jit3A_375 : i32 to vector<512x128xi32>
        %select_n3A_377 = arith.select %eq3A_374, %add3A_351, %broadcast_in_dim3A_376 : vector<512x128xi1>, vector<512x128xi32>
        %reduce_max3A_378 = arith.constant dense<-2147483648> : vector<128xi32>
        %reduce_max3A_379 = vector.multi_reduction <maxsi>, %select_n3A_377, %reduce_max3A_378 [0] : vector<512x128xi32> to vector<128xi32>
        %broadcast_in_dim3A_380 = vector.shape_cast %reduce_max3A_379 : vector<128xi32> to vector<1x128xi32>
        %max3A_381 = arith.maxsi %max3A_294, %broadcast_in_dim3A_380 : vector<1x128xi32>
        %slice3A_382 = vector.extract_strided_slice %get3A_142 {offsets = [3, 0], sizes = [1, 128], strides = [1, 1]} : vector<8x128xi32> to vector<1x128xi32>
        %eq3A_383 = vector.broadcast %slice3A_382 : vector<1x128xi32> to vector<512x128xi32>
        %eq3A_384 = arith.cmpi eq, %get3A_347, %eq3A_383 : vector<512x128xi32>
        %jit3A_385 = arith.constant -1 : i32
        %broadcast_in_dim3A_386 = vector.broadcast %jit3A_385 : i32 to vector<512x128xi32>
        %select_n3A_387 = arith.select %eq3A_384, %add3A_351, %broadcast_in_dim3A_386 : vector<512x128xi1>, vector<512x128xi32>
        %reduce_max3A_388 = arith.constant dense<-2147483648> : vector<128xi32>
        %reduce_max3A_389 = vector.multi_reduction <maxsi>, %select_n3A_387, %reduce_max3A_388 [0] : vector<512x128xi32> to vector<128xi32>
        %broadcast_in_dim3A_390 = vector.shape_cast %reduce_max3A_389 : vector<128xi32> to vector<1x128xi32>
        %max3A_391 = arith.maxsi %max3A_304, %broadcast_in_dim3A_390 : vector<1x128xi32>
        %slice3A_392 = vector.extract_strided_slice %get3A_142 {offsets = [4, 0], sizes = [1, 128], strides = [1, 1]} : vector<8x128xi32> to vector<1x128xi32>
        %eq3A_393 = vector.broadcast %slice3A_392 : vector<1x128xi32> to vector<512x128xi32>
        %eq3A_394 = arith.cmpi eq, %get3A_347, %eq3A_393 : vector<512x128xi32>
        %jit3A_395 = arith.constant -1 : i32
        %broadcast_in_dim3A_396 = vector.broadcast %jit3A_395 : i32 to vector<512x128xi32>
        %select_n3A_397 = arith.select %eq3A_394, %add3A_351, %broadcast_in_dim3A_396 : vector<512x128xi1>, vector<512x128xi32>
        %reduce_max3A_398 = arith.constant dense<-2147483648> : vector<128xi32>
        %reduce_max3A_399 = vector.multi_reduction <maxsi>, %select_n3A_397, %reduce_max3A_398 [0] : vector<512x128xi32> to vector<128xi32>
        %broadcast_in_dim3A_400 = vector.shape_cast %reduce_max3A_399 : vector<128xi32> to vector<1x128xi32>
        %max3A_401 = arith.maxsi %max3A_314, %broadcast_in_dim3A_400 : vector<1x128xi32>
        %slice3A_402 = vector.extract_strided_slice %get3A_142 {offsets = [5, 0], sizes = [1, 128], strides = [1, 1]} : vector<8x128xi32> to vector<1x128xi32>
        %eq3A_403 = vector.broadcast %slice3A_402 : vector<1x128xi32> to vector<512x128xi32>
        %eq3A_404 = arith.cmpi eq, %get3A_347, %eq3A_403 : vector<512x128xi32>
        %jit3A_405 = arith.constant -1 : i32
        %broadcast_in_dim3A_406 = vector.broadcast %jit3A_405 : i32 to vector<512x128xi32>
        %select_n3A_407 = arith.select %eq3A_404, %add3A_351, %broadcast_in_dim3A_406 : vector<512x128xi1>, vector<512x128xi32>
        %reduce_max3A_408 = arith.constant dense<-2147483648> : vector<128xi32>
        %reduce_max3A_409 = vector.multi_reduction <maxsi>, %select_n3A_407, %reduce_max3A_408 [0] : vector<512x128xi32> to vector<128xi32>
        %broadcast_in_dim3A_410 = vector.shape_cast %reduce_max3A_409 : vector<128xi32> to vector<1x128xi32>
        %max3A_411 = arith.maxsi %max3A_324, %broadcast_in_dim3A_410 : vector<1x128xi32>
        %slice3A_412 = vector.extract_strided_slice %get3A_142 {offsets = [6, 0], sizes = [1, 128], strides = [1, 1]} : vector<8x128xi32> to vector<1x128xi32>
        %eq3A_413 = vector.broadcast %slice3A_412 : vector<1x128xi32> to vector<512x128xi32>
        %eq3A_414 = arith.cmpi eq, %get3A_347, %eq3A_413 : vector<512x128xi32>
        %jit3A_415 = arith.constant -1 : i32
        %broadcast_in_dim3A_416 = vector.broadcast %jit3A_415 : i32 to vector<512x128xi32>
        %select_n3A_417 = arith.select %eq3A_414, %add3A_351, %broadcast_in_dim3A_416 : vector<512x128xi1>, vector<512x128xi32>
        %reduce_max3A_418 = arith.constant dense<-2147483648> : vector<128xi32>
        %reduce_max3A_419 = vector.multi_reduction <maxsi>, %select_n3A_417, %reduce_max3A_418 [0] : vector<512x128xi32> to vector<128xi32>
        %broadcast_in_dim3A_420 = vector.shape_cast %reduce_max3A_419 : vector<128xi32> to vector<1x128xi32>
        %max3A_421 = arith.maxsi %max3A_334, %broadcast_in_dim3A_420 : vector<1x128xi32>
        %slice3A_422 = vector.extract_strided_slice %get3A_142 {offsets = [7, 0], sizes = [1, 128], strides = [1, 1]} : vector<8x128xi32> to vector<1x128xi32>
        %eq3A_423 = vector.broadcast %slice3A_422 : vector<1x128xi32> to vector<512x128xi32>
        %eq3A_424 = arith.cmpi eq, %get3A_347, %eq3A_423 : vector<512x128xi32>
        %jit3A_425 = arith.constant -1 : i32
        %broadcast_in_dim3A_426 = vector.broadcast %jit3A_425 : i32 to vector<512x128xi32>
        %select_n3A_427 = arith.select %eq3A_424, %add3A_351, %broadcast_in_dim3A_426 : vector<512x128xi1>, vector<512x128xi32>
        %reduce_max3A_428 = arith.constant dense<-2147483648> : vector<128xi32>
        %reduce_max3A_429 = vector.multi_reduction <maxsi>, %select_n3A_427, %reduce_max3A_428 [0] : vector<512x128xi32> to vector<128xi32>
        %broadcast_in_dim3A_430 = vector.shape_cast %reduce_max3A_429 : vector<128xi32> to vector<1x128xi32>
        %max3A_431 = arith.maxsi %max3A_344, %broadcast_in_dim3A_430 : vector<1x128xi32>
        %get3A_432 = arith.constant 2048 : index
        %get3A_433 = arith.constant 0 : index
        %get3A_434 = vector.load %arg15[%get3A_432, %get3A_433] : memref<4096x128xi32, #tpu.memory_space<vmem>>, vector<512x128xi32>
        %iota3A_435 = tpu.iota {dimensions = array<i32: 0>} : vector<512x128xi32>
        %add3A_436 = arith.constant 2048 : i32
        %add3A_437 = vector.broadcast %add3A_436 : i32 to vector<512x128xi32>
        %add3A_438 = arith.addi %iota3A_435, %add3A_437 : vector<512x128xi32>
        %slice3A_439 = vector.extract_strided_slice %get3A_142 {offsets = [0, 0], sizes = [1, 128], strides = [1, 1]} : vector<8x128xi32> to vector<1x128xi32>
        %eq3A_440 = vector.broadcast %slice3A_439 : vector<1x128xi32> to vector<512x128xi32>
        %eq3A_441 = arith.cmpi eq, %get3A_434, %eq3A_440 : vector<512x128xi32>
        %jit3A_442 = arith.constant -1 : i32
        %broadcast_in_dim3A_443 = vector.broadcast %jit3A_442 : i32 to vector<512x128xi32>
        %select_n3A_444 = arith.select %eq3A_441, %add3A_438, %broadcast_in_dim3A_443 : vector<512x128xi1>, vector<512x128xi32>
        %reduce_max3A_445 = arith.constant dense<-2147483648> : vector<128xi32>
        %reduce_max3A_446 = vector.multi_reduction <maxsi>, %select_n3A_444, %reduce_max3A_445 [0] : vector<512x128xi32> to vector<128xi32>
        %broadcast_in_dim3A_447 = vector.shape_cast %reduce_max3A_446 : vector<128xi32> to vector<1x128xi32>
        %max3A_448 = arith.maxsi %max3A_361, %broadcast_in_dim3A_447 : vector<1x128xi32>
        %slice3A_449 = vector.extract_strided_slice %get3A_142 {offsets = [1, 0], sizes = [1, 128], strides = [1, 1]} : vector<8x128xi32> to vector<1x128xi32>
        %eq3A_450 = vector.broadcast %slice3A_449 : vector<1x128xi32> to vector<512x128xi32>
        %eq3A_451 = arith.cmpi eq, %get3A_434, %eq3A_450 : vector<512x128xi32>
        %jit3A_452 = arith.constant -1 : i32
        %broadcast_in_dim3A_453 = vector.broadcast %jit3A_452 : i32 to vector<512x128xi32>
        %select_n3A_454 = arith.select %eq3A_451, %add3A_438, %broadcast_in_dim3A_453 : vector<512x128xi1>, vector<512x128xi32>
        %reduce_max3A_455 = arith.constant dense<-2147483648> : vector<128xi32>
        %reduce_max3A_456 = vector.multi_reduction <maxsi>, %select_n3A_454, %reduce_max3A_455 [0] : vector<512x128xi32> to vector<128xi32>
        %broadcast_in_dim3A_457 = vector.shape_cast %reduce_max3A_456 : vector<128xi32> to vector<1x128xi32>
        %max3A_458 = arith.maxsi %max3A_371, %broadcast_in_dim3A_457 : vector<1x128xi32>
        %slice3A_459 = vector.extract_strided_slice %get3A_142 {offsets = [2, 0], sizes = [1, 128], strides = [1, 1]} : vector<8x128xi32> to vector<1x128xi32>
        %eq3A_460 = vector.broadcast %slice3A_459 : vector<1x128xi32> to vector<512x128xi32>
        %eq3A_461 = arith.cmpi eq, %get3A_434, %eq3A_460 : vector<512x128xi32>
        %jit3A_462 = arith.constant -1 : i32
        %broadcast_in_dim3A_463 = vector.broadcast %jit3A_462 : i32 to vector<512x128xi32>
        %select_n3A_464 = arith.select %eq3A_461, %add3A_438, %broadcast_in_dim3A_463 : vector<512x128xi1>, vector<512x128xi32>
        %reduce_max3A_465 = arith.constant dense<-2147483648> : vector<128xi32>
        %reduce_max3A_466 = vector.multi_reduction <maxsi>, %select_n3A_464, %reduce_max3A_465 [0] : vector<512x128xi32> to vector<128xi32>
        %broadcast_in_dim3A_467 = vector.shape_cast %reduce_max3A_466 : vector<128xi32> to vector<1x128xi32>
        %max3A_468 = arith.maxsi %max3A_381, %broadcast_in_dim3A_467 : vector<1x128xi32>
        %slice3A_469 = vector.extract_strided_slice %get3A_142 {offsets = [3, 0], sizes = [1, 128], strides = [1, 1]} : vector<8x128xi32> to vector<1x128xi32>
        %eq3A_470 = vector.broadcast %slice3A_469 : vector<1x128xi32> to vector<512x128xi32>
        %eq3A_471 = arith.cmpi eq, %get3A_434, %eq3A_470 : vector<512x128xi32>
        %jit3A_472 = arith.constant -1 : i32
        %broadcast_in_dim3A_473 = vector.broadcast %jit3A_472 : i32 to vector<512x128xi32>
        %select_n3A_474 = arith.select %eq3A_471, %add3A_438, %broadcast_in_dim3A_473 : vector<512x128xi1>, vector<512x128xi32>
        %reduce_max3A_475 = arith.constant dense<-2147483648> : vector<128xi32>
        %reduce_max3A_476 = vector.multi_reduction <maxsi>, %select_n3A_474, %reduce_max3A_475 [0] : vector<512x128xi32> to vector<128xi32>
        %broadcast_in_dim3A_477 = vector.shape_cast %reduce_max3A_476 : vector<128xi32> to vector<1x128xi32>
        %max3A_478 = arith.maxsi %max3A_391, %broadcast_in_dim3A_477 : vector<1x128xi32>
        %slice3A_479 = vector.extract_strided_slice %get3A_142 {offsets = [4, 0], sizes = [1, 128], strides = [1, 1]} : vector<8x128xi32> to vector<1x128xi32>
        %eq3A_480 = vector.broadcast %slice3A_479 : vector<1x128xi32> to vector<512x128xi32>
        %eq3A_481 = arith.cmpi eq, %get3A_434, %eq3A_480 : vector<512x128xi32>
        %jit3A_482 = arith.constant -1 : i32
        %broadcast_in_dim3A_483 = vector.broadcast %jit3A_482 : i32 to vector<512x128xi32>
        %select_n3A_484 = arith.select %eq3A_481, %add3A_438, %broadcast_in_dim3A_483 : vector<512x128xi1>, vector<512x128xi32>
        %reduce_max3A_485 = arith.constant dense<-2147483648> : vector<128xi32>
        %reduce_max3A_486 = vector.multi_reduction <maxsi>, %select_n3A_484, %reduce_max3A_485 [0] : vector<512x128xi32> to vector<128xi32>
        %broadcast_in_dim3A_487 = vector.shape_cast %reduce_max3A_486 : vector<128xi32> to vector<1x128xi32>
        %max3A_488 = arith.maxsi %max3A_401, %broadcast_in_dim3A_487 : vector<1x128xi32>
        %slice3A_489 = vector.extract_strided_slice %get3A_142 {offsets = [5, 0], sizes = [1, 128], strides = [1, 1]} : vector<8x128xi32> to vector<1x128xi32>
        %eq3A_490 = vector.broadcast %slice3A_489 : vector<1x128xi32> to vector<512x128xi32>
        %eq3A_491 = arith.cmpi eq, %get3A_434, %eq3A_490 : vector<512x128xi32>
        %jit3A_492 = arith.constant -1 : i32
        %broadcast_in_dim3A_493 = vector.broadcast %jit3A_492 : i32 to vector<512x128xi32>
        %select_n3A_494 = arith.select %eq3A_491, %add3A_438, %broadcast_in_dim3A_493 : vector<512x128xi1>, vector<512x128xi32>
        %reduce_max3A_495 = arith.constant dense<-2147483648> : vector<128xi32>
        %reduce_max3A_496 = vector.multi_reduction <maxsi>, %select_n3A_494, %reduce_max3A_495 [0] : vector<512x128xi32> to vector<128xi32>
        %broadcast_in_dim3A_497 = vector.shape_cast %reduce_max3A_496 : vector<128xi32> to vector<1x128xi32>
        %max3A_498 = arith.maxsi %max3A_411, %broadcast_in_dim3A_497 : vector<1x128xi32>
        %slice3A_499 = vector.extract_strided_slice %get3A_142 {offsets = [6, 0], sizes = [1, 128], strides = [1, 1]} : vector<8x128xi32> to vector<1x128xi32>
        %eq3A_500 = vector.broadcast %slice3A_499 : vector<1x128xi32> to vector<512x128xi32>
        %eq3A_501 = arith.cmpi eq, %get3A_434, %eq3A_500 : vector<512x128xi32>
        %jit3A_502 = arith.constant -1 : i32
        %broadcast_in_dim3A_503 = vector.broadcast %jit3A_502 : i32 to vector<512x128xi32>
        %select_n3A_504 = arith.select %eq3A_501, %add3A_438, %broadcast_in_dim3A_503 : vector<512x128xi1>, vector<512x128xi32>
        %reduce_max3A_505 = arith.constant dense<-2147483648> : vector<128xi32>
        %reduce_max3A_506 = vector.multi_reduction <maxsi>, %select_n3A_504, %reduce_max3A_505 [0] : vector<512x128xi32> to vector<128xi32>
        %broadcast_in_dim3A_507 = vector.shape_cast %reduce_max3A_506 : vector<128xi32> to vector<1x128xi32>
        %max3A_508 = arith.maxsi %max3A_421, %broadcast_in_dim3A_507 : vector<1x128xi32>
        %slice3A_509 = vector.extract_strided_slice %get3A_142 {offsets = [7, 0], sizes = [1, 128], strides = [1, 1]} : vector<8x128xi32> to vector<1x128xi32>
        %eq3A_510 = vector.broadcast %slice3A_509 : vector<1x128xi32> to vector<512x128xi32>
        %eq3A_511 = arith.cmpi eq, %get3A_434, %eq3A_510 : vector<512x128xi32>
        %jit3A_512 = arith.constant -1 : i32
        %broadcast_in_dim3A_513 = vector.broadcast %jit3A_512 : i32 to vector<512x128xi32>
        %select_n3A_514 = arith.select %eq3A_511, %add3A_438, %broadcast_in_dim3A_513 : vector<512x128xi1>, vector<512x128xi32>
        %reduce_max3A_515 = arith.constant dense<-2147483648> : vector<128xi32>
        %reduce_max3A_516 = vector.multi_reduction <maxsi>, %select_n3A_514, %reduce_max3A_515 [0] : vector<512x128xi32> to vector<128xi32>
        %broadcast_in_dim3A_517 = vector.shape_cast %reduce_max3A_516 : vector<128xi32> to vector<1x128xi32>
        %max3A_518 = arith.maxsi %max3A_431, %broadcast_in_dim3A_517 : vector<1x128xi32>
        %get3A_519 = arith.constant 2560 : index
        %get3A_520 = arith.constant 0 : index
        %get3A_521 = vector.load %arg15[%get3A_519, %get3A_520] : memref<4096x128xi32, #tpu.memory_space<vmem>>, vector<512x128xi32>
        %iota3A_522 = tpu.iota {dimensions = array<i32: 0>} : vector<512x128xi32>
        %add3A_523 = arith.constant 2560 : i32
        %add3A_524 = vector.broadcast %add3A_523 : i32 to vector<512x128xi32>
        %add3A_525 = arith.addi %iota3A_522, %add3A_524 : vector<512x128xi32>
        %slice3A_526 = vector.extract_strided_slice %get3A_142 {offsets = [0, 0], sizes = [1, 128], strides = [1, 1]} : vector<8x128xi32> to vector<1x128xi32>
        %eq3A_527 = vector.broadcast %slice3A_526 : vector<1x128xi32> to vector<512x128xi32>
        %eq3A_528 = arith.cmpi eq, %get3A_521, %eq3A_527 : vector<512x128xi32>
        %jit3A_529 = arith.constant -1 : i32
        %broadcast_in_dim3A_530 = vector.broadcast %jit3A_529 : i32 to vector<512x128xi32>
        %select_n3A_531 = arith.select %eq3A_528, %add3A_525, %broadcast_in_dim3A_530 : vector<512x128xi1>, vector<512x128xi32>
        %reduce_max3A_532 = arith.constant dense<-2147483648> : vector<128xi32>
        %reduce_max3A_533 = vector.multi_reduction <maxsi>, %select_n3A_531, %reduce_max3A_532 [0] : vector<512x128xi32> to vector<128xi32>
        %broadcast_in_dim3A_534 = vector.shape_cast %reduce_max3A_533 : vector<128xi32> to vector<1x128xi32>
        %max3A_535 = arith.maxsi %max3A_448, %broadcast_in_dim3A_534 : vector<1x128xi32>
        %slice3A_536 = vector.extract_strided_slice %get3A_142 {offsets = [1, 0], sizes = [1, 128], strides = [1, 1]} : vector<8x128xi32> to vector<1x128xi32>
        %eq3A_537 = vector.broadcast %slice3A_536 : vector<1x128xi32> to vector<512x128xi32>
        %eq3A_538 = arith.cmpi eq, %get3A_521, %eq3A_537 : vector<512x128xi32>
        %jit3A_539 = arith.constant -1 : i32
        %broadcast_in_dim3A_540 = vector.broadcast %jit3A_539 : i32 to vector<512x128xi32>
        %select_n3A_541 = arith.select %eq3A_538, %add3A_525, %broadcast_in_dim3A_540 : vector<512x128xi1>, vector<512x128xi32>
        %reduce_max3A_542 = arith.constant dense<-2147483648> : vector<128xi32>
        %reduce_max3A_543 = vector.multi_reduction <maxsi>, %select_n3A_541, %reduce_max3A_542 [0] : vector<512x128xi32> to vector<128xi32>
        %broadcast_in_dim3A_544 = vector.shape_cast %reduce_max3A_543 : vector<128xi32> to vector<1x128xi32>
        %max3A_545 = arith.maxsi %max3A_458, %broadcast_in_dim3A_544 : vector<1x128xi32>
        %slice3A_546 = vector.extract_strided_slice %get3A_142 {offsets = [2, 0], sizes = [1, 128], strides = [1, 1]} : vector<8x128xi32> to vector<1x128xi32>
        %eq3A_547 = vector.broadcast %slice3A_546 : vector<1x128xi32> to vector<512x128xi32>
        %eq3A_548 = arith.cmpi eq, %get3A_521, %eq3A_547 : vector<512x128xi32>
        %jit3A_549 = arith.constant -1 : i32
        %broadcast_in_dim3A_550 = vector.broadcast %jit3A_549 : i32 to vector<512x128xi32>
        %select_n3A_551 = arith.select %eq3A_548, %add3A_525, %broadcast_in_dim3A_550 : vector<512x128xi1>, vector<512x128xi32>
        %reduce_max3A_552 = arith.constant dense<-2147483648> : vector<128xi32>
        %reduce_max3A_553 = vector.multi_reduction <maxsi>, %select_n3A_551, %reduce_max3A_552 [0] : vector<512x128xi32> to vector<128xi32>
        %broadcast_in_dim3A_554 = vector.shape_cast %reduce_max3A_553 : vector<128xi32> to vector<1x128xi32>
        %max3A_555 = arith.maxsi %max3A_468, %broadcast_in_dim3A_554 : vector<1x128xi32>
        %slice3A_556 = vector.extract_strided_slice %get3A_142 {offsets = [3, 0], sizes = [1, 128], strides = [1, 1]} : vector<8x128xi32> to vector<1x128xi32>
        %eq3A_557 = vector.broadcast %slice3A_556 : vector<1x128xi32> to vector<512x128xi32>
        %eq3A_558 = arith.cmpi eq, %get3A_521, %eq3A_557 : vector<512x128xi32>
        %jit3A_559 = arith.constant -1 : i32
        %broadcast_in_dim3A_560 = vector.broadcast %jit3A_559 : i32 to vector<512x128xi32>
        %select_n3A_561 = arith.select %eq3A_558, %add3A_525, %broadcast_in_dim3A_560 : vector<512x128xi1>, vector<512x128xi32>
        %reduce_max3A_562 = arith.constant dense<-2147483648> : vector<128xi32>
        %reduce_max3A_563 = vector.multi_reduction <maxsi>, %select_n3A_561, %reduce_max3A_562 [0] : vector<512x128xi32> to vector<128xi32>
        %broadcast_in_dim3A_564 = vector.shape_cast %reduce_max3A_563 : vector<128xi32> to vector<1x128xi32>
        %max3A_565 = arith.maxsi %max3A_478, %broadcast_in_dim3A_564 : vector<1x128xi32>
        %slice3A_566 = vector.extract_strided_slice %get3A_142 {offsets = [4, 0], sizes = [1, 128], strides = [1, 1]} : vector<8x128xi32> to vector<1x128xi32>
        %eq3A_567 = vector.broadcast %slice3A_566 : vector<1x128xi32> to vector<512x128xi32>
        %eq3A_568 = arith.cmpi eq, %get3A_521, %eq3A_567 : vector<512x128xi32>
        %jit3A_569 = arith.constant -1 : i32
        %broadcast_in_dim3A_570 = vector.broadcast %jit3A_569 : i32 to vector<512x128xi32>
        %select_n3A_571 = arith.select %eq3A_568, %add3A_525, %broadcast_in_dim3A_570 : vector<512x128xi1>, vector<512x128xi32>
        %reduce_max3A_572 = arith.constant dense<-2147483648> : vector<128xi32>
        %reduce_max3A_573 = vector.multi_reduction <maxsi>, %select_n3A_571, %reduce_max3A_572 [0] : vector<512x128xi32> to vector<128xi32>
        %broadcast_in_dim3A_574 = vector.shape_cast %reduce_max3A_573 : vector<128xi32> to vector<1x128xi32>
        %max3A_575 = arith.maxsi %max3A_488, %broadcast_in_dim3A_574 : vector<1x128xi32>
        %slice3A_576 = vector.extract_strided_slice %get3A_142 {offsets = [5, 0], sizes = [1, 128], strides = [1, 1]} : vector<8x128xi32> to vector<1x128xi32>
        %eq3A_577 = vector.broadcast %slice3A_576 : vector<1x128xi32> to vector<512x128xi32>
        %eq3A_578 = arith.cmpi eq, %get3A_521, %eq3A_577 : vector<512x128xi32>
        %jit3A_579 = arith.constant -1 : i32
        %broadcast_in_dim3A_580 = vector.broadcast %jit3A_579 : i32 to vector<512x128xi32>
        %select_n3A_581 = arith.select %eq3A_578, %add3A_525, %broadcast_in_dim3A_580 : vector<512x128xi1>, vector<512x128xi32>
        %reduce_max3A_582 = arith.constant dense<-2147483648> : vector<128xi32>
        %reduce_max3A_583 = vector.multi_reduction <maxsi>, %select_n3A_581, %reduce_max3A_582 [0] : vector<512x128xi32> to vector<128xi32>
        %broadcast_in_dim3A_584 = vector.shape_cast %reduce_max3A_583 : vector<128xi32> to vector<1x128xi32>
        %max3A_585 = arith.maxsi %max3A_498, %broadcast_in_dim3A_584 : vector<1x128xi32>
        %slice3A_586 = vector.extract_strided_slice %get3A_142 {offsets = [6, 0], sizes = [1, 128], strides = [1, 1]} : vector<8x128xi32> to vector<1x128xi32>
        %eq3A_587 = vector.broadcast %slice3A_586 : vector<1x128xi32> to vector<512x128xi32>
        %eq3A_588 = arith.cmpi eq, %get3A_521, %eq3A_587 : vector<512x128xi32>
        %jit3A_589 = arith.constant -1 : i32
        %broadcast_in_dim3A_590 = vector.broadcast %jit3A_589 : i32 to vector<512x128xi32>
        %select_n3A_591 = arith.select %eq3A_588, %add3A_525, %broadcast_in_dim3A_590 : vector<512x128xi1>, vector<512x128xi32>
        %reduce_max3A_592 = arith.constant dense<-2147483648> : vector<128xi32>
        %reduce_max3A_593 = vector.multi_reduction <maxsi>, %select_n3A_591, %reduce_max3A_592 [0] : vector<512x128xi32> to vector<128xi32>
        %broadcast_in_dim3A_594 = vector.shape_cast %reduce_max3A_593 : vector<128xi32> to vector<1x128xi32>
        %max3A_595 = arith.maxsi %max3A_508, %broadcast_in_dim3A_594 : vector<1x128xi32>
        %slice3A_596 = vector.extract_strided_slice %get3A_142 {offsets = [7, 0], sizes = [1, 128], strides = [1, 1]} : vector<8x128xi32> to vector<1x128xi32>
        %eq3A_597 = vector.broadcast %slice3A_596 : vector<1x128xi32> to vector<512x128xi32>
        %eq3A_598 = arith.cmpi eq, %get3A_521, %eq3A_597 : vector<512x128xi32>
        %jit3A_599 = arith.constant -1 : i32
        %broadcast_in_dim3A_600 = vector.broadcast %jit3A_599 : i32 to vector<512x128xi32>
        %select_n3A_601 = arith.select %eq3A_598, %add3A_525, %broadcast_in_dim3A_600 : vector<512x128xi1>, vector<512x128xi32>
        %reduce_max3A_602 = arith.constant dense<-2147483648> : vector<128xi32>
        %reduce_max3A_603 = vector.multi_reduction <maxsi>, %select_n3A_601, %reduce_max3A_602 [0] : vector<512x128xi32> to vector<128xi32>
        %broadcast_in_dim3A_604 = vector.shape_cast %reduce_max3A_603 : vector<128xi32> to vector<1x128xi32>
        %max3A_605 = arith.maxsi %max3A_518, %broadcast_in_dim3A_604 : vector<1x128xi32>
        %get3A_606 = arith.constant 3072 : index
        %get3A_607 = arith.constant 0 : index
        %get3A_608 = vector.load %arg15[%get3A_606, %get3A_607] : memref<4096x128xi32, #tpu.memory_space<vmem>>, vector<512x128xi32>
        %iota3A_609 = tpu.iota {dimensions = array<i32: 0>} : vector<512x128xi32>
        %add3A_610 = arith.constant 3072 : i32
        %add3A_611 = vector.broadcast %add3A_610 : i32 to vector<512x128xi32>
        %add3A_612 = arith.addi %iota3A_609, %add3A_611 : vector<512x128xi32>
        %slice3A_613 = vector.extract_strided_slice %get3A_142 {offsets = [0, 0], sizes = [1, 128], strides = [1, 1]} : vector<8x128xi32> to vector<1x128xi32>
        %eq3A_614 = vector.broadcast %slice3A_613 : vector<1x128xi32> to vector<512x128xi32>
        %eq3A_615 = arith.cmpi eq, %get3A_608, %eq3A_614 : vector<512x128xi32>
        %jit3A_616 = arith.constant -1 : i32
        %broadcast_in_dim3A_617 = vector.broadcast %jit3A_616 : i32 to vector<512x128xi32>
        %select_n3A_618 = arith.select %eq3A_615, %add3A_612, %broadcast_in_dim3A_617 : vector<512x128xi1>, vector<512x128xi32>
        %reduce_max3A_619 = arith.constant dense<-2147483648> : vector<128xi32>
        %reduce_max3A_620 = vector.multi_reduction <maxsi>, %select_n3A_618, %reduce_max3A_619 [0] : vector<512x128xi32> to vector<128xi32>
        %broadcast_in_dim3A_621 = vector.shape_cast %reduce_max3A_620 : vector<128xi32> to vector<1x128xi32>
        %max3A_622 = arith.maxsi %max3A_535, %broadcast_in_dim3A_621 : vector<1x128xi32>
        %slice3A_623 = vector.extract_strided_slice %get3A_142 {offsets = [1, 0], sizes = [1, 128], strides = [1, 1]} : vector<8x128xi32> to vector<1x128xi32>
        %eq3A_624 = vector.broadcast %slice3A_623 : vector<1x128xi32> to vector<512x128xi32>
        %eq3A_625 = arith.cmpi eq, %get3A_608, %eq3A_624 : vector<512x128xi32>
        %jit3A_626 = arith.constant -1 : i32
        %broadcast_in_dim3A_627 = vector.broadcast %jit3A_626 : i32 to vector<512x128xi32>
        %select_n3A_628 = arith.select %eq3A_625, %add3A_612, %broadcast_in_dim3A_627 : vector<512x128xi1>, vector<512x128xi32>
        %reduce_max3A_629 = arith.constant dense<-2147483648> : vector<128xi32>
        %reduce_max3A_630 = vector.multi_reduction <maxsi>, %select_n3A_628, %reduce_max3A_629 [0] : vector<512x128xi32> to vector<128xi32>
        %broadcast_in_dim3A_631 = vector.shape_cast %reduce_max3A_630 : vector<128xi32> to vector<1x128xi32>
        %max3A_632 = arith.maxsi %max3A_545, %broadcast_in_dim3A_631 : vector<1x128xi32>
        %slice3A_633 = vector.extract_strided_slice %get3A_142 {offsets = [2, 0], sizes = [1, 128], strides = [1, 1]} : vector<8x128xi32> to vector<1x128xi32>
        %eq3A_634 = vector.broadcast %slice3A_633 : vector<1x128xi32> to vector<512x128xi32>
        %eq3A_635 = arith.cmpi eq, %get3A_608, %eq3A_634 : vector<512x128xi32>
        %jit3A_636 = arith.constant -1 : i32
        %broadcast_in_dim3A_637 = vector.broadcast %jit3A_636 : i32 to vector<512x128xi32>
        %select_n3A_638 = arith.select %eq3A_635, %add3A_612, %broadcast_in_dim3A_637 : vector<512x128xi1>, vector<512x128xi32>
        %reduce_max3A_639 = arith.constant dense<-2147483648> : vector<128xi32>
        %reduce_max3A_640 = vector.multi_reduction <maxsi>, %select_n3A_638, %reduce_max3A_639 [0] : vector<512x128xi32> to vector<128xi32>
        %broadcast_in_dim3A_641 = vector.shape_cast %reduce_max3A_640 : vector<128xi32> to vector<1x128xi32>
        %max3A_642 = arith.maxsi %max3A_555, %broadcast_in_dim3A_641 : vector<1x128xi32>
        %slice3A_643 = vector.extract_strided_slice %get3A_142 {offsets = [3, 0], sizes = [1, 128], strides = [1, 1]} : vector<8x128xi32> to vector<1x128xi32>
        %eq3A_644 = vector.broadcast %slice3A_643 : vector<1x128xi32> to vector<512x128xi32>
        %eq3A_645 = arith.cmpi eq, %get3A_608, %eq3A_644 : vector<512x128xi32>
        %jit3A_646 = arith.constant -1 : i32
        %broadcast_in_dim3A_647 = vector.broadcast %jit3A_646 : i32 to vector<512x128xi32>
        %select_n3A_648 = arith.select %eq3A_645, %add3A_612, %broadcast_in_dim3A_647 : vector<512x128xi1>, vector<512x128xi32>
        %reduce_max3A_649 = arith.constant dense<-2147483648> : vector<128xi32>
        %reduce_max3A_650 = vector.multi_reduction <maxsi>, %select_n3A_648, %reduce_max3A_649 [0] : vector<512x128xi32> to vector<128xi32>
        %broadcast_in_dim3A_651 = vector.shape_cast %reduce_max3A_650 : vector<128xi32> to vector<1x128xi32>
        %max3A_652 = arith.maxsi %max3A_565, %broadcast_in_dim3A_651 : vector<1x128xi32>
        %slice3A_653 = vector.extract_strided_slice %get3A_142 {offsets = [4, 0], sizes = [1, 128], strides = [1, 1]} : vector<8x128xi32> to vector<1x128xi32>
        %eq3A_654 = vector.broadcast %slice3A_653 : vector<1x128xi32> to vector<512x128xi32>
        %eq3A_655 = arith.cmpi eq, %get3A_608, %eq3A_654 : vector<512x128xi32>
        %jit3A_656 = arith.constant -1 : i32
        %broadcast_in_dim3A_657 = vector.broadcast %jit3A_656 : i32 to vector<512x128xi32>
        %select_n3A_658 = arith.select %eq3A_655, %add3A_612, %broadcast_in_dim3A_657 : vector<512x128xi1>, vector<512x128xi32>
        %reduce_max3A_659 = arith.constant dense<-2147483648> : vector<128xi32>
        %reduce_max3A_660 = vector.multi_reduction <maxsi>, %select_n3A_658, %reduce_max3A_659 [0] : vector<512x128xi32> to vector<128xi32>
        %broadcast_in_dim3A_661 = vector.shape_cast %reduce_max3A_660 : vector<128xi32> to vector<1x128xi32>
        %max3A_662 = arith.maxsi %max3A_575, %broadcast_in_dim3A_661 : vector<1x128xi32>
        %slice3A_663 = vector.extract_strided_slice %get3A_142 {offsets = [5, 0], sizes = [1, 128], strides = [1, 1]} : vector<8x128xi32> to vector<1x128xi32>
        %eq3A_664 = vector.broadcast %slice3A_663 : vector<1x128xi32> to vector<512x128xi32>
        %eq3A_665 = arith.cmpi eq, %get3A_608, %eq3A_664 : vector<512x128xi32>
        %jit3A_666 = arith.constant -1 : i32
        %broadcast_in_dim3A_667 = vector.broadcast %jit3A_666 : i32 to vector<512x128xi32>
        %select_n3A_668 = arith.select %eq3A_665, %add3A_612, %broadcast_in_dim3A_667 : vector<512x128xi1>, vector<512x128xi32>
        %reduce_max3A_669 = arith.constant dense<-2147483648> : vector<128xi32>
        %reduce_max3A_670 = vector.multi_reduction <maxsi>, %select_n3A_668, %reduce_max3A_669 [0] : vector<512x128xi32> to vector<128xi32>
        %broadcast_in_dim3A_671 = vector.shape_cast %reduce_max3A_670 : vector<128xi32> to vector<1x128xi32>
        %max3A_672 = arith.maxsi %max3A_585, %broadcast_in_dim3A_671 : vector<1x128xi32>
        %slice3A_673 = vector.extract_strided_slice %get3A_142 {offsets = [6, 0], sizes = [1, 128], strides = [1, 1]} : vector<8x128xi32> to vector<1x128xi32>
        %eq3A_674 = vector.broadcast %slice3A_673 : vector<1x128xi32> to vector<512x128xi32>
        %eq3A_675 = arith.cmpi eq, %get3A_608, %eq3A_674 : vector<512x128xi32>
        %jit3A_676 = arith.constant -1 : i32
        %broadcast_in_dim3A_677 = vector.broadcast %jit3A_676 : i32 to vector<512x128xi32>
        %select_n3A_678 = arith.select %eq3A_675, %add3A_612, %broadcast_in_dim3A_677 : vector<512x128xi1>, vector<512x128xi32>
        %reduce_max3A_679 = arith.constant dense<-2147483648> : vector<128xi32>
        %reduce_max3A_680 = vector.multi_reduction <maxsi>, %select_n3A_678, %reduce_max3A_679 [0] : vector<512x128xi32> to vector<128xi32>
        %broadcast_in_dim3A_681 = vector.shape_cast %reduce_max3A_680 : vector<128xi32> to vector<1x128xi32>
        %max3A_682 = arith.maxsi %max3A_595, %broadcast_in_dim3A_681 : vector<1x128xi32>
        %slice3A_683 = vector.extract_strided_slice %get3A_142 {offsets = [7, 0], sizes = [1, 128], strides = [1, 1]} : vector<8x128xi32> to vector<1x128xi32>
        %eq3A_684 = vector.broadcast %slice3A_683 : vector<1x128xi32> to vector<512x128xi32>
        %eq3A_685 = arith.cmpi eq, %get3A_608, %eq3A_684 : vector<512x128xi32>
        %jit3A_686 = arith.constant -1 : i32
        %broadcast_in_dim3A_687 = vector.broadcast %jit3A_686 : i32 to vector<512x128xi32>
        %select_n3A_688 = arith.select %eq3A_685, %add3A_612, %broadcast_in_dim3A_687 : vector<512x128xi1>, vector<512x128xi32>
        %reduce_max3A_689 = arith.constant dense<-2147483648> : vector<128xi32>
        %reduce_max3A_690 = vector.multi_reduction <maxsi>, %select_n3A_688, %reduce_max3A_689 [0] : vector<512x128xi32> to vector<128xi32>
        %broadcast_in_dim3A_691 = vector.shape_cast %reduce_max3A_690 : vector<128xi32> to vector<1x128xi32>
        %max3A_692 = arith.maxsi %max3A_605, %broadcast_in_dim3A_691 : vector<1x128xi32>
        %get3A_693 = arith.constant 3584 : index
        %get3A_694 = arith.constant 0 : index
        %get3A_695 = vector.load %arg15[%get3A_693, %get3A_694] : memref<4096x128xi32, #tpu.memory_space<vmem>>, vector<512x128xi32>
        %iota3A_696 = tpu.iota {dimensions = array<i32: 0>} : vector<512x128xi32>
        %add3A_697 = arith.constant 3584 : i32
        %add3A_698 = vector.broadcast %add3A_697 : i32 to vector<512x128xi32>
        %add3A_699 = arith.addi %iota3A_696, %add3A_698 : vector<512x128xi32>
        %slice3A_700 = vector.extract_strided_slice %get3A_142 {offsets = [0, 0], sizes = [1, 128], strides = [1, 1]} : vector<8x128xi32> to vector<1x128xi32>
        %eq3A_701 = vector.broadcast %slice3A_700 : vector<1x128xi32> to vector<512x128xi32>
        %eq3A_702 = arith.cmpi eq, %get3A_695, %eq3A_701 : vector<512x128xi32>
        %jit3A_703 = arith.constant -1 : i32
        %broadcast_in_dim3A_704 = vector.broadcast %jit3A_703 : i32 to vector<512x128xi32>
        %select_n3A_705 = arith.select %eq3A_702, %add3A_699, %broadcast_in_dim3A_704 : vector<512x128xi1>, vector<512x128xi32>
        %reduce_max3A_706 = arith.constant dense<-2147483648> : vector<128xi32>
        %reduce_max3A_707 = vector.multi_reduction <maxsi>, %select_n3A_705, %reduce_max3A_706 [0] : vector<512x128xi32> to vector<128xi32>
        %broadcast_in_dim3A_708 = vector.shape_cast %reduce_max3A_707 : vector<128xi32> to vector<1x128xi32>
        %max3A_709 = arith.maxsi %max3A_622, %broadcast_in_dim3A_708 : vector<1x128xi32>
        %slice3A_710 = vector.extract_strided_slice %get3A_142 {offsets = [1, 0], sizes = [1, 128], strides = [1, 1]} : vector<8x128xi32> to vector<1x128xi32>
        %eq3A_711 = vector.broadcast %slice3A_710 : vector<1x128xi32> to vector<512x128xi32>
        %eq3A_712 = arith.cmpi eq, %get3A_695, %eq3A_711 : vector<512x128xi32>
        %jit3A_713 = arith.constant -1 : i32
        %broadcast_in_dim3A_714 = vector.broadcast %jit3A_713 : i32 to vector<512x128xi32>
        %select_n3A_715 = arith.select %eq3A_712, %add3A_699, %broadcast_in_dim3A_714 : vector<512x128xi1>, vector<512x128xi32>
        %reduce_max3A_716 = arith.constant dense<-2147483648> : vector<128xi32>
        %reduce_max3A_717 = vector.multi_reduction <maxsi>, %select_n3A_715, %reduce_max3A_716 [0] : vector<512x128xi32> to vector<128xi32>
        %broadcast_in_dim3A_718 = vector.shape_cast %reduce_max3A_717 : vector<128xi32> to vector<1x128xi32>
        %max3A_719 = arith.maxsi %max3A_632, %broadcast_in_dim3A_718 : vector<1x128xi32>
        %slice3A_720 = vector.extract_strided_slice %get3A_142 {offsets = [2, 0], sizes = [1, 128], strides = [1, 1]} : vector<8x128xi32> to vector<1x128xi32>
        %eq3A_721 = vector.broadcast %slice3A_720 : vector<1x128xi32> to vector<512x128xi32>
        %eq3A_722 = arith.cmpi eq, %get3A_695, %eq3A_721 : vector<512x128xi32>
        %jit3A_723 = arith.constant -1 : i32
        %broadcast_in_dim3A_724 = vector.broadcast %jit3A_723 : i32 to vector<512x128xi32>
        %select_n3A_725 = arith.select %eq3A_722, %add3A_699, %broadcast_in_dim3A_724 : vector<512x128xi1>, vector<512x128xi32>
        %reduce_max3A_726 = arith.constant dense<-2147483648> : vector<128xi32>
        %reduce_max3A_727 = vector.multi_reduction <maxsi>, %select_n3A_725, %reduce_max3A_726 [0] : vector<512x128xi32> to vector<128xi32>
        %broadcast_in_dim3A_728 = vector.shape_cast %reduce_max3A_727 : vector<128xi32> to vector<1x128xi32>
        %max3A_729 = arith.maxsi %max3A_642, %broadcast_in_dim3A_728 : vector<1x128xi32>
        %slice3A_730 = vector.extract_strided_slice %get3A_142 {offsets = [3, 0], sizes = [1, 128], strides = [1, 1]} : vector<8x128xi32> to vector<1x128xi32>
        %eq3A_731 = vector.broadcast %slice3A_730 : vector<1x128xi32> to vector<512x128xi32>
        %eq3A_732 = arith.cmpi eq, %get3A_695, %eq3A_731 : vector<512x128xi32>
        %jit3A_733 = arith.constant -1 : i32
        %broadcast_in_dim3A_734 = vector.broadcast %jit3A_733 : i32 to vector<512x128xi32>
        %select_n3A_735 = arith.select %eq3A_732, %add3A_699, %broadcast_in_dim3A_734 : vector<512x128xi1>, vector<512x128xi32>
        %reduce_max3A_736 = arith.constant dense<-2147483648> : vector<128xi32>
        %reduce_max3A_737 = vector.multi_reduction <maxsi>, %select_n3A_735, %reduce_max3A_736 [0] : vector<512x128xi32> to vector<128xi32>
        %broadcast_in_dim3A_738 = vector.shape_cast %reduce_max3A_737 : vector<128xi32> to vector<1x128xi32>
        %max3A_739 = arith.maxsi %max3A_652, %broadcast_in_dim3A_738 : vector<1x128xi32>
        %slice3A_740 = vector.extract_strided_slice %get3A_142 {offsets = [4, 0], sizes = [1, 128], strides = [1, 1]} : vector<8x128xi32> to vector<1x128xi32>
        %eq3A_741 = vector.broadcast %slice3A_740 : vector<1x128xi32> to vector<512x128xi32>
        %eq3A_742 = arith.cmpi eq, %get3A_695, %eq3A_741 : vector<512x128xi32>
        %jit3A_743 = arith.constant -1 : i32
        %broadcast_in_dim3A_744 = vector.broadcast %jit3A_743 : i32 to vector<512x128xi32>
        %select_n3A_745 = arith.select %eq3A_742, %add3A_699, %broadcast_in_dim3A_744 : vector<512x128xi1>, vector<512x128xi32>
        %reduce_max3A_746 = arith.constant dense<-2147483648> : vector<128xi32>
        %reduce_max3A_747 = vector.multi_reduction <maxsi>, %select_n3A_745, %reduce_max3A_746 [0] : vector<512x128xi32> to vector<128xi32>
        %broadcast_in_dim3A_748 = vector.shape_cast %reduce_max3A_747 : vector<128xi32> to vector<1x128xi32>
        %max3A_749 = arith.maxsi %max3A_662, %broadcast_in_dim3A_748 : vector<1x128xi32>
        %slice3A_750 = vector.extract_strided_slice %get3A_142 {offsets = [5, 0], sizes = [1, 128], strides = [1, 1]} : vector<8x128xi32> to vector<1x128xi32>
        %eq3A_751 = vector.broadcast %slice3A_750 : vector<1x128xi32> to vector<512x128xi32>
        %eq3A_752 = arith.cmpi eq, %get3A_695, %eq3A_751 : vector<512x128xi32>
        %jit3A_753 = arith.constant -1 : i32
        %broadcast_in_dim3A_754 = vector.broadcast %jit3A_753 : i32 to vector<512x128xi32>
        %select_n3A_755 = arith.select %eq3A_752, %add3A_699, %broadcast_in_dim3A_754 : vector<512x128xi1>, vector<512x128xi32>
        %reduce_max3A_756 = arith.constant dense<-2147483648> : vector<128xi32>
        %reduce_max3A_757 = vector.multi_reduction <maxsi>, %select_n3A_755, %reduce_max3A_756 [0] : vector<512x128xi32> to vector<128xi32>
        %broadcast_in_dim3A_758 = vector.shape_cast %reduce_max3A_757 : vector<128xi32> to vector<1x128xi32>
        %max3A_759 = arith.maxsi %max3A_672, %broadcast_in_dim3A_758 : vector<1x128xi32>
        %slice3A_760 = vector.extract_strided_slice %get3A_142 {offsets = [6, 0], sizes = [1, 128], strides = [1, 1]} : vector<8x128xi32> to vector<1x128xi32>
        %eq3A_761 = vector.broadcast %slice3A_760 : vector<1x128xi32> to vector<512x128xi32>
        %eq3A_762 = arith.cmpi eq, %get3A_695, %eq3A_761 : vector<512x128xi32>
        %jit3A_763 = arith.constant -1 : i32
        %broadcast_in_dim3A_764 = vector.broadcast %jit3A_763 : i32 to vector<512x128xi32>
        %select_n3A_765 = arith.select %eq3A_762, %add3A_699, %broadcast_in_dim3A_764 : vector<512x128xi1>, vector<512x128xi32>
        %reduce_max3A_766 = arith.constant dense<-2147483648> : vector<128xi32>
        %reduce_max3A_767 = vector.multi_reduction <maxsi>, %select_n3A_765, %reduce_max3A_766 [0] : vector<512x128xi32> to vector<128xi32>
        %broadcast_in_dim3A_768 = vector.shape_cast %reduce_max3A_767 : vector<128xi32> to vector<1x128xi32>
        %max3A_769 = arith.maxsi %max3A_682, %broadcast_in_dim3A_768 : vector<1x128xi32>
        %slice3A_770 = vector.extract_strided_slice %get3A_142 {offsets = [7, 0], sizes = [1, 128], strides = [1, 1]} : vector<8x128xi32> to vector<1x128xi32>
        %eq3A_771 = vector.broadcast %slice3A_770 : vector<1x128xi32> to vector<512x128xi32>
        %eq3A_772 = arith.cmpi eq, %get3A_695, %eq3A_771 : vector<512x128xi32>
        %jit3A_773 = arith.constant -1 : i32
        %broadcast_in_dim3A_774 = vector.broadcast %jit3A_773 : i32 to vector<512x128xi32>
        %select_n3A_775 = arith.select %eq3A_772, %add3A_699, %broadcast_in_dim3A_774 : vector<512x128xi1>, vector<512x128xi32>
        %reduce_max3A_776 = arith.constant dense<-2147483648> : vector<128xi32>
        %reduce_max3A_777 = vector.multi_reduction <maxsi>, %select_n3A_775, %reduce_max3A_776 [0] : vector<512x128xi32> to vector<128xi32>
        %broadcast_in_dim3A_778 = vector.shape_cast %reduce_max3A_777 : vector<128xi32> to vector<1x128xi32>
        %max3A_779 = arith.maxsi %max3A_692, %broadcast_in_dim3A_778 : vector<1x128xi32>
        %concatenate3A = tpu.concatenate %max3A_709, %max3A_719, %max3A_729, %max3A_739, %max3A_749, %max3A_759, %max3A_769, %max3A_779 in 0 : vector<1x128xi32>, vector<1x128xi32>, vector<1x128xi32>, vector<1x128xi32>, vector<1x128xi32>, vector<1x128xi32>, vector<1x128xi32>, vector<1x128xi32> -> vector<8x128xi32>
        scf.yield %concatenate3A : vector<8x128xi32>
      }
      scf.yield %cond3A_247 : vector<8x128xi32>
    } else {
      %broadcast_in_dim3A = arith.constant -1 : i32
      %broadcast_in_dim3A_243 = vector.broadcast %broadcast_in_dim3A : i32 to vector<1x128xi32>
      %broadcast_in_dim3A_244 = arith.constant -1 : i32
      %broadcast_in_dim3A_245 = vector.broadcast %broadcast_in_dim3A_244 : i32 to vector<1x128xi32>
      %broadcast_in_dim3A_246 = arith.constant -1 : i32
      %broadcast_in_dim3A_247 = vector.broadcast %broadcast_in_dim3A_246 : i32 to vector<1x128xi32>
      %broadcast_in_dim3A_248 = arith.constant -1 : i32
      %broadcast_in_dim3A_249 = vector.broadcast %broadcast_in_dim3A_248 : i32 to vector<1x128xi32>
      %broadcast_in_dim3A_250 = arith.constant -1 : i32
      %broadcast_in_dim3A_251 = vector.broadcast %broadcast_in_dim3A_250 : i32 to vector<1x128xi32>
      %broadcast_in_dim3A_252 = arith.constant -1 : i32
      %broadcast_in_dim3A_253 = vector.broadcast %broadcast_in_dim3A_252 : i32 to vector<1x128xi32>
      %broadcast_in_dim3A_254 = arith.constant -1 : i32
      %broadcast_in_dim3A_255 = vector.broadcast %broadcast_in_dim3A_254 : i32 to vector<1x128xi32>
      %broadcast_in_dim3A_256 = arith.constant -1 : i32
      %broadcast_in_dim3A_257 = vector.broadcast %broadcast_in_dim3A_256 : i32 to vector<1x128xi32>
      %get3A_258 = arith.constant 0 : index
      %get3A_259 = arith.constant 0 : index
      %get3A_260 = vector.load %arg15[%get3A_258, %get3A_259] : memref<4096x128xi32, #tpu.memory_space<vmem>>, vector<512x128xi32>
      %iota3A = tpu.iota {dimensions = array<i32: 0>} : vector<512x128xi32>
      %add3A_261 = arith.constant 0 : i32
      %add3A_262 = vector.broadcast %add3A_261 : i32 to vector<512x128xi32>
      %add3A_263 = arith.addi %iota3A, %add3A_262 : vector<512x128xi32>
      %slice3A_264 = vector.extract_strided_slice %get3A_142 {offsets = [0, 0], sizes = [1, 128], strides = [1, 1]} : vector<8x128xi32> to vector<1x128xi32>
      %eq3A_265 = vector.broadcast %slice3A_264 : vector<1x128xi32> to vector<512x128xi32>
      %eq3A_266 = arith.cmpi eq, %get3A_260, %eq3A_265 : vector<512x128xi32>
      %jit3A = arith.constant -1 : i32
      %broadcast_in_dim3A_267 = vector.broadcast %jit3A : i32 to vector<512x128xi32>
      %select_n3A = arith.select %eq3A_266, %add3A_263, %broadcast_in_dim3A_267 : vector<512x128xi1>, vector<512x128xi32>
      %reduce_max3A = arith.constant dense<-2147483648> : vector<128xi32>
      %reduce_max3A_268 = vector.multi_reduction <maxsi>, %select_n3A, %reduce_max3A [0] : vector<512x128xi32> to vector<128xi32>
      %broadcast_in_dim3A_269 = vector.shape_cast %reduce_max3A_268 : vector<128xi32> to vector<1x128xi32>
      %max3A = arith.maxsi %broadcast_in_dim3A_243, %broadcast_in_dim3A_269 : vector<1x128xi32>
      %slice3A_270 = vector.extract_strided_slice %get3A_142 {offsets = [1, 0], sizes = [1, 128], strides = [1, 1]} : vector<8x128xi32> to vector<1x128xi32>
      %eq3A_271 = vector.broadcast %slice3A_270 : vector<1x128xi32> to vector<512x128xi32>
      %eq3A_272 = arith.cmpi eq, %get3A_260, %eq3A_271 : vector<512x128xi32>
      %jit3A_273 = arith.constant -1 : i32
      %broadcast_in_dim3A_274 = vector.broadcast %jit3A_273 : i32 to vector<512x128xi32>
      %select_n3A_275 = arith.select %eq3A_272, %add3A_263, %broadcast_in_dim3A_274 : vector<512x128xi1>, vector<512x128xi32>
      %reduce_max3A_276 = arith.constant dense<-2147483648> : vector<128xi32>
      %reduce_max3A_277 = vector.multi_reduction <maxsi>, %select_n3A_275, %reduce_max3A_276 [0] : vector<512x128xi32> to vector<128xi32>
      %broadcast_in_dim3A_278 = vector.shape_cast %reduce_max3A_277 : vector<128xi32> to vector<1x128xi32>
      %max3A_279 = arith.maxsi %broadcast_in_dim3A_245, %broadcast_in_dim3A_278 : vector<1x128xi32>
      %slice3A_280 = vector.extract_strided_slice %get3A_142 {offsets = [2, 0], sizes = [1, 128], strides = [1, 1]} : vector<8x128xi32> to vector<1x128xi32>
      %eq3A_281 = vector.broadcast %slice3A_280 : vector<1x128xi32> to vector<512x128xi32>
      %eq3A_282 = arith.cmpi eq, %get3A_260, %eq3A_281 : vector<512x128xi32>
      %jit3A_283 = arith.constant -1 : i32
      %broadcast_in_dim3A_284 = vector.broadcast %jit3A_283 : i32 to vector<512x128xi32>
      %select_n3A_285 = arith.select %eq3A_282, %add3A_263, %broadcast_in_dim3A_284 : vector<512x128xi1>, vector<512x128xi32>
      %reduce_max3A_286 = arith.constant dense<-2147483648> : vector<128xi32>
      %reduce_max3A_287 = vector.multi_reduction <maxsi>, %select_n3A_285, %reduce_max3A_286 [0] : vector<512x128xi32> to vector<128xi32>
      %broadcast_in_dim3A_288 = vector.shape_cast %reduce_max3A_287 : vector<128xi32> to vector<1x128xi32>
      %max3A_289 = arith.maxsi %broadcast_in_dim3A_247, %broadcast_in_dim3A_288 : vector<1x128xi32>
      %slice3A_290 = vector.extract_strided_slice %get3A_142 {offsets = [3, 0], sizes = [1, 128], strides = [1, 1]} : vector<8x128xi32> to vector<1x128xi32>
      %eq3A_291 = vector.broadcast %slice3A_290 : vector<1x128xi32> to vector<512x128xi32>
      %eq3A_292 = arith.cmpi eq, %get3A_260, %eq3A_291 : vector<512x128xi32>
      %jit3A_293 = arith.constant -1 : i32
      %broadcast_in_dim3A_294 = vector.broadcast %jit3A_293 : i32 to vector<512x128xi32>
      %select_n3A_295 = arith.select %eq3A_292, %add3A_263, %broadcast_in_dim3A_294 : vector<512x128xi1>, vector<512x128xi32>
      %reduce_max3A_296 = arith.constant dense<-2147483648> : vector<128xi32>
      %reduce_max3A_297 = vector.multi_reduction <maxsi>, %select_n3A_295, %reduce_max3A_296 [0] : vector<512x128xi32> to vector<128xi32>
      %broadcast_in_dim3A_298 = vector.shape_cast %reduce_max3A_297 : vector<128xi32> to vector<1x128xi32>
      %max3A_299 = arith.maxsi %broadcast_in_dim3A_249, %broadcast_in_dim3A_298 : vector<1x128xi32>
      %slice3A_300 = vector.extract_strided_slice %get3A_142 {offsets = [4, 0], sizes = [1, 128], strides = [1, 1]} : vector<8x128xi32> to vector<1x128xi32>
      %eq3A_301 = vector.broadcast %slice3A_300 : vector<1x128xi32> to vector<512x128xi32>
      %eq3A_302 = arith.cmpi eq, %get3A_260, %eq3A_301 : vector<512x128xi32>
      %jit3A_303 = arith.constant -1 : i32
      %broadcast_in_dim3A_304 = vector.broadcast %jit3A_303 : i32 to vector<512x128xi32>
      %select_n3A_305 = arith.select %eq3A_302, %add3A_263, %broadcast_in_dim3A_304 : vector<512x128xi1>, vector<512x128xi32>
      %reduce_max3A_306 = arith.constant dense<-2147483648> : vector<128xi32>
      %reduce_max3A_307 = vector.multi_reduction <maxsi>, %select_n3A_305, %reduce_max3A_306 [0] : vector<512x128xi32> to vector<128xi32>
      %broadcast_in_dim3A_308 = vector.shape_cast %reduce_max3A_307 : vector<128xi32> to vector<1x128xi32>
      %max3A_309 = arith.maxsi %broadcast_in_dim3A_251, %broadcast_in_dim3A_308 : vector<1x128xi32>
      %slice3A_310 = vector.extract_strided_slice %get3A_142 {offsets = [5, 0], sizes = [1, 128], strides = [1, 1]} : vector<8x128xi32> to vector<1x128xi32>
      %eq3A_311 = vector.broadcast %slice3A_310 : vector<1x128xi32> to vector<512x128xi32>
      %eq3A_312 = arith.cmpi eq, %get3A_260, %eq3A_311 : vector<512x128xi32>
      %jit3A_313 = arith.constant -1 : i32
      %broadcast_in_dim3A_314 = vector.broadcast %jit3A_313 : i32 to vector<512x128xi32>
      %select_n3A_315 = arith.select %eq3A_312, %add3A_263, %broadcast_in_dim3A_314 : vector<512x128xi1>, vector<512x128xi32>
      %reduce_max3A_316 = arith.constant dense<-2147483648> : vector<128xi32>
      %reduce_max3A_317 = vector.multi_reduction <maxsi>, %select_n3A_315, %reduce_max3A_316 [0] : vector<512x128xi32> to vector<128xi32>
      %broadcast_in_dim3A_318 = vector.shape_cast %reduce_max3A_317 : vector<128xi32> to vector<1x128xi32>
      %max3A_319 = arith.maxsi %broadcast_in_dim3A_253, %broadcast_in_dim3A_318 : vector<1x128xi32>
      %slice3A_320 = vector.extract_strided_slice %get3A_142 {offsets = [6, 0], sizes = [1, 128], strides = [1, 1]} : vector<8x128xi32> to vector<1x128xi32>
      %eq3A_321 = vector.broadcast %slice3A_320 : vector<1x128xi32> to vector<512x128xi32>
      %eq3A_322 = arith.cmpi eq, %get3A_260, %eq3A_321 : vector<512x128xi32>
      %jit3A_323 = arith.constant -1 : i32
      %broadcast_in_dim3A_324 = vector.broadcast %jit3A_323 : i32 to vector<512x128xi32>
      %select_n3A_325 = arith.select %eq3A_322, %add3A_263, %broadcast_in_dim3A_324 : vector<512x128xi1>, vector<512x128xi32>
      %reduce_max3A_326 = arith.constant dense<-2147483648> : vector<128xi32>
      %reduce_max3A_327 = vector.multi_reduction <maxsi>, %select_n3A_325, %reduce_max3A_326 [0] : vector<512x128xi32> to vector<128xi32>
      %broadcast_in_dim3A_328 = vector.shape_cast %reduce_max3A_327 : vector<128xi32> to vector<1x128xi32>
      %max3A_329 = arith.maxsi %broadcast_in_dim3A_255, %broadcast_in_dim3A_328 : vector<1x128xi32>
      %slice3A_330 = vector.extract_strided_slice %get3A_142 {offsets = [7, 0], sizes = [1, 128], strides = [1, 1]} : vector<8x128xi32> to vector<1x128xi32>
      %eq3A_331 = vector.broadcast %slice3A_330 : vector<1x128xi32> to vector<512x128xi32>
      %eq3A_332 = arith.cmpi eq, %get3A_260, %eq3A_331 : vector<512x128xi32>
      %jit3A_333 = arith.constant -1 : i32
      %broadcast_in_dim3A_334 = vector.broadcast %jit3A_333 : i32 to vector<512x128xi32>
      %select_n3A_335 = arith.select %eq3A_332, %add3A_263, %broadcast_in_dim3A_334 : vector<512x128xi1>, vector<512x128xi32>
      %reduce_max3A_336 = arith.constant dense<-2147483648> : vector<128xi32>
      %reduce_max3A_337 = vector.multi_reduction <maxsi>, %select_n3A_335, %reduce_max3A_336 [0] : vector<512x128xi32> to vector<128xi32>
      %broadcast_in_dim3A_338 = vector.shape_cast %reduce_max3A_337 : vector<128xi32> to vector<1x128xi32>
      %max3A_339 = arith.maxsi %broadcast_in_dim3A_257, %broadcast_in_dim3A_338 : vector<1x128xi32>
      %get3A_340 = arith.constant 512 : index
      %get3A_341 = arith.constant 0 : index
      %get3A_342 = vector.load %arg15[%get3A_340, %get3A_341] : memref<4096x128xi32, #tpu.memory_space<vmem>>, vector<512x128xi32>
      %iota3A_343 = tpu.iota {dimensions = array<i32: 0>} : vector<512x128xi32>
      %add3A_344 = arith.constant 512 : i32
      %add3A_345 = vector.broadcast %add3A_344 : i32 to vector<512x128xi32>
      %add3A_346 = arith.addi %iota3A_343, %add3A_345 : vector<512x128xi32>
      %slice3A_347 = vector.extract_strided_slice %get3A_142 {offsets = [0, 0], sizes = [1, 128], strides = [1, 1]} : vector<8x128xi32> to vector<1x128xi32>
      %eq3A_348 = vector.broadcast %slice3A_347 : vector<1x128xi32> to vector<512x128xi32>
      %eq3A_349 = arith.cmpi eq, %get3A_342, %eq3A_348 : vector<512x128xi32>
      %jit3A_350 = arith.constant -1 : i32
      %broadcast_in_dim3A_351 = vector.broadcast %jit3A_350 : i32 to vector<512x128xi32>
      %select_n3A_352 = arith.select %eq3A_349, %add3A_346, %broadcast_in_dim3A_351 : vector<512x128xi1>, vector<512x128xi32>
      %reduce_max3A_353 = arith.constant dense<-2147483648> : vector<128xi32>
      %reduce_max3A_354 = vector.multi_reduction <maxsi>, %select_n3A_352, %reduce_max3A_353 [0] : vector<512x128xi32> to vector<128xi32>
      %broadcast_in_dim3A_355 = vector.shape_cast %reduce_max3A_354 : vector<128xi32> to vector<1x128xi32>
      %max3A_356 = arith.maxsi %max3A, %broadcast_in_dim3A_355 : vector<1x128xi32>
      %slice3A_357 = vector.extract_strided_slice %get3A_142 {offsets = [1, 0], sizes = [1, 128], strides = [1, 1]} : vector<8x128xi32> to vector<1x128xi32>
      %eq3A_358 = vector.broadcast %slice3A_357 : vector<1x128xi32> to vector<512x128xi32>
      %eq3A_359 = arith.cmpi eq, %get3A_342, %eq3A_358 : vector<512x128xi32>
      %jit3A_360 = arith.constant -1 : i32
      %broadcast_in_dim3A_361 = vector.broadcast %jit3A_360 : i32 to vector<512x128xi32>
      %select_n3A_362 = arith.select %eq3A_359, %add3A_346, %broadcast_in_dim3A_361 : vector<512x128xi1>, vector<512x128xi32>
      %reduce_max3A_363 = arith.constant dense<-2147483648> : vector<128xi32>
      %reduce_max3A_364 = vector.multi_reduction <maxsi>, %select_n3A_362, %reduce_max3A_363 [0] : vector<512x128xi32> to vector<128xi32>
      %broadcast_in_dim3A_365 = vector.shape_cast %reduce_max3A_364 : vector<128xi32> to vector<1x128xi32>
      %max3A_366 = arith.maxsi %max3A_279, %broadcast_in_dim3A_365 : vector<1x128xi32>
      %slice3A_367 = vector.extract_strided_slice %get3A_142 {offsets = [2, 0], sizes = [1, 128], strides = [1, 1]} : vector<8x128xi32> to vector<1x128xi32>
      %eq3A_368 = vector.broadcast %slice3A_367 : vector<1x128xi32> to vector<512x128xi32>
      %eq3A_369 = arith.cmpi eq, %get3A_342, %eq3A_368 : vector<512x128xi32>
      %jit3A_370 = arith.constant -1 : i32
      %broadcast_in_dim3A_371 = vector.broadcast %jit3A_370 : i32 to vector<512x128xi32>
      %select_n3A_372 = arith.select %eq3A_369, %add3A_346, %broadcast_in_dim3A_371 : vector<512x128xi1>, vector<512x128xi32>
      %reduce_max3A_373 = arith.constant dense<-2147483648> : vector<128xi32>
      %reduce_max3A_374 = vector.multi_reduction <maxsi>, %select_n3A_372, %reduce_max3A_373 [0] : vector<512x128xi32> to vector<128xi32>
      %broadcast_in_dim3A_375 = vector.shape_cast %reduce_max3A_374 : vector<128xi32> to vector<1x128xi32>
      %max3A_376 = arith.maxsi %max3A_289, %broadcast_in_dim3A_375 : vector<1x128xi32>
      %slice3A_377 = vector.extract_strided_slice %get3A_142 {offsets = [3, 0], sizes = [1, 128], strides = [1, 1]} : vector<8x128xi32> to vector<1x128xi32>
      %eq3A_378 = vector.broadcast %slice3A_377 : vector<1x128xi32> to vector<512x128xi32>
      %eq3A_379 = arith.cmpi eq, %get3A_342, %eq3A_378 : vector<512x128xi32>
      %jit3A_380 = arith.constant -1 : i32
      %broadcast_in_dim3A_381 = vector.broadcast %jit3A_380 : i32 to vector<512x128xi32>
      %select_n3A_382 = arith.select %eq3A_379, %add3A_346, %broadcast_in_dim3A_381 : vector<512x128xi1>, vector<512x128xi32>
      %reduce_max3A_383 = arith.constant dense<-2147483648> : vector<128xi32>
      %reduce_max3A_384 = vector.multi_reduction <maxsi>, %select_n3A_382, %reduce_max3A_383 [0] : vector<512x128xi32> to vector<128xi32>
      %broadcast_in_dim3A_385 = vector.shape_cast %reduce_max3A_384 : vector<128xi32> to vector<1x128xi32>
      %max3A_386 = arith.maxsi %max3A_299, %broadcast_in_dim3A_385 : vector<1x128xi32>
      %slice3A_387 = vector.extract_strided_slice %get3A_142 {offsets = [4, 0], sizes = [1, 128], strides = [1, 1]} : vector<8x128xi32> to vector<1x128xi32>
      %eq3A_388 = vector.broadcast %slice3A_387 : vector<1x128xi32> to vector<512x128xi32>
      %eq3A_389 = arith.cmpi eq, %get3A_342, %eq3A_388 : vector<512x128xi32>
      %jit3A_390 = arith.constant -1 : i32
      %broadcast_in_dim3A_391 = vector.broadcast %jit3A_390 : i32 to vector<512x128xi32>
      %select_n3A_392 = arith.select %eq3A_389, %add3A_346, %broadcast_in_dim3A_391 : vector<512x128xi1>, vector<512x128xi32>
      %reduce_max3A_393 = arith.constant dense<-2147483648> : vector<128xi32>
      %reduce_max3A_394 = vector.multi_reduction <maxsi>, %select_n3A_392, %reduce_max3A_393 [0] : vector<512x128xi32> to vector<128xi32>
      %broadcast_in_dim3A_395 = vector.shape_cast %reduce_max3A_394 : vector<128xi32> to vector<1x128xi32>
      %max3A_396 = arith.maxsi %max3A_309, %broadcast_in_dim3A_395 : vector<1x128xi32>
      %slice3A_397 = vector.extract_strided_slice %get3A_142 {offsets = [5, 0], sizes = [1, 128], strides = [1, 1]} : vector<8x128xi32> to vector<1x128xi32>
      %eq3A_398 = vector.broadcast %slice3A_397 : vector<1x128xi32> to vector<512x128xi32>
      %eq3A_399 = arith.cmpi eq, %get3A_342, %eq3A_398 : vector<512x128xi32>
      %jit3A_400 = arith.constant -1 : i32
      %broadcast_in_dim3A_401 = vector.broadcast %jit3A_400 : i32 to vector<512x128xi32>
      %select_n3A_402 = arith.select %eq3A_399, %add3A_346, %broadcast_in_dim3A_401 : vector<512x128xi1>, vector<512x128xi32>
      %reduce_max3A_403 = arith.constant dense<-2147483648> : vector<128xi32>
      %reduce_max3A_404 = vector.multi_reduction <maxsi>, %select_n3A_402, %reduce_max3A_403 [0] : vector<512x128xi32> to vector<128xi32>
      %broadcast_in_dim3A_405 = vector.shape_cast %reduce_max3A_404 : vector<128xi32> to vector<1x128xi32>
      %max3A_406 = arith.maxsi %max3A_319, %broadcast_in_dim3A_405 : vector<1x128xi32>
      %slice3A_407 = vector.extract_strided_slice %get3A_142 {offsets = [6, 0], sizes = [1, 128], strides = [1, 1]} : vector<8x128xi32> to vector<1x128xi32>
      %eq3A_408 = vector.broadcast %slice3A_407 : vector<1x128xi32> to vector<512x128xi32>
      %eq3A_409 = arith.cmpi eq, %get3A_342, %eq3A_408 : vector<512x128xi32>
      %jit3A_410 = arith.constant -1 : i32
      %broadcast_in_dim3A_411 = vector.broadcast %jit3A_410 : i32 to vector<512x128xi32>
      %select_n3A_412 = arith.select %eq3A_409, %add3A_346, %broadcast_in_dim3A_411 : vector<512x128xi1>, vector<512x128xi32>
      %reduce_max3A_413 = arith.constant dense<-2147483648> : vector<128xi32>
      %reduce_max3A_414 = vector.multi_reduction <maxsi>, %select_n3A_412, %reduce_max3A_413 [0] : vector<512x128xi32> to vector<128xi32>
      %broadcast_in_dim3A_415 = vector.shape_cast %reduce_max3A_414 : vector<128xi32> to vector<1x128xi32>
      %max3A_416 = arith.maxsi %max3A_329, %broadcast_in_dim3A_415 : vector<1x128xi32>
      %slice3A_417 = vector.extract_strided_slice %get3A_142 {offsets = [7, 0], sizes = [1, 128], strides = [1, 1]} : vector<8x128xi32> to vector<1x128xi32>
      %eq3A_418 = vector.broadcast %slice3A_417 : vector<1x128xi32> to vector<512x128xi32>
      %eq3A_419 = arith.cmpi eq, %get3A_342, %eq3A_418 : vector<512x128xi32>
      %jit3A_420 = arith.constant -1 : i32
      %broadcast_in_dim3A_421 = vector.broadcast %jit3A_420 : i32 to vector<512x128xi32>
      %select_n3A_422 = arith.select %eq3A_419, %add3A_346, %broadcast_in_dim3A_421 : vector<512x128xi1>, vector<512x128xi32>
      %reduce_max3A_423 = arith.constant dense<-2147483648> : vector<128xi32>
      %reduce_max3A_424 = vector.multi_reduction <maxsi>, %select_n3A_422, %reduce_max3A_423 [0] : vector<512x128xi32> to vector<128xi32>
      %broadcast_in_dim3A_425 = vector.shape_cast %reduce_max3A_424 : vector<128xi32> to vector<1x128xi32>
      %max3A_426 = arith.maxsi %max3A_339, %broadcast_in_dim3A_425 : vector<1x128xi32>
      %get3A_427 = arith.constant 1024 : index
      %get3A_428 = arith.constant 0 : index
      %get3A_429 = vector.load %arg15[%get3A_427, %get3A_428] : memref<4096x128xi32, #tpu.memory_space<vmem>>, vector<512x128xi32>
      %iota3A_430 = tpu.iota {dimensions = array<i32: 0>} : vector<512x128xi32>
      %add3A_431 = arith.constant 1024 : i32
      %add3A_432 = vector.broadcast %add3A_431 : i32 to vector<512x128xi32>
      %add3A_433 = arith.addi %iota3A_430, %add3A_432 : vector<512x128xi32>
      %slice3A_434 = vector.extract_strided_slice %get3A_142 {offsets = [0, 0], sizes = [1, 128], strides = [1, 1]} : vector<8x128xi32> to vector<1x128xi32>
      %eq3A_435 = vector.broadcast %slice3A_434 : vector<1x128xi32> to vector<512x128xi32>
      %eq3A_436 = arith.cmpi eq, %get3A_429, %eq3A_435 : vector<512x128xi32>
      %jit3A_437 = arith.constant -1 : i32
      %broadcast_in_dim3A_438 = vector.broadcast %jit3A_437 : i32 to vector<512x128xi32>
      %select_n3A_439 = arith.select %eq3A_436, %add3A_433, %broadcast_in_dim3A_438 : vector<512x128xi1>, vector<512x128xi32>
      %reduce_max3A_440 = arith.constant dense<-2147483648> : vector<128xi32>
      %reduce_max3A_441 = vector.multi_reduction <maxsi>, %select_n3A_439, %reduce_max3A_440 [0] : vector<512x128xi32> to vector<128xi32>
      %broadcast_in_dim3A_442 = vector.shape_cast %reduce_max3A_441 : vector<128xi32> to vector<1x128xi32>
      %max3A_443 = arith.maxsi %max3A_356, %broadcast_in_dim3A_442 : vector<1x128xi32>
      %slice3A_444 = vector.extract_strided_slice %get3A_142 {offsets = [1, 0], sizes = [1, 128], strides = [1, 1]} : vector<8x128xi32> to vector<1x128xi32>
      %eq3A_445 = vector.broadcast %slice3A_444 : vector<1x128xi32> to vector<512x128xi32>
      %eq3A_446 = arith.cmpi eq, %get3A_429, %eq3A_445 : vector<512x128xi32>
      %jit3A_447 = arith.constant -1 : i32
      %broadcast_in_dim3A_448 = vector.broadcast %jit3A_447 : i32 to vector<512x128xi32>
      %select_n3A_449 = arith.select %eq3A_446, %add3A_433, %broadcast_in_dim3A_448 : vector<512x128xi1>, vector<512x128xi32>
      %reduce_max3A_450 = arith.constant dense<-2147483648> : vector<128xi32>
      %reduce_max3A_451 = vector.multi_reduction <maxsi>, %select_n3A_449, %reduce_max3A_450 [0] : vector<512x128xi32> to vector<128xi32>
      %broadcast_in_dim3A_452 = vector.shape_cast %reduce_max3A_451 : vector<128xi32> to vector<1x128xi32>
      %max3A_453 = arith.maxsi %max3A_366, %broadcast_in_dim3A_452 : vector<1x128xi32>
      %slice3A_454 = vector.extract_strided_slice %get3A_142 {offsets = [2, 0], sizes = [1, 128], strides = [1, 1]} : vector<8x128xi32> to vector<1x128xi32>
      %eq3A_455 = vector.broadcast %slice3A_454 : vector<1x128xi32> to vector<512x128xi32>
      %eq3A_456 = arith.cmpi eq, %get3A_429, %eq3A_455 : vector<512x128xi32>
      %jit3A_457 = arith.constant -1 : i32
      %broadcast_in_dim3A_458 = vector.broadcast %jit3A_457 : i32 to vector<512x128xi32>
      %select_n3A_459 = arith.select %eq3A_456, %add3A_433, %broadcast_in_dim3A_458 : vector<512x128xi1>, vector<512x128xi32>
      %reduce_max3A_460 = arith.constant dense<-2147483648> : vector<128xi32>
      %reduce_max3A_461 = vector.multi_reduction <maxsi>, %select_n3A_459, %reduce_max3A_460 [0] : vector<512x128xi32> to vector<128xi32>
      %broadcast_in_dim3A_462 = vector.shape_cast %reduce_max3A_461 : vector<128xi32> to vector<1x128xi32>
      %max3A_463 = arith.maxsi %max3A_376, %broadcast_in_dim3A_462 : vector<1x128xi32>
      %slice3A_464 = vector.extract_strided_slice %get3A_142 {offsets = [3, 0], sizes = [1, 128], strides = [1, 1]} : vector<8x128xi32> to vector<1x128xi32>
      %eq3A_465 = vector.broadcast %slice3A_464 : vector<1x128xi32> to vector<512x128xi32>
      %eq3A_466 = arith.cmpi eq, %get3A_429, %eq3A_465 : vector<512x128xi32>
      %jit3A_467 = arith.constant -1 : i32
      %broadcast_in_dim3A_468 = vector.broadcast %jit3A_467 : i32 to vector<512x128xi32>
      %select_n3A_469 = arith.select %eq3A_466, %add3A_433, %broadcast_in_dim3A_468 : vector<512x128xi1>, vector<512x128xi32>
      %reduce_max3A_470 = arith.constant dense<-2147483648> : vector<128xi32>
      %reduce_max3A_471 = vector.multi_reduction <maxsi>, %select_n3A_469, %reduce_max3A_470 [0] : vector<512x128xi32> to vector<128xi32>
      %broadcast_in_dim3A_472 = vector.shape_cast %reduce_max3A_471 : vector<128xi32> to vector<1x128xi32>
      %max3A_473 = arith.maxsi %max3A_386, %broadcast_in_dim3A_472 : vector<1x128xi32>
      %slice3A_474 = vector.extract_strided_slice %get3A_142 {offsets = [4, 0], sizes = [1, 128], strides = [1, 1]} : vector<8x128xi32> to vector<1x128xi32>
      %eq3A_475 = vector.broadcast %slice3A_474 : vector<1x128xi32> to vector<512x128xi32>
      %eq3A_476 = arith.cmpi eq, %get3A_429, %eq3A_475 : vector<512x128xi32>
      %jit3A_477 = arith.constant -1 : i32
      %broadcast_in_dim3A_478 = vector.broadcast %jit3A_477 : i32 to vector<512x128xi32>
      %select_n3A_479 = arith.select %eq3A_476, %add3A_433, %broadcast_in_dim3A_478 : vector<512x128xi1>, vector<512x128xi32>
      %reduce_max3A_480 = arith.constant dense<-2147483648> : vector<128xi32>
      %reduce_max3A_481 = vector.multi_reduction <maxsi>, %select_n3A_479, %reduce_max3A_480 [0] : vector<512x128xi32> to vector<128xi32>
      %broadcast_in_dim3A_482 = vector.shape_cast %reduce_max3A_481 : vector<128xi32> to vector<1x128xi32>
      %max3A_483 = arith.maxsi %max3A_396, %broadcast_in_dim3A_482 : vector<1x128xi32>
      %slice3A_484 = vector.extract_strided_slice %get3A_142 {offsets = [5, 0], sizes = [1, 128], strides = [1, 1]} : vector<8x128xi32> to vector<1x128xi32>
      %eq3A_485 = vector.broadcast %slice3A_484 : vector<1x128xi32> to vector<512x128xi32>
      %eq3A_486 = arith.cmpi eq, %get3A_429, %eq3A_485 : vector<512x128xi32>
      %jit3A_487 = arith.constant -1 : i32
      %broadcast_in_dim3A_488 = vector.broadcast %jit3A_487 : i32 to vector<512x128xi32>
      %select_n3A_489 = arith.select %eq3A_486, %add3A_433, %broadcast_in_dim3A_488 : vector<512x128xi1>, vector<512x128xi32>
      %reduce_max3A_490 = arith.constant dense<-2147483648> : vector<128xi32>
      %reduce_max3A_491 = vector.multi_reduction <maxsi>, %select_n3A_489, %reduce_max3A_490 [0] : vector<512x128xi32> to vector<128xi32>
      %broadcast_in_dim3A_492 = vector.shape_cast %reduce_max3A_491 : vector<128xi32> to vector<1x128xi32>
      %max3A_493 = arith.maxsi %max3A_406, %broadcast_in_dim3A_492 : vector<1x128xi32>
      %slice3A_494 = vector.extract_strided_slice %get3A_142 {offsets = [6, 0], sizes = [1, 128], strides = [1, 1]} : vector<8x128xi32> to vector<1x128xi32>
      %eq3A_495 = vector.broadcast %slice3A_494 : vector<1x128xi32> to vector<512x128xi32>
      %eq3A_496 = arith.cmpi eq, %get3A_429, %eq3A_495 : vector<512x128xi32>
      %jit3A_497 = arith.constant -1 : i32
      %broadcast_in_dim3A_498 = vector.broadcast %jit3A_497 : i32 to vector<512x128xi32>
      %select_n3A_499 = arith.select %eq3A_496, %add3A_433, %broadcast_in_dim3A_498 : vector<512x128xi1>, vector<512x128xi32>
      %reduce_max3A_500 = arith.constant dense<-2147483648> : vector<128xi32>
      %reduce_max3A_501 = vector.multi_reduction <maxsi>, %select_n3A_499, %reduce_max3A_500 [0] : vector<512x128xi32> to vector<128xi32>
      %broadcast_in_dim3A_502 = vector.shape_cast %reduce_max3A_501 : vector<128xi32> to vector<1x128xi32>
      %max3A_503 = arith.maxsi %max3A_416, %broadcast_in_dim3A_502 : vector<1x128xi32>
      %slice3A_504 = vector.extract_strided_slice %get3A_142 {offsets = [7, 0], sizes = [1, 128], strides = [1, 1]} : vector<8x128xi32> to vector<1x128xi32>
      %eq3A_505 = vector.broadcast %slice3A_504 : vector<1x128xi32> to vector<512x128xi32>
      %eq3A_506 = arith.cmpi eq, %get3A_429, %eq3A_505 : vector<512x128xi32>
      %jit3A_507 = arith.constant -1 : i32
      %broadcast_in_dim3A_508 = vector.broadcast %jit3A_507 : i32 to vector<512x128xi32>
      %select_n3A_509 = arith.select %eq3A_506, %add3A_433, %broadcast_in_dim3A_508 : vector<512x128xi1>, vector<512x128xi32>
      %reduce_max3A_510 = arith.constant dense<-2147483648> : vector<128xi32>
      %reduce_max3A_511 = vector.multi_reduction <maxsi>, %select_n3A_509, %reduce_max3A_510 [0] : vector<512x128xi32> to vector<128xi32>
      %broadcast_in_dim3A_512 = vector.shape_cast %reduce_max3A_511 : vector<128xi32> to vector<1x128xi32>
      %max3A_513 = arith.maxsi %max3A_426, %broadcast_in_dim3A_512 : vector<1x128xi32>
      %get3A_514 = arith.constant 1536 : index
      %get3A_515 = arith.constant 0 : index
      %get3A_516 = vector.load %arg15[%get3A_514, %get3A_515] : memref<4096x128xi32, #tpu.memory_space<vmem>>, vector<512x128xi32>
      %iota3A_517 = tpu.iota {dimensions = array<i32: 0>} : vector<512x128xi32>
      %add3A_518 = arith.constant 1536 : i32
      %add3A_519 = vector.broadcast %add3A_518 : i32 to vector<512x128xi32>
      %add3A_520 = arith.addi %iota3A_517, %add3A_519 : vector<512x128xi32>
      %slice3A_521 = vector.extract_strided_slice %get3A_142 {offsets = [0, 0], sizes = [1, 128], strides = [1, 1]} : vector<8x128xi32> to vector<1x128xi32>
      %eq3A_522 = vector.broadcast %slice3A_521 : vector<1x128xi32> to vector<512x128xi32>
      %eq3A_523 = arith.cmpi eq, %get3A_516, %eq3A_522 : vector<512x128xi32>
      %jit3A_524 = arith.constant -1 : i32
      %broadcast_in_dim3A_525 = vector.broadcast %jit3A_524 : i32 to vector<512x128xi32>
      %select_n3A_526 = arith.select %eq3A_523, %add3A_520, %broadcast_in_dim3A_525 : vector<512x128xi1>, vector<512x128xi32>
      %reduce_max3A_527 = arith.constant dense<-2147483648> : vector<128xi32>
      %reduce_max3A_528 = vector.multi_reduction <maxsi>, %select_n3A_526, %reduce_max3A_527 [0] : vector<512x128xi32> to vector<128xi32>
      %broadcast_in_dim3A_529 = vector.shape_cast %reduce_max3A_528 : vector<128xi32> to vector<1x128xi32>
      %max3A_530 = arith.maxsi %max3A_443, %broadcast_in_dim3A_529 : vector<1x128xi32>
      %slice3A_531 = vector.extract_strided_slice %get3A_142 {offsets = [1, 0], sizes = [1, 128], strides = [1, 1]} : vector<8x128xi32> to vector<1x128xi32>
      %eq3A_532 = vector.broadcast %slice3A_531 : vector<1x128xi32> to vector<512x128xi32>
      %eq3A_533 = arith.cmpi eq, %get3A_516, %eq3A_532 : vector<512x128xi32>
      %jit3A_534 = arith.constant -1 : i32
      %broadcast_in_dim3A_535 = vector.broadcast %jit3A_534 : i32 to vector<512x128xi32>
      %select_n3A_536 = arith.select %eq3A_533, %add3A_520, %broadcast_in_dim3A_535 : vector<512x128xi1>, vector<512x128xi32>
      %reduce_max3A_537 = arith.constant dense<-2147483648> : vector<128xi32>
      %reduce_max3A_538 = vector.multi_reduction <maxsi>, %select_n3A_536, %reduce_max3A_537 [0] : vector<512x128xi32> to vector<128xi32>
      %broadcast_in_dim3A_539 = vector.shape_cast %reduce_max3A_538 : vector<128xi32> to vector<1x128xi32>
      %max3A_540 = arith.maxsi %max3A_453, %broadcast_in_dim3A_539 : vector<1x128xi32>
      %slice3A_541 = vector.extract_strided_slice %get3A_142 {offsets = [2, 0], sizes = [1, 128], strides = [1, 1]} : vector<8x128xi32> to vector<1x128xi32>
      %eq3A_542 = vector.broadcast %slice3A_541 : vector<1x128xi32> to vector<512x128xi32>
      %eq3A_543 = arith.cmpi eq, %get3A_516, %eq3A_542 : vector<512x128xi32>
      %jit3A_544 = arith.constant -1 : i32
      %broadcast_in_dim3A_545 = vector.broadcast %jit3A_544 : i32 to vector<512x128xi32>
      %select_n3A_546 = arith.select %eq3A_543, %add3A_520, %broadcast_in_dim3A_545 : vector<512x128xi1>, vector<512x128xi32>
      %reduce_max3A_547 = arith.constant dense<-2147483648> : vector<128xi32>
      %reduce_max3A_548 = vector.multi_reduction <maxsi>, %select_n3A_546, %reduce_max3A_547 [0] : vector<512x128xi32> to vector<128xi32>
      %broadcast_in_dim3A_549 = vector.shape_cast %reduce_max3A_548 : vector<128xi32> to vector<1x128xi32>
      %max3A_550 = arith.maxsi %max3A_463, %broadcast_in_dim3A_549 : vector<1x128xi32>
      %slice3A_551 = vector.extract_strided_slice %get3A_142 {offsets = [3, 0], sizes = [1, 128], strides = [1, 1]} : vector<8x128xi32> to vector<1x128xi32>
      %eq3A_552 = vector.broadcast %slice3A_551 : vector<1x128xi32> to vector<512x128xi32>
      %eq3A_553 = arith.cmpi eq, %get3A_516, %eq3A_552 : vector<512x128xi32>
      %jit3A_554 = arith.constant -1 : i32
      %broadcast_in_dim3A_555 = vector.broadcast %jit3A_554 : i32 to vector<512x128xi32>
      %select_n3A_556 = arith.select %eq3A_553, %add3A_520, %broadcast_in_dim3A_555 : vector<512x128xi1>, vector<512x128xi32>
      %reduce_max3A_557 = arith.constant dense<-2147483648> : vector<128xi32>
      %reduce_max3A_558 = vector.multi_reduction <maxsi>, %select_n3A_556, %reduce_max3A_557 [0] : vector<512x128xi32> to vector<128xi32>
      %broadcast_in_dim3A_559 = vector.shape_cast %reduce_max3A_558 : vector<128xi32> to vector<1x128xi32>
      %max3A_560 = arith.maxsi %max3A_473, %broadcast_in_dim3A_559 : vector<1x128xi32>
      %slice3A_561 = vector.extract_strided_slice %get3A_142 {offsets = [4, 0], sizes = [1, 128], strides = [1, 1]} : vector<8x128xi32> to vector<1x128xi32>
      %eq3A_562 = vector.broadcast %slice3A_561 : vector<1x128xi32> to vector<512x128xi32>
      %eq3A_563 = arith.cmpi eq, %get3A_516, %eq3A_562 : vector<512x128xi32>
      %jit3A_564 = arith.constant -1 : i32
      %broadcast_in_dim3A_565 = vector.broadcast %jit3A_564 : i32 to vector<512x128xi32>
      %select_n3A_566 = arith.select %eq3A_563, %add3A_520, %broadcast_in_dim3A_565 : vector<512x128xi1>, vector<512x128xi32>
      %reduce_max3A_567 = arith.constant dense<-2147483648> : vector<128xi32>
      %reduce_max3A_568 = vector.multi_reduction <maxsi>, %select_n3A_566, %reduce_max3A_567 [0] : vector<512x128xi32> to vector<128xi32>
      %broadcast_in_dim3A_569 = vector.shape_cast %reduce_max3A_568 : vector<128xi32> to vector<1x128xi32>
      %max3A_570 = arith.maxsi %max3A_483, %broadcast_in_dim3A_569 : vector<1x128xi32>
      %slice3A_571 = vector.extract_strided_slice %get3A_142 {offsets = [5, 0], sizes = [1, 128], strides = [1, 1]} : vector<8x128xi32> to vector<1x128xi32>
      %eq3A_572 = vector.broadcast %slice3A_571 : vector<1x128xi32> to vector<512x128xi32>
      %eq3A_573 = arith.cmpi eq, %get3A_516, %eq3A_572 : vector<512x128xi32>
      %jit3A_574 = arith.constant -1 : i32
      %broadcast_in_dim3A_575 = vector.broadcast %jit3A_574 : i32 to vector<512x128xi32>
      %select_n3A_576 = arith.select %eq3A_573, %add3A_520, %broadcast_in_dim3A_575 : vector<512x128xi1>, vector<512x128xi32>
      %reduce_max3A_577 = arith.constant dense<-2147483648> : vector<128xi32>
      %reduce_max3A_578 = vector.multi_reduction <maxsi>, %select_n3A_576, %reduce_max3A_577 [0] : vector<512x128xi32> to vector<128xi32>
      %broadcast_in_dim3A_579 = vector.shape_cast %reduce_max3A_578 : vector<128xi32> to vector<1x128xi32>
      %max3A_580 = arith.maxsi %max3A_493, %broadcast_in_dim3A_579 : vector<1x128xi32>
      %slice3A_581 = vector.extract_strided_slice %get3A_142 {offsets = [6, 0], sizes = [1, 128], strides = [1, 1]} : vector<8x128xi32> to vector<1x128xi32>
      %eq3A_582 = vector.broadcast %slice3A_581 : vector<1x128xi32> to vector<512x128xi32>
      %eq3A_583 = arith.cmpi eq, %get3A_516, %eq3A_582 : vector<512x128xi32>
      %jit3A_584 = arith.constant -1 : i32
      %broadcast_in_dim3A_585 = vector.broadcast %jit3A_584 : i32 to vector<512x128xi32>
      %select_n3A_586 = arith.select %eq3A_583, %add3A_520, %broadcast_in_dim3A_585 : vector<512x128xi1>, vector<512x128xi32>
      %reduce_max3A_587 = arith.constant dense<-2147483648> : vector<128xi32>
      %reduce_max3A_588 = vector.multi_reduction <maxsi>, %select_n3A_586, %reduce_max3A_587 [0] : vector<512x128xi32> to vector<128xi32>
      %broadcast_in_dim3A_589 = vector.shape_cast %reduce_max3A_588 : vector<128xi32> to vector<1x128xi32>
      %max3A_590 = arith.maxsi %max3A_503, %broadcast_in_dim3A_589 : vector<1x128xi32>
      %slice3A_591 = vector.extract_strided_slice %get3A_142 {offsets = [7, 0], sizes = [1, 128], strides = [1, 1]} : vector<8x128xi32> to vector<1x128xi32>
      %eq3A_592 = vector.broadcast %slice3A_591 : vector<1x128xi32> to vector<512x128xi32>
      %eq3A_593 = arith.cmpi eq, %get3A_516, %eq3A_592 : vector<512x128xi32>
      %jit3A_594 = arith.constant -1 : i32
      %broadcast_in_dim3A_595 = vector.broadcast %jit3A_594 : i32 to vector<512x128xi32>
      %select_n3A_596 = arith.select %eq3A_593, %add3A_520, %broadcast_in_dim3A_595 : vector<512x128xi1>, vector<512x128xi32>
      %reduce_max3A_597 = arith.constant dense<-2147483648> : vector<128xi32>
      %reduce_max3A_598 = vector.multi_reduction <maxsi>, %select_n3A_596, %reduce_max3A_597 [0] : vector<512x128xi32> to vector<128xi32>
      %broadcast_in_dim3A_599 = vector.shape_cast %reduce_max3A_598 : vector<128xi32> to vector<1x128xi32>
      %max3A_600 = arith.maxsi %max3A_513, %broadcast_in_dim3A_599 : vector<1x128xi32>
      %get3A_601 = arith.constant 2048 : index
      %get3A_602 = arith.constant 0 : index
      %get3A_603 = vector.load %arg15[%get3A_601, %get3A_602] : memref<4096x128xi32, #tpu.memory_space<vmem>>, vector<512x128xi32>
      %iota3A_604 = tpu.iota {dimensions = array<i32: 0>} : vector<512x128xi32>
      %add3A_605 = arith.constant 2048 : i32
      %add3A_606 = vector.broadcast %add3A_605 : i32 to vector<512x128xi32>
      %add3A_607 = arith.addi %iota3A_604, %add3A_606 : vector<512x128xi32>
      %slice3A_608 = vector.extract_strided_slice %get3A_142 {offsets = [0, 0], sizes = [1, 128], strides = [1, 1]} : vector<8x128xi32> to vector<1x128xi32>
      %eq3A_609 = vector.broadcast %slice3A_608 : vector<1x128xi32> to vector<512x128xi32>
      %eq3A_610 = arith.cmpi eq, %get3A_603, %eq3A_609 : vector<512x128xi32>
      %jit3A_611 = arith.constant -1 : i32
      %broadcast_in_dim3A_612 = vector.broadcast %jit3A_611 : i32 to vector<512x128xi32>
      %select_n3A_613 = arith.select %eq3A_610, %add3A_607, %broadcast_in_dim3A_612 : vector<512x128xi1>, vector<512x128xi32>
      %reduce_max3A_614 = arith.constant dense<-2147483648> : vector<128xi32>
      %reduce_max3A_615 = vector.multi_reduction <maxsi>, %select_n3A_613, %reduce_max3A_614 [0] : vector<512x128xi32> to vector<128xi32>
      %broadcast_in_dim3A_616 = vector.shape_cast %reduce_max3A_615 : vector<128xi32> to vector<1x128xi32>
      %max3A_617 = arith.maxsi %max3A_530, %broadcast_in_dim3A_616 : vector<1x128xi32>
      %slice3A_618 = vector.extract_strided_slice %get3A_142 {offsets = [1, 0], sizes = [1, 128], strides = [1, 1]} : vector<8x128xi32> to vector<1x128xi32>
      %eq3A_619 = vector.broadcast %slice3A_618 : vector<1x128xi32> to vector<512x128xi32>
      %eq3A_620 = arith.cmpi eq, %get3A_603, %eq3A_619 : vector<512x128xi32>
      %jit3A_621 = arith.constant -1 : i32
      %broadcast_in_dim3A_622 = vector.broadcast %jit3A_621 : i32 to vector<512x128xi32>
      %select_n3A_623 = arith.select %eq3A_620, %add3A_607, %broadcast_in_dim3A_622 : vector<512x128xi1>, vector<512x128xi32>
      %reduce_max3A_624 = arith.constant dense<-2147483648> : vector<128xi32>
      %reduce_max3A_625 = vector.multi_reduction <maxsi>, %select_n3A_623, %reduce_max3A_624 [0] : vector<512x128xi32> to vector<128xi32>
      %broadcast_in_dim3A_626 = vector.shape_cast %reduce_max3A_625 : vector<128xi32> to vector<1x128xi32>
      %max3A_627 = arith.maxsi %max3A_540, %broadcast_in_dim3A_626 : vector<1x128xi32>
      %slice3A_628 = vector.extract_strided_slice %get3A_142 {offsets = [2, 0], sizes = [1, 128], strides = [1, 1]} : vector<8x128xi32> to vector<1x128xi32>
      %eq3A_629 = vector.broadcast %slice3A_628 : vector<1x128xi32> to vector<512x128xi32>
      %eq3A_630 = arith.cmpi eq, %get3A_603, %eq3A_629 : vector<512x128xi32>
      %jit3A_631 = arith.constant -1 : i32
      %broadcast_in_dim3A_632 = vector.broadcast %jit3A_631 : i32 to vector<512x128xi32>
      %select_n3A_633 = arith.select %eq3A_630, %add3A_607, %broadcast_in_dim3A_632 : vector<512x128xi1>, vector<512x128xi32>
      %reduce_max3A_634 = arith.constant dense<-2147483648> : vector<128xi32>
      %reduce_max3A_635 = vector.multi_reduction <maxsi>, %select_n3A_633, %reduce_max3A_634 [0] : vector<512x128xi32> to vector<128xi32>
      %broadcast_in_dim3A_636 = vector.shape_cast %reduce_max3A_635 : vector<128xi32> to vector<1x128xi32>
      %max3A_637 = arith.maxsi %max3A_550, %broadcast_in_dim3A_636 : vector<1x128xi32>
      %slice3A_638 = vector.extract_strided_slice %get3A_142 {offsets = [3, 0], sizes = [1, 128], strides = [1, 1]} : vector<8x128xi32> to vector<1x128xi32>
      %eq3A_639 = vector.broadcast %slice3A_638 : vector<1x128xi32> to vector<512x128xi32>
      %eq3A_640 = arith.cmpi eq, %get3A_603, %eq3A_639 : vector<512x128xi32>
      %jit3A_641 = arith.constant -1 : i32
      %broadcast_in_dim3A_642 = vector.broadcast %jit3A_641 : i32 to vector<512x128xi32>
      %select_n3A_643 = arith.select %eq3A_640, %add3A_607, %broadcast_in_dim3A_642 : vector<512x128xi1>, vector<512x128xi32>
      %reduce_max3A_644 = arith.constant dense<-2147483648> : vector<128xi32>
      %reduce_max3A_645 = vector.multi_reduction <maxsi>, %select_n3A_643, %reduce_max3A_644 [0] : vector<512x128xi32> to vector<128xi32>
      %broadcast_in_dim3A_646 = vector.shape_cast %reduce_max3A_645 : vector<128xi32> to vector<1x128xi32>
      %max3A_647 = arith.maxsi %max3A_560, %broadcast_in_dim3A_646 : vector<1x128xi32>
      %slice3A_648 = vector.extract_strided_slice %get3A_142 {offsets = [4, 0], sizes = [1, 128], strides = [1, 1]} : vector<8x128xi32> to vector<1x128xi32>
      %eq3A_649 = vector.broadcast %slice3A_648 : vector<1x128xi32> to vector<512x128xi32>
      %eq3A_650 = arith.cmpi eq, %get3A_603, %eq3A_649 : vector<512x128xi32>
      %jit3A_651 = arith.constant -1 : i32
      %broadcast_in_dim3A_652 = vector.broadcast %jit3A_651 : i32 to vector<512x128xi32>
      %select_n3A_653 = arith.select %eq3A_650, %add3A_607, %broadcast_in_dim3A_652 : vector<512x128xi1>, vector<512x128xi32>
      %reduce_max3A_654 = arith.constant dense<-2147483648> : vector<128xi32>
      %reduce_max3A_655 = vector.multi_reduction <maxsi>, %select_n3A_653, %reduce_max3A_654 [0] : vector<512x128xi32> to vector<128xi32>
      %broadcast_in_dim3A_656 = vector.shape_cast %reduce_max3A_655 : vector<128xi32> to vector<1x128xi32>
      %max3A_657 = arith.maxsi %max3A_570, %broadcast_in_dim3A_656 : vector<1x128xi32>
      %slice3A_658 = vector.extract_strided_slice %get3A_142 {offsets = [5, 0], sizes = [1, 128], strides = [1, 1]} : vector<8x128xi32> to vector<1x128xi32>
      %eq3A_659 = vector.broadcast %slice3A_658 : vector<1x128xi32> to vector<512x128xi32>
      %eq3A_660 = arith.cmpi eq, %get3A_603, %eq3A_659 : vector<512x128xi32>
      %jit3A_661 = arith.constant -1 : i32
      %broadcast_in_dim3A_662 = vector.broadcast %jit3A_661 : i32 to vector<512x128xi32>
      %select_n3A_663 = arith.select %eq3A_660, %add3A_607, %broadcast_in_dim3A_662 : vector<512x128xi1>, vector<512x128xi32>
      %reduce_max3A_664 = arith.constant dense<-2147483648> : vector<128xi32>
      %reduce_max3A_665 = vector.multi_reduction <maxsi>, %select_n3A_663, %reduce_max3A_664 [0] : vector<512x128xi32> to vector<128xi32>
      %broadcast_in_dim3A_666 = vector.shape_cast %reduce_max3A_665 : vector<128xi32> to vector<1x128xi32>
      %max3A_667 = arith.maxsi %max3A_580, %broadcast_in_dim3A_666 : vector<1x128xi32>
      %slice3A_668 = vector.extract_strided_slice %get3A_142 {offsets = [6, 0], sizes = [1, 128], strides = [1, 1]} : vector<8x128xi32> to vector<1x128xi32>
      %eq3A_669 = vector.broadcast %slice3A_668 : vector<1x128xi32> to vector<512x128xi32>
      %eq3A_670 = arith.cmpi eq, %get3A_603, %eq3A_669 : vector<512x128xi32>
      %jit3A_671 = arith.constant -1 : i32
      %broadcast_in_dim3A_672 = vector.broadcast %jit3A_671 : i32 to vector<512x128xi32>
      %select_n3A_673 = arith.select %eq3A_670, %add3A_607, %broadcast_in_dim3A_672 : vector<512x128xi1>, vector<512x128xi32>
      %reduce_max3A_674 = arith.constant dense<-2147483648> : vector<128xi32>
      %reduce_max3A_675 = vector.multi_reduction <maxsi>, %select_n3A_673, %reduce_max3A_674 [0] : vector<512x128xi32> to vector<128xi32>
      %broadcast_in_dim3A_676 = vector.shape_cast %reduce_max3A_675 : vector<128xi32> to vector<1x128xi32>
      %max3A_677 = arith.maxsi %max3A_590, %broadcast_in_dim3A_676 : vector<1x128xi32>
      %slice3A_678 = vector.extract_strided_slice %get3A_142 {offsets = [7, 0], sizes = [1, 128], strides = [1, 1]} : vector<8x128xi32> to vector<1x128xi32>
      %eq3A_679 = vector.broadcast %slice3A_678 : vector<1x128xi32> to vector<512x128xi32>
      %eq3A_680 = arith.cmpi eq, %get3A_603, %eq3A_679 : vector<512x128xi32>
      %jit3A_681 = arith.constant -1 : i32
      %broadcast_in_dim3A_682 = vector.broadcast %jit3A_681 : i32 to vector<512x128xi32>
      %select_n3A_683 = arith.select %eq3A_680, %add3A_607, %broadcast_in_dim3A_682 : vector<512x128xi1>, vector<512x128xi32>
      %reduce_max3A_684 = arith.constant dense<-2147483648> : vector<128xi32>
      %reduce_max3A_685 = vector.multi_reduction <maxsi>, %select_n3A_683, %reduce_max3A_684 [0] : vector<512x128xi32> to vector<128xi32>
      %broadcast_in_dim3A_686 = vector.shape_cast %reduce_max3A_685 : vector<128xi32> to vector<1x128xi32>
      %max3A_687 = arith.maxsi %max3A_600, %broadcast_in_dim3A_686 : vector<1x128xi32>
      %get3A_688 = arith.constant 2560 : index
      %get3A_689 = arith.constant 0 : index
      %get3A_690 = vector.load %arg15[%get3A_688, %get3A_689] : memref<4096x128xi32, #tpu.memory_space<vmem>>, vector<512x128xi32>
      %iota3A_691 = tpu.iota {dimensions = array<i32: 0>} : vector<512x128xi32>
      %add3A_692 = arith.constant 2560 : i32
      %add3A_693 = vector.broadcast %add3A_692 : i32 to vector<512x128xi32>
      %add3A_694 = arith.addi %iota3A_691, %add3A_693 : vector<512x128xi32>
      %slice3A_695 = vector.extract_strided_slice %get3A_142 {offsets = [0, 0], sizes = [1, 128], strides = [1, 1]} : vector<8x128xi32> to vector<1x128xi32>
      %eq3A_696 = vector.broadcast %slice3A_695 : vector<1x128xi32> to vector<512x128xi32>
      %eq3A_697 = arith.cmpi eq, %get3A_690, %eq3A_696 : vector<512x128xi32>
      %jit3A_698 = arith.constant -1 : i32
      %broadcast_in_dim3A_699 = vector.broadcast %jit3A_698 : i32 to vector<512x128xi32>
      %select_n3A_700 = arith.select %eq3A_697, %add3A_694, %broadcast_in_dim3A_699 : vector<512x128xi1>, vector<512x128xi32>
      %reduce_max3A_701 = arith.constant dense<-2147483648> : vector<128xi32>
      %reduce_max3A_702 = vector.multi_reduction <maxsi>, %select_n3A_700, %reduce_max3A_701 [0] : vector<512x128xi32> to vector<128xi32>
      %broadcast_in_dim3A_703 = vector.shape_cast %reduce_max3A_702 : vector<128xi32> to vector<1x128xi32>
      %max3A_704 = arith.maxsi %max3A_617, %broadcast_in_dim3A_703 : vector<1x128xi32>
      %slice3A_705 = vector.extract_strided_slice %get3A_142 {offsets = [1, 0], sizes = [1, 128], strides = [1, 1]} : vector<8x128xi32> to vector<1x128xi32>
      %eq3A_706 = vector.broadcast %slice3A_705 : vector<1x128xi32> to vector<512x128xi32>
      %eq3A_707 = arith.cmpi eq, %get3A_690, %eq3A_706 : vector<512x128xi32>
      %jit3A_708 = arith.constant -1 : i32
      %broadcast_in_dim3A_709 = vector.broadcast %jit3A_708 : i32 to vector<512x128xi32>
      %select_n3A_710 = arith.select %eq3A_707, %add3A_694, %broadcast_in_dim3A_709 : vector<512x128xi1>, vector<512x128xi32>
      %reduce_max3A_711 = arith.constant dense<-2147483648> : vector<128xi32>
      %reduce_max3A_712 = vector.multi_reduction <maxsi>, %select_n3A_710, %reduce_max3A_711 [0] : vector<512x128xi32> to vector<128xi32>
      %broadcast_in_dim3A_713 = vector.shape_cast %reduce_max3A_712 : vector<128xi32> to vector<1x128xi32>
      %max3A_714 = arith.maxsi %max3A_627, %broadcast_in_dim3A_713 : vector<1x128xi32>
      %slice3A_715 = vector.extract_strided_slice %get3A_142 {offsets = [2, 0], sizes = [1, 128], strides = [1, 1]} : vector<8x128xi32> to vector<1x128xi32>
      %eq3A_716 = vector.broadcast %slice3A_715 : vector<1x128xi32> to vector<512x128xi32>
      %eq3A_717 = arith.cmpi eq, %get3A_690, %eq3A_716 : vector<512x128xi32>
      %jit3A_718 = arith.constant -1 : i32
      %broadcast_in_dim3A_719 = vector.broadcast %jit3A_718 : i32 to vector<512x128xi32>
      %select_n3A_720 = arith.select %eq3A_717, %add3A_694, %broadcast_in_dim3A_719 : vector<512x128xi1>, vector<512x128xi32>
      %reduce_max3A_721 = arith.constant dense<-2147483648> : vector<128xi32>
      %reduce_max3A_722 = vector.multi_reduction <maxsi>, %select_n3A_720, %reduce_max3A_721 [0] : vector<512x128xi32> to vector<128xi32>
      %broadcast_in_dim3A_723 = vector.shape_cast %reduce_max3A_722 : vector<128xi32> to vector<1x128xi32>
      %max3A_724 = arith.maxsi %max3A_637, %broadcast_in_dim3A_723 : vector<1x128xi32>
      %slice3A_725 = vector.extract_strided_slice %get3A_142 {offsets = [3, 0], sizes = [1, 128], strides = [1, 1]} : vector<8x128xi32> to vector<1x128xi32>
      %eq3A_726 = vector.broadcast %slice3A_725 : vector<1x128xi32> to vector<512x128xi32>
      %eq3A_727 = arith.cmpi eq, %get3A_690, %eq3A_726 : vector<512x128xi32>
      %jit3A_728 = arith.constant -1 : i32
      %broadcast_in_dim3A_729 = vector.broadcast %jit3A_728 : i32 to vector<512x128xi32>
      %select_n3A_730 = arith.select %eq3A_727, %add3A_694, %broadcast_in_dim3A_729 : vector<512x128xi1>, vector<512x128xi32>
      %reduce_max3A_731 = arith.constant dense<-2147483648> : vector<128xi32>
      %reduce_max3A_732 = vector.multi_reduction <maxsi>, %select_n3A_730, %reduce_max3A_731 [0] : vector<512x128xi32> to vector<128xi32>
      %broadcast_in_dim3A_733 = vector.shape_cast %reduce_max3A_732 : vector<128xi32> to vector<1x128xi32>
      %max3A_734 = arith.maxsi %max3A_647, %broadcast_in_dim3A_733 : vector<1x128xi32>
      %slice3A_735 = vector.extract_strided_slice %get3A_142 {offsets = [4, 0], sizes = [1, 128], strides = [1, 1]} : vector<8x128xi32> to vector<1x128xi32>
      %eq3A_736 = vector.broadcast %slice3A_735 : vector<1x128xi32> to vector<512x128xi32>
      %eq3A_737 = arith.cmpi eq, %get3A_690, %eq3A_736 : vector<512x128xi32>
      %jit3A_738 = arith.constant -1 : i32
      %broadcast_in_dim3A_739 = vector.broadcast %jit3A_738 : i32 to vector<512x128xi32>
      %select_n3A_740 = arith.select %eq3A_737, %add3A_694, %broadcast_in_dim3A_739 : vector<512x128xi1>, vector<512x128xi32>
      %reduce_max3A_741 = arith.constant dense<-2147483648> : vector<128xi32>
      %reduce_max3A_742 = vector.multi_reduction <maxsi>, %select_n3A_740, %reduce_max3A_741 [0] : vector<512x128xi32> to vector<128xi32>
      %broadcast_in_dim3A_743 = vector.shape_cast %reduce_max3A_742 : vector<128xi32> to vector<1x128xi32>
      %max3A_744 = arith.maxsi %max3A_657, %broadcast_in_dim3A_743 : vector<1x128xi32>
      %slice3A_745 = vector.extract_strided_slice %get3A_142 {offsets = [5, 0], sizes = [1, 128], strides = [1, 1]} : vector<8x128xi32> to vector<1x128xi32>
      %eq3A_746 = vector.broadcast %slice3A_745 : vector<1x128xi32> to vector<512x128xi32>
      %eq3A_747 = arith.cmpi eq, %get3A_690, %eq3A_746 : vector<512x128xi32>
      %jit3A_748 = arith.constant -1 : i32
      %broadcast_in_dim3A_749 = vector.broadcast %jit3A_748 : i32 to vector<512x128xi32>
      %select_n3A_750 = arith.select %eq3A_747, %add3A_694, %broadcast_in_dim3A_749 : vector<512x128xi1>, vector<512x128xi32>
      %reduce_max3A_751 = arith.constant dense<-2147483648> : vector<128xi32>
      %reduce_max3A_752 = vector.multi_reduction <maxsi>, %select_n3A_750, %reduce_max3A_751 [0] : vector<512x128xi32> to vector<128xi32>
      %broadcast_in_dim3A_753 = vector.shape_cast %reduce_max3A_752 : vector<128xi32> to vector<1x128xi32>
      %max3A_754 = arith.maxsi %max3A_667, %broadcast_in_dim3A_753 : vector<1x128xi32>
      %slice3A_755 = vector.extract_strided_slice %get3A_142 {offsets = [6, 0], sizes = [1, 128], strides = [1, 1]} : vector<8x128xi32> to vector<1x128xi32>
      %eq3A_756 = vector.broadcast %slice3A_755 : vector<1x128xi32> to vector<512x128xi32>
      %eq3A_757 = arith.cmpi eq, %get3A_690, %eq3A_756 : vector<512x128xi32>
      %jit3A_758 = arith.constant -1 : i32
      %broadcast_in_dim3A_759 = vector.broadcast %jit3A_758 : i32 to vector<512x128xi32>
      %select_n3A_760 = arith.select %eq3A_757, %add3A_694, %broadcast_in_dim3A_759 : vector<512x128xi1>, vector<512x128xi32>
      %reduce_max3A_761 = arith.constant dense<-2147483648> : vector<128xi32>
      %reduce_max3A_762 = vector.multi_reduction <maxsi>, %select_n3A_760, %reduce_max3A_761 [0] : vector<512x128xi32> to vector<128xi32>
      %broadcast_in_dim3A_763 = vector.shape_cast %reduce_max3A_762 : vector<128xi32> to vector<1x128xi32>
      %max3A_764 = arith.maxsi %max3A_677, %broadcast_in_dim3A_763 : vector<1x128xi32>
      %slice3A_765 = vector.extract_strided_slice %get3A_142 {offsets = [7, 0], sizes = [1, 128], strides = [1, 1]} : vector<8x128xi32> to vector<1x128xi32>
      %eq3A_766 = vector.broadcast %slice3A_765 : vector<1x128xi32> to vector<512x128xi32>
      %eq3A_767 = arith.cmpi eq, %get3A_690, %eq3A_766 : vector<512x128xi32>
      %jit3A_768 = arith.constant -1 : i32
      %broadcast_in_dim3A_769 = vector.broadcast %jit3A_768 : i32 to vector<512x128xi32>
      %select_n3A_770 = arith.select %eq3A_767, %add3A_694, %broadcast_in_dim3A_769 : vector<512x128xi1>, vector<512x128xi32>
      %reduce_max3A_771 = arith.constant dense<-2147483648> : vector<128xi32>
      %reduce_max3A_772 = vector.multi_reduction <maxsi>, %select_n3A_770, %reduce_max3A_771 [0] : vector<512x128xi32> to vector<128xi32>
      %broadcast_in_dim3A_773 = vector.shape_cast %reduce_max3A_772 : vector<128xi32> to vector<1x128xi32>
      %max3A_774 = arith.maxsi %max3A_687, %broadcast_in_dim3A_773 : vector<1x128xi32>
      %get3A_775 = arith.constant 3072 : index
      %get3A_776 = arith.constant 0 : index
      %get3A_777 = vector.load %arg15[%get3A_775, %get3A_776] : memref<4096x128xi32, #tpu.memory_space<vmem>>, vector<512x128xi32>
      %iota3A_778 = tpu.iota {dimensions = array<i32: 0>} : vector<512x128xi32>
      %add3A_779 = arith.constant 3072 : i32
      %add3A_780 = vector.broadcast %add3A_779 : i32 to vector<512x128xi32>
      %add3A_781 = arith.addi %iota3A_778, %add3A_780 : vector<512x128xi32>
      %slice3A_782 = vector.extract_strided_slice %get3A_142 {offsets = [0, 0], sizes = [1, 128], strides = [1, 1]} : vector<8x128xi32> to vector<1x128xi32>
      %eq3A_783 = vector.broadcast %slice3A_782 : vector<1x128xi32> to vector<512x128xi32>
      %eq3A_784 = arith.cmpi eq, %get3A_777, %eq3A_783 : vector<512x128xi32>
      %jit3A_785 = arith.constant -1 : i32
      %broadcast_in_dim3A_786 = vector.broadcast %jit3A_785 : i32 to vector<512x128xi32>
      %select_n3A_787 = arith.select %eq3A_784, %add3A_781, %broadcast_in_dim3A_786 : vector<512x128xi1>, vector<512x128xi32>
      %reduce_max3A_788 = arith.constant dense<-2147483648> : vector<128xi32>
      %reduce_max3A_789 = vector.multi_reduction <maxsi>, %select_n3A_787, %reduce_max3A_788 [0] : vector<512x128xi32> to vector<128xi32>
      %broadcast_in_dim3A_790 = vector.shape_cast %reduce_max3A_789 : vector<128xi32> to vector<1x128xi32>
      %max3A_791 = arith.maxsi %max3A_704, %broadcast_in_dim3A_790 : vector<1x128xi32>
      %slice3A_792 = vector.extract_strided_slice %get3A_142 {offsets = [1, 0], sizes = [1, 128], strides = [1, 1]} : vector<8x128xi32> to vector<1x128xi32>
      %eq3A_793 = vector.broadcast %slice3A_792 : vector<1x128xi32> to vector<512x128xi32>
      %eq3A_794 = arith.cmpi eq, %get3A_777, %eq3A_793 : vector<512x128xi32>
      %jit3A_795 = arith.constant -1 : i32
      %broadcast_in_dim3A_796 = vector.broadcast %jit3A_795 : i32 to vector<512x128xi32>
      %select_n3A_797 = arith.select %eq3A_794, %add3A_781, %broadcast_in_dim3A_796 : vector<512x128xi1>, vector<512x128xi32>
      %reduce_max3A_798 = arith.constant dense<-2147483648> : vector<128xi32>
      %reduce_max3A_799 = vector.multi_reduction <maxsi>, %select_n3A_797, %reduce_max3A_798 [0] : vector<512x128xi32> to vector<128xi32>
      %broadcast_in_dim3A_800 = vector.shape_cast %reduce_max3A_799 : vector<128xi32> to vector<1x128xi32>
      %max3A_801 = arith.maxsi %max3A_714, %broadcast_in_dim3A_800 : vector<1x128xi32>
      %slice3A_802 = vector.extract_strided_slice %get3A_142 {offsets = [2, 0], sizes = [1, 128], strides = [1, 1]} : vector<8x128xi32> to vector<1x128xi32>
      %eq3A_803 = vector.broadcast %slice3A_802 : vector<1x128xi32> to vector<512x128xi32>
      %eq3A_804 = arith.cmpi eq, %get3A_777, %eq3A_803 : vector<512x128xi32>
      %jit3A_805 = arith.constant -1 : i32
      %broadcast_in_dim3A_806 = vector.broadcast %jit3A_805 : i32 to vector<512x128xi32>
      %select_n3A_807 = arith.select %eq3A_804, %add3A_781, %broadcast_in_dim3A_806 : vector<512x128xi1>, vector<512x128xi32>
      %reduce_max3A_808 = arith.constant dense<-2147483648> : vector<128xi32>
      %reduce_max3A_809 = vector.multi_reduction <maxsi>, %select_n3A_807, %reduce_max3A_808 [0] : vector<512x128xi32> to vector<128xi32>
      %broadcast_in_dim3A_810 = vector.shape_cast %reduce_max3A_809 : vector<128xi32> to vector<1x128xi32>
      %max3A_811 = arith.maxsi %max3A_724, %broadcast_in_dim3A_810 : vector<1x128xi32>
      %slice3A_812 = vector.extract_strided_slice %get3A_142 {offsets = [3, 0], sizes = [1, 128], strides = [1, 1]} : vector<8x128xi32> to vector<1x128xi32>
      %eq3A_813 = vector.broadcast %slice3A_812 : vector<1x128xi32> to vector<512x128xi32>
      %eq3A_814 = arith.cmpi eq, %get3A_777, %eq3A_813 : vector<512x128xi32>
      %jit3A_815 = arith.constant -1 : i32
      %broadcast_in_dim3A_816 = vector.broadcast %jit3A_815 : i32 to vector<512x128xi32>
      %select_n3A_817 = arith.select %eq3A_814, %add3A_781, %broadcast_in_dim3A_816 : vector<512x128xi1>, vector<512x128xi32>
      %reduce_max3A_818 = arith.constant dense<-2147483648> : vector<128xi32>
      %reduce_max3A_819 = vector.multi_reduction <maxsi>, %select_n3A_817, %reduce_max3A_818 [0] : vector<512x128xi32> to vector<128xi32>
      %broadcast_in_dim3A_820 = vector.shape_cast %reduce_max3A_819 : vector<128xi32> to vector<1x128xi32>
      %max3A_821 = arith.maxsi %max3A_734, %broadcast_in_dim3A_820 : vector<1x128xi32>
      %slice3A_822 = vector.extract_strided_slice %get3A_142 {offsets = [4, 0], sizes = [1, 128], strides = [1, 1]} : vector<8x128xi32> to vector<1x128xi32>
      %eq3A_823 = vector.broadcast %slice3A_822 : vector<1x128xi32> to vector<512x128xi32>
      %eq3A_824 = arith.cmpi eq, %get3A_777, %eq3A_823 : vector<512x128xi32>
      %jit3A_825 = arith.constant -1 : i32
      %broadcast_in_dim3A_826 = vector.broadcast %jit3A_825 : i32 to vector<512x128xi32>
      %select_n3A_827 = arith.select %eq3A_824, %add3A_781, %broadcast_in_dim3A_826 : vector<512x128xi1>, vector<512x128xi32>
      %reduce_max3A_828 = arith.constant dense<-2147483648> : vector<128xi32>
      %reduce_max3A_829 = vector.multi_reduction <maxsi>, %select_n3A_827, %reduce_max3A_828 [0] : vector<512x128xi32> to vector<128xi32>
      %broadcast_in_dim3A_830 = vector.shape_cast %reduce_max3A_829 : vector<128xi32> to vector<1x128xi32>
      %max3A_831 = arith.maxsi %max3A_744, %broadcast_in_dim3A_830 : vector<1x128xi32>
      %slice3A_832 = vector.extract_strided_slice %get3A_142 {offsets = [5, 0], sizes = [1, 128], strides = [1, 1]} : vector<8x128xi32> to vector<1x128xi32>
      %eq3A_833 = vector.broadcast %slice3A_832 : vector<1x128xi32> to vector<512x128xi32>
      %eq3A_834 = arith.cmpi eq, %get3A_777, %eq3A_833 : vector<512x128xi32>
      %jit3A_835 = arith.constant -1 : i32
      %broadcast_in_dim3A_836 = vector.broadcast %jit3A_835 : i32 to vector<512x128xi32>
      %select_n3A_837 = arith.select %eq3A_834, %add3A_781, %broadcast_in_dim3A_836 : vector<512x128xi1>, vector<512x128xi32>
      %reduce_max3A_838 = arith.constant dense<-2147483648> : vector<128xi32>
      %reduce_max3A_839 = vector.multi_reduction <maxsi>, %select_n3A_837, %reduce_max3A_838 [0] : vector<512x128xi32> to vector<128xi32>
      %broadcast_in_dim3A_840 = vector.shape_cast %reduce_max3A_839 : vector<128xi32> to vector<1x128xi32>
      %max3A_841 = arith.maxsi %max3A_754, %broadcast_in_dim3A_840 : vector<1x128xi32>
      %slice3A_842 = vector.extract_strided_slice %get3A_142 {offsets = [6, 0], sizes = [1, 128], strides = [1, 1]} : vector<8x128xi32> to vector<1x128xi32>
      %eq3A_843 = vector.broadcast %slice3A_842 : vector<1x128xi32> to vector<512x128xi32>
      %eq3A_844 = arith.cmpi eq, %get3A_777, %eq3A_843 : vector<512x128xi32>
      %jit3A_845 = arith.constant -1 : i32
      %broadcast_in_dim3A_846 = vector.broadcast %jit3A_845 : i32 to vector<512x128xi32>
      %select_n3A_847 = arith.select %eq3A_844, %add3A_781, %broadcast_in_dim3A_846 : vector<512x128xi1>, vector<512x128xi32>
      %reduce_max3A_848 = arith.constant dense<-2147483648> : vector<128xi32>
      %reduce_max3A_849 = vector.multi_reduction <maxsi>, %select_n3A_847, %reduce_max3A_848 [0] : vector<512x128xi32> to vector<128xi32>
      %broadcast_in_dim3A_850 = vector.shape_cast %reduce_max3A_849 : vector<128xi32> to vector<1x128xi32>
      %max3A_851 = arith.maxsi %max3A_764, %broadcast_in_dim3A_850 : vector<1x128xi32>
      %slice3A_852 = vector.extract_strided_slice %get3A_142 {offsets = [7, 0], sizes = [1, 128], strides = [1, 1]} : vector<8x128xi32> to vector<1x128xi32>
      %eq3A_853 = vector.broadcast %slice3A_852 : vector<1x128xi32> to vector<512x128xi32>
      %eq3A_854 = arith.cmpi eq, %get3A_777, %eq3A_853 : vector<512x128xi32>
      %jit3A_855 = arith.constant -1 : i32
      %broadcast_in_dim3A_856 = vector.broadcast %jit3A_855 : i32 to vector<512x128xi32>
      %select_n3A_857 = arith.select %eq3A_854, %add3A_781, %broadcast_in_dim3A_856 : vector<512x128xi1>, vector<512x128xi32>
      %reduce_max3A_858 = arith.constant dense<-2147483648> : vector<128xi32>
      %reduce_max3A_859 = vector.multi_reduction <maxsi>, %select_n3A_857, %reduce_max3A_858 [0] : vector<512x128xi32> to vector<128xi32>
      %broadcast_in_dim3A_860 = vector.shape_cast %reduce_max3A_859 : vector<128xi32> to vector<1x128xi32>
      %max3A_861 = arith.maxsi %max3A_774, %broadcast_in_dim3A_860 : vector<1x128xi32>
      %get3A_862 = arith.constant 3584 : index
      %get3A_863 = arith.constant 0 : index
      %get3A_864 = vector.load %arg15[%get3A_862, %get3A_863] : memref<4096x128xi32, #tpu.memory_space<vmem>>, vector<512x128xi32>
      %iota3A_865 = tpu.iota {dimensions = array<i32: 0>} : vector<512x128xi32>
      %add3A_866 = arith.constant 3584 : i32
      %add3A_867 = vector.broadcast %add3A_866 : i32 to vector<512x128xi32>
      %add3A_868 = arith.addi %iota3A_865, %add3A_867 : vector<512x128xi32>
      %slice3A_869 = vector.extract_strided_slice %get3A_142 {offsets = [0, 0], sizes = [1, 128], strides = [1, 1]} : vector<8x128xi32> to vector<1x128xi32>
      %eq3A_870 = vector.broadcast %slice3A_869 : vector<1x128xi32> to vector<512x128xi32>
      %eq3A_871 = arith.cmpi eq, %get3A_864, %eq3A_870 : vector<512x128xi32>
      %jit3A_872 = arith.constant -1 : i32
      %broadcast_in_dim3A_873 = vector.broadcast %jit3A_872 : i32 to vector<512x128xi32>
      %select_n3A_874 = arith.select %eq3A_871, %add3A_868, %broadcast_in_dim3A_873 : vector<512x128xi1>, vector<512x128xi32>
      %reduce_max3A_875 = arith.constant dense<-2147483648> : vector<128xi32>
      %reduce_max3A_876 = vector.multi_reduction <maxsi>, %select_n3A_874, %reduce_max3A_875 [0] : vector<512x128xi32> to vector<128xi32>
      %broadcast_in_dim3A_877 = vector.shape_cast %reduce_max3A_876 : vector<128xi32> to vector<1x128xi32>
      %max3A_878 = arith.maxsi %max3A_791, %broadcast_in_dim3A_877 : vector<1x128xi32>
      %slice3A_879 = vector.extract_strided_slice %get3A_142 {offsets = [1, 0], sizes = [1, 128], strides = [1, 1]} : vector<8x128xi32> to vector<1x128xi32>
      %eq3A_880 = vector.broadcast %slice3A_879 : vector<1x128xi32> to vector<512x128xi32>
      %eq3A_881 = arith.cmpi eq, %get3A_864, %eq3A_880 : vector<512x128xi32>
      %jit3A_882 = arith.constant -1 : i32
      %broadcast_in_dim3A_883 = vector.broadcast %jit3A_882 : i32 to vector<512x128xi32>
      %select_n3A_884 = arith.select %eq3A_881, %add3A_868, %broadcast_in_dim3A_883 : vector<512x128xi1>, vector<512x128xi32>
      %reduce_max3A_885 = arith.constant dense<-2147483648> : vector<128xi32>
      %reduce_max3A_886 = vector.multi_reduction <maxsi>, %select_n3A_884, %reduce_max3A_885 [0] : vector<512x128xi32> to vector<128xi32>
      %broadcast_in_dim3A_887 = vector.shape_cast %reduce_max3A_886 : vector<128xi32> to vector<1x128xi32>
      %max3A_888 = arith.maxsi %max3A_801, %broadcast_in_dim3A_887 : vector<1x128xi32>
      %slice3A_889 = vector.extract_strided_slice %get3A_142 {offsets = [2, 0], sizes = [1, 128], strides = [1, 1]} : vector<8x128xi32> to vector<1x128xi32>
      %eq3A_890 = vector.broadcast %slice3A_889 : vector<1x128xi32> to vector<512x128xi32>
      %eq3A_891 = arith.cmpi eq, %get3A_864, %eq3A_890 : vector<512x128xi32>
      %jit3A_892 = arith.constant -1 : i32
      %broadcast_in_dim3A_893 = vector.broadcast %jit3A_892 : i32 to vector<512x128xi32>
      %select_n3A_894 = arith.select %eq3A_891, %add3A_868, %broadcast_in_dim3A_893 : vector<512x128xi1>, vector<512x128xi32>
      %reduce_max3A_895 = arith.constant dense<-2147483648> : vector<128xi32>
      %reduce_max3A_896 = vector.multi_reduction <maxsi>, %select_n3A_894, %reduce_max3A_895 [0] : vector<512x128xi32> to vector<128xi32>
      %broadcast_in_dim3A_897 = vector.shape_cast %reduce_max3A_896 : vector<128xi32> to vector<1x128xi32>
      %max3A_898 = arith.maxsi %max3A_811, %broadcast_in_dim3A_897 : vector<1x128xi32>
      %slice3A_899 = vector.extract_strided_slice %get3A_142 {offsets = [3, 0], sizes = [1, 128], strides = [1, 1]} : vector<8x128xi32> to vector<1x128xi32>
      %eq3A_900 = vector.broadcast %slice3A_899 : vector<1x128xi32> to vector<512x128xi32>
      %eq3A_901 = arith.cmpi eq, %get3A_864, %eq3A_900 : vector<512x128xi32>
      %jit3A_902 = arith.constant -1 : i32
      %broadcast_in_dim3A_903 = vector.broadcast %jit3A_902 : i32 to vector<512x128xi32>
      %select_n3A_904 = arith.select %eq3A_901, %add3A_868, %broadcast_in_dim3A_903 : vector<512x128xi1>, vector<512x128xi32>
      %reduce_max3A_905 = arith.constant dense<-2147483648> : vector<128xi32>
      %reduce_max3A_906 = vector.multi_reduction <maxsi>, %select_n3A_904, %reduce_max3A_905 [0] : vector<512x128xi32> to vector<128xi32>
      %broadcast_in_dim3A_907 = vector.shape_cast %reduce_max3A_906 : vector<128xi32> to vector<1x128xi32>
      %max3A_908 = arith.maxsi %max3A_821, %broadcast_in_dim3A_907 : vector<1x128xi32>
      %slice3A_909 = vector.extract_strided_slice %get3A_142 {offsets = [4, 0], sizes = [1, 128], strides = [1, 1]} : vector<8x128xi32> to vector<1x128xi32>
      %eq3A_910 = vector.broadcast %slice3A_909 : vector<1x128xi32> to vector<512x128xi32>
      %eq3A_911 = arith.cmpi eq, %get3A_864, %eq3A_910 : vector<512x128xi32>
      %jit3A_912 = arith.constant -1 : i32
      %broadcast_in_dim3A_913 = vector.broadcast %jit3A_912 : i32 to vector<512x128xi32>
      %select_n3A_914 = arith.select %eq3A_911, %add3A_868, %broadcast_in_dim3A_913 : vector<512x128xi1>, vector<512x128xi32>
      %reduce_max3A_915 = arith.constant dense<-2147483648> : vector<128xi32>
      %reduce_max3A_916 = vector.multi_reduction <maxsi>, %select_n3A_914, %reduce_max3A_915 [0] : vector<512x128xi32> to vector<128xi32>
      %broadcast_in_dim3A_917 = vector.shape_cast %reduce_max3A_916 : vector<128xi32> to vector<1x128xi32>
      %max3A_918 = arith.maxsi %max3A_831, %broadcast_in_dim3A_917 : vector<1x128xi32>
      %slice3A_919 = vector.extract_strided_slice %get3A_142 {offsets = [5, 0], sizes = [1, 128], strides = [1, 1]} : vector<8x128xi32> to vector<1x128xi32>
      %eq3A_920 = vector.broadcast %slice3A_919 : vector<1x128xi32> to vector<512x128xi32>
      %eq3A_921 = arith.cmpi eq, %get3A_864, %eq3A_920 : vector<512x128xi32>
      %jit3A_922 = arith.constant -1 : i32
      %broadcast_in_dim3A_923 = vector.broadcast %jit3A_922 : i32 to vector<512x128xi32>
      %select_n3A_924 = arith.select %eq3A_921, %add3A_868, %broadcast_in_dim3A_923 : vector<512x128xi1>, vector<512x128xi32>
      %reduce_max3A_925 = arith.constant dense<-2147483648> : vector<128xi32>
      %reduce_max3A_926 = vector.multi_reduction <maxsi>, %select_n3A_924, %reduce_max3A_925 [0] : vector<512x128xi32> to vector<128xi32>
      %broadcast_in_dim3A_927 = vector.shape_cast %reduce_max3A_926 : vector<128xi32> to vector<1x128xi32>
      %max3A_928 = arith.maxsi %max3A_841, %broadcast_in_dim3A_927 : vector<1x128xi32>
      %slice3A_929 = vector.extract_strided_slice %get3A_142 {offsets = [6, 0], sizes = [1, 128], strides = [1, 1]} : vector<8x128xi32> to vector<1x128xi32>
      %eq3A_930 = vector.broadcast %slice3A_929 : vector<1x128xi32> to vector<512x128xi32>
      %eq3A_931 = arith.cmpi eq, %get3A_864, %eq3A_930 : vector<512x128xi32>
      %jit3A_932 = arith.constant -1 : i32
      %broadcast_in_dim3A_933 = vector.broadcast %jit3A_932 : i32 to vector<512x128xi32>
      %select_n3A_934 = arith.select %eq3A_931, %add3A_868, %broadcast_in_dim3A_933 : vector<512x128xi1>, vector<512x128xi32>
      %reduce_max3A_935 = arith.constant dense<-2147483648> : vector<128xi32>
      %reduce_max3A_936 = vector.multi_reduction <maxsi>, %select_n3A_934, %reduce_max3A_935 [0] : vector<512x128xi32> to vector<128xi32>
      %broadcast_in_dim3A_937 = vector.shape_cast %reduce_max3A_936 : vector<128xi32> to vector<1x128xi32>
      %max3A_938 = arith.maxsi %max3A_851, %broadcast_in_dim3A_937 : vector<1x128xi32>
      %slice3A_939 = vector.extract_strided_slice %get3A_142 {offsets = [7, 0], sizes = [1, 128], strides = [1, 1]} : vector<8x128xi32> to vector<1x128xi32>
      %eq3A_940 = vector.broadcast %slice3A_939 : vector<1x128xi32> to vector<512x128xi32>
      %eq3A_941 = arith.cmpi eq, %get3A_864, %eq3A_940 : vector<512x128xi32>
      %jit3A_942 = arith.constant -1 : i32
      %broadcast_in_dim3A_943 = vector.broadcast %jit3A_942 : i32 to vector<512x128xi32>
      %select_n3A_944 = arith.select %eq3A_941, %add3A_868, %broadcast_in_dim3A_943 : vector<512x128xi1>, vector<512x128xi32>
      %reduce_max3A_945 = arith.constant dense<-2147483648> : vector<128xi32>
      %reduce_max3A_946 = vector.multi_reduction <maxsi>, %select_n3A_944, %reduce_max3A_945 [0] : vector<512x128xi32> to vector<128xi32>
      %broadcast_in_dim3A_947 = vector.shape_cast %reduce_max3A_946 : vector<128xi32> to vector<1x128xi32>
      %max3A_948 = arith.maxsi %max3A_861, %broadcast_in_dim3A_947 : vector<1x128xi32>
      %concatenate3A = tpu.concatenate %max3A_878, %max3A_888, %max3A_898, %max3A_908, %max3A_918, %max3A_928, %max3A_938, %max3A_948 in 0 : vector<1x128xi32>, vector<1x128xi32>, vector<1x128xi32>, vector<1x128xi32>, vector<1x128xi32>, vector<1x128xi32>, vector<1x128xi32>, vector<1x128xi32> -> vector<8x128xi32>
      scf.yield %concatenate3A : vector<8x128xi32>
    }
    %swap3A_149 = arith.constant 0 : index
    %swap3A_150 = arith.constant 0 : index
    %swap3A_151 = arith.constant 0 : index
    %swap3A_152 = vector.load %arg12[%swap3A_149, %swap3A_150, %swap3A_151] : memref<1x8x128xi32, #tpu.memory_space<vmem>>, vector<1x8x128xi32>
    %swap3A_153 = vector.shape_cast %swap3A_152 : vector<1x8x128xi32> to vector<8x128xi32>
    %swap3A_154 = vector.shape_cast %cond3A_148 : vector<8x128xi32> to vector<1x8x128xi32>
    tpu.vector_store %arg12[%swap3A_149, %swap3A_150, %swap3A_151], %swap3A_154 {strides = array<i32>} : memref<1x8x128xi32, #tpu.memory_space<vmem>>, vector<1x8x128xi32>,
    %mul3A_155 = arith.constant 6 : i32
    %mul3A_156 = arith.muli %arg0, %mul3A_155 : i32
    %add3A_157 = arith.constant 0 : i32
    %add3A_158 = arith.addi %mul3A_156, %add3A_157 : i32
    %mul3A_159 = arith.constant 4000 : i32
    %mul3A_160 = arith.muli %add3A_158, %mul3A_159 : i32
    %multiple_of3A_161 = tpu.assume_multiple %mul3A_160, 4000 : i32
    %dma_wait3A = arith.constant 0 : i32
    %dma_wait3A_162 = tpu.memref_slice %arg9[%multiple_of3A_161, %dma_wait3A] : memref<100000x128xf32, #tpu.memory_space<hbm>> -> memref<4000x128xf32, #tpu.memory_space<hbm>>
    tpu.wait_dma2 semaphore(%arg24 : memref<!tpu.dma_semaphore, #tpu.memory_space<semaphore_mem>>) src(%dma_wait3A_162 : memref<4000x128xf32, #tpu.memory_space<hbm>>) dst(%arg16 : memref<4000x128xf32, #tpu.memory_space<vmem>>)
    %mul3A_163 = arith.constant 4000 : i32
    %mul3A_164 = arith.muli %add3A_158, %mul3A_163 : i32
    %multiple_of3A_165 = tpu.assume_multiple %mul3A_164, 4000 : i32
    %dma_start3A_166 = arith.constant 0 : i32
    %dma_start3A_167 = tpu.memref_slice %arg13[%multiple_of3A_165, %dma_start3A_166] : memref<100000x128xf32, #tpu.memory_space<hbm>> -> memref<4000x128xf32, #tpu.memory_space<hbm>>
    tpu.enqueue_dma source(%arg16 : memref<4000x128xf32, #tpu.memory_space<vmem>>) target(%dma_start3A_167 : memref<4000x128xf32, #tpu.memory_space<hbm>>) target_semaphore(%arg31 : memref<!tpu.dma_semaphore, #tpu.memory_space<semaphore_mem>>)
    %mul3A_168 = arith.constant 6 : i32
    %mul3A_169 = arith.muli %arg0, %mul3A_168 : i32
    %add3A_170 = arith.constant 1 : i32
    %add3A_171 = arith.addi %mul3A_169, %add3A_170 : i32
    %mul3A_172 = arith.constant 4000 : i32
    %mul3A_173 = arith.muli %add3A_171, %mul3A_172 : i32
    %multiple_of3A_174 = tpu.assume_multiple %mul3A_173, 4000 : i32
    %dma_wait3A_175 = arith.constant 0 : i32
    %dma_wait3A_176 = tpu.memref_slice %arg9[%multiple_of3A_174, %dma_wait3A_175] : memref<100000x128xf32, #tpu.memory_space<hbm>> -> memref<4000x128xf32, #tpu.memory_space<hbm>>
    tpu.wait_dma2 semaphore(%arg25 : memref<!tpu.dma_semaphore, #tpu.memory_space<semaphore_mem>>) src(%dma_wait3A_176 : memref<4000x128xf32, #tpu.memory_space<hbm>>) dst(%arg17 : memref<4000x128xf32, #tpu.memory_space<vmem>>)
    %mul3A_177 = arith.constant 4000 : i32
    %mul3A_178 = arith.muli %add3A_171, %mul3A_177 : i32
    %multiple_of3A_179 = tpu.assume_multiple %mul3A_178, 4000 : i32
    %dma_start3A_180 = arith.constant 0 : i32
    %dma_start3A_181 = tpu.memref_slice %arg13[%multiple_of3A_179, %dma_start3A_180] : memref<100000x128xf32, #tpu.memory_space<hbm>> -> memref<4000x128xf32, #tpu.memory_space<hbm>>
    tpu.enqueue_dma source(%arg17 : memref<4000x128xf32, #tpu.memory_space<vmem>>) target(%dma_start3A_181 : memref<4000x128xf32, #tpu.memory_space<hbm>>) target_semaphore(%arg32 : memref<!tpu.dma_semaphore, #tpu.memory_space<semaphore_mem>>)
    %mul3A_182 = arith.constant 6 : i32
    %mul3A_183 = arith.muli %arg0, %mul3A_182 : i32
    %add3A_184 = arith.constant 2 : i32
    %add3A_185 = arith.addi %mul3A_183, %add3A_184 : i32
    %mul3A_186 = arith.constant 4000 : i32
    %mul3A_187 = arith.muli %add3A_185, %mul3A_186 : i32
    %multiple_of3A_188 = tpu.assume_multiple %mul3A_187, 4000 : i32
    %dma_wait3A_189 = arith.constant 0 : i32
    %dma_wait3A_190 = tpu.memref_slice %arg9[%multiple_of3A_188, %dma_wait3A_189] : memref<100000x128xf32, #tpu.memory_space<hbm>> -> memref<4000x128xf32, #tpu.memory_space<hbm>>
    tpu.wait_dma2 semaphore(%arg26 : memref<!tpu.dma_semaphore, #tpu.memory_space<semaphore_mem>>) src(%dma_wait3A_190 : memref<4000x128xf32, #tpu.memory_space<hbm>>) dst(%arg18 : memref<4000x128xf32, #tpu.memory_space<vmem>>)
    %mul3A_191 = arith.constant 4000 : i32
    %mul3A_192 = arith.muli %add3A_185, %mul3A_191 : i32
    %multiple_of3A_193 = tpu.assume_multiple %mul3A_192, 4000 : i32
    %dma_start3A_194 = arith.constant 0 : i32
    %dma_start3A_195 = tpu.memref_slice %arg13[%multiple_of3A_193, %dma_start3A_194] : memref<100000x128xf32, #tpu.memory_space<hbm>> -> memref<4000x128xf32, #tpu.memory_space<hbm>>
    tpu.enqueue_dma source(%arg18 : memref<4000x128xf32, #tpu.memory_space<vmem>>) target(%dma_start3A_195 : memref<4000x128xf32, #tpu.memory_space<hbm>>) target_semaphore(%arg33 : memref<!tpu.dma_semaphore, #tpu.memory_space<semaphore_mem>>)
    %mul3A_196 = arith.constant 6 : i32
    %mul3A_197 = arith.muli %arg0, %mul3A_196 : i32
    %add3A_198 = arith.constant 3 : i32
    %add3A_199 = arith.addi %mul3A_197, %add3A_198 : i32
    %mul3A_200 = arith.constant 4000 : i32
    %mul3A_201 = arith.muli %add3A_199, %mul3A_200 : i32
    %multiple_of3A_202 = tpu.assume_multiple %mul3A_201, 4000 : i32
    %dma_wait3A_203 = arith.constant 0 : i32
    %dma_wait3A_204 = tpu.memref_slice %arg9[%multiple_of3A_202, %dma_wait3A_203] : memref<100000x128xf32, #tpu.memory_space<hbm>> -> memref<4000x128xf32, #tpu.memory_space<hbm>>
    tpu.wait_dma2 semaphore(%arg27 : memref<!tpu.dma_semaphore, #tpu.memory_space<semaphore_mem>>) src(%dma_wait3A_204 : memref<4000x128xf32, #tpu.memory_space<hbm>>) dst(%arg19 : memref<4000x128xf32, #tpu.memory_space<vmem>>)
    %mul3A_205 = arith.constant 4000 : i32
    %mul3A_206 = arith.muli %add3A_199, %mul3A_205 : i32
    %multiple_of3A_207 = tpu.assume_multiple %mul3A_206, 4000 : i32
    %dma_start3A_208 = arith.constant 0 : i32
    %dma_start3A_209 = tpu.memref_slice %arg13[%multiple_of3A_207, %dma_start3A_208] : memref<100000x128xf32, #tpu.memory_space<hbm>> -> memref<4000x128xf32, #tpu.memory_space<hbm>>
    tpu.enqueue_dma source(%arg19 : memref<4000x128xf32, #tpu.memory_space<vmem>>) target(%dma_start3A_209 : memref<4000x128xf32, #tpu.memory_space<hbm>>) target_semaphore(%arg34 : memref<!tpu.dma_semaphore, #tpu.memory_space<semaphore_mem>>)
    %mul3A_210 = arith.constant 6 : i32
    %mul3A_211 = arith.muli %arg0, %mul3A_210 : i32
    %add3A_212 = arith.constant 4 : i32
    %add3A_213 = arith.addi %mul3A_211, %add3A_212 : i32
    %mul3A_214 = arith.constant 4000 : i32
    %mul3A_215 = arith.muli %add3A_213, %mul3A_214 : i32
    %multiple_of3A_216 = tpu.assume_multiple %mul3A_215, 4000 : i32
    %dma_wait3A_217 = arith.constant 0 : i32
    %dma_wait3A_218 = tpu.memref_slice %arg9[%multiple_of3A_216, %dma_wait3A_217] : memref<100000x128xf32, #tpu.memory_space<hbm>> -> memref<4000x128xf32, #tpu.memory_space<hbm>>
    tpu.wait_dma2 semaphore(%arg28 : memref<!tpu.dma_semaphore, #tpu.memory_space<semaphore_mem>>) src(%dma_wait3A_218 : memref<4000x128xf32, #tpu.memory_space<hbm>>) dst(%arg20 : memref<4000x128xf32, #tpu.memory_space<vmem>>)
    %mul3A_219 = arith.constant 4000 : i32
    %mul3A_220 = arith.muli %add3A_213, %mul3A_219 : i32
    %multiple_of3A_221 = tpu.assume_multiple %mul3A_220, 4000 : i32
    %dma_start3A_222 = arith.constant 0 : i32
    %dma_start3A_223 = tpu.memref_slice %arg13[%multiple_of3A_221, %dma_start3A_222] : memref<100000x128xf32, #tpu.memory_space<hbm>> -> memref<4000x128xf32, #tpu.memory_space<hbm>>
    tpu.enqueue_dma source(%arg20 : memref<4000x128xf32, #tpu.memory_space<vmem>>) target(%dma_start3A_223 : memref<4000x128xf32, #tpu.memory_space<hbm>>) target_semaphore(%arg35 : memref<!tpu.dma_semaphore, #tpu.memory_space<semaphore_mem>>)
    %mul3A_224 = arith.constant 6 : i32
    %mul3A_225 = arith.muli %arg0, %mul3A_224 : i32
    %add3A_226 = arith.constant 5 : i32
    %add3A_227 = arith.addi %mul3A_225, %add3A_226 : i32
    %mul3A_228 = arith.constant 4000 : i32
    %mul3A_229 = arith.muli %add3A_227, %mul3A_228 : i32
    %multiple_of3A_230 = tpu.assume_multiple %mul3A_229, 4000 : i32
    %dma_wait3A_231 = arith.constant 0 : i32
    %dma_wait3A_232 = tpu.memref_slice %arg9[%multiple_of3A_230, %dma_wait3A_231] : memref<100000x128xf32, #tpu.memory_space<hbm>> -> memref<4000x128xf32, #tpu.memory_space<hbm>>
    tpu.wait_dma2 semaphore(%arg29 : memref<!tpu.dma_semaphore, #tpu.memory_space<semaphore_mem>>) src(%dma_wait3A_232 : memref<4000x128xf32, #tpu.memory_space<hbm>>) dst(%arg21 : memref<4000x128xf32, #tpu.memory_space<vmem>>)
    %mul3A_233 = arith.constant 4000 : i32
    %mul3A_234 = arith.muli %add3A_227, %mul3A_233 : i32
    %multiple_of3A_235 = tpu.assume_multiple %mul3A_234, 4000 : i32
    %dma_start3A_236 = arith.constant 0 : i32
    %dma_start3A_237 = tpu.memref_slice %arg13[%multiple_of3A_235, %dma_start3A_236] : memref<100000x128xf32, #tpu.memory_space<hbm>> -> memref<4000x128xf32, #tpu.memory_space<hbm>>
    tpu.enqueue_dma source(%arg21 : memref<4000x128xf32, #tpu.memory_space<vmem>>) target(%dma_start3A_237 : memref<4000x128xf32, #tpu.memory_space<hbm>>) target_semaphore(%arg36 : memref<!tpu.dma_semaphore, #tpu.memory_space<semaphore_mem>>)
    %eq3A_238 = arith.constant 3 : i32
    %eq3A_239 = arith.cmpi eq, %arg0, %eq3A_238 : i32
    %convert_element_type3A_240 = arith.extui %eq3A_239 : i1 to i32
    %cond3A_241 = arith.constant 0 : i32
    %cond3A_242 = arith.cmpi ne, %convert_element_type3A_240, %cond3A_241 : i32
    scf.if %cond3A_242 {
      %multiple_of3A_243 = arith.constant 96000 : i32
      %multiple_of3A_244 = tpu.assume_multiple %multiple_of3A_243, 4000 : i32
      %dma_wait3A_245 = arith.constant 0 : i32
      %dma_wait3A_246 = tpu.memref_slice %arg9[%multiple_of3A_244, %dma_wait3A_245] : memref<100000x128xf32, #tpu.memory_space<hbm>> -> memref<4000x128xf32, #tpu.memory_space<hbm>>
      tpu.wait_dma2 semaphore(%arg30 : memref<!tpu.dma_semaphore, #tpu.memory_space<semaphore_mem>>) src(%dma_wait3A_246 : memref<4000x128xf32, #tpu.memory_space<hbm>>) dst(%arg22 : memref<4000x128xf32, #tpu.memory_space<vmem>>)
      %multiple_of3A_247 = arith.constant 96000 : i32
      %multiple_of3A_248 = tpu.assume_multiple %multiple_of3A_247, 4000 : i32
      %dma_start3A_249 = arith.constant 0 : i32
      %dma_start3A_250 = tpu.memref_slice %arg13[%multiple_of3A_248, %dma_start3A_249] : memref<100000x128xf32, #tpu.memory_space<hbm>> -> memref<4000x128xf32, #tpu.memory_space<hbm>>
      tpu.enqueue_dma source(%arg22 : memref<4000x128xf32, #tpu.memory_space<vmem>>) target(%dma_start3A_250 : memref<4000x128xf32, #tpu.memory_space<hbm>>) target_semaphore(%arg37 : memref<!tpu.dma_semaphore, #tpu.memory_space<semaphore_mem>>)
      tpu.wait_dma2 semaphore(%arg38 : memref<!tpu.dma_semaphore, #tpu.memory_space<semaphore_mem>>) src(%arg10 : memref<100000xf32, #tpu.memory_space<hbm>>) dst(%arg23 : memref<100000xf32, #tpu.memory_space<vmem>>)
      tpu.enqueue_dma source(%arg23 : memref<100000xf32, #tpu.memory_space<vmem>>) target(%arg14 : memref<100000xf32, #tpu.memory_space<hbm>>) target_semaphore(%arg39 : memref<!tpu.dma_semaphore, #tpu.memory_space<semaphore_mem>>)
      %multiple_of3A_251 = arith.constant 0 : i32
      %multiple_of3A_252 = tpu.assume_multiple %multiple_of3A_251, 4000 : i32
      %dma_wait3A_253 = arith.constant 0 : i32
      %dma_wait3A_254 = tpu.memref_slice %arg13[%multiple_of3A_252, %dma_wait3A_253] : memref<100000x128xf32, #tpu.memory_space<hbm>> -> memref<4000x128xf32, #tpu.memory_space<hbm>>
      tpu.wait_dma2 semaphore(%arg31 : memref<!tpu.dma_semaphore, #tpu.memory_space<semaphore_mem>>) src(%arg16 : memref<4000x128xf32, #tpu.memory_space<vmem>>) dst(%dma_wait3A_254 : memref<4000x128xf32, #tpu.memory_space<hbm>>)
      %multiple_of3A_255 = arith.constant 0 : i32
      %multiple_of3A_256 = tpu.assume_multiple %multiple_of3A_255, 4000 : i32
      %dma_wait3A_257 = arith.constant 0 : i32
      %dma_wait3A_258 = tpu.memref_slice %arg13[%multiple_of3A_256, %dma_wait3A_257] : memref<100000x128xf32, #tpu.memory_space<hbm>> -> memref<4000x128xf32, #tpu.memory_space<hbm>>
      tpu.wait_dma2 semaphore(%arg32 : memref<!tpu.dma_semaphore, #tpu.memory_space<semaphore_mem>>) src(%arg17 : memref<4000x128xf32, #tpu.memory_space<vmem>>) dst(%dma_wait3A_258 : memref<4000x128xf32, #tpu.memory_space<hbm>>)
      %multiple_of3A_259 = arith.constant 0 : i32
      %multiple_of3A_260 = tpu.assume_multiple %multiple_of3A_259, 4000 : i32
      %dma_wait3A_261 = arith.constant 0 : i32
      %dma_wait3A_262 = tpu.memref_slice %arg13[%multiple_of3A_260, %dma_wait3A_261] : memref<100000x128xf32, #tpu.memory_space<hbm>> -> memref<4000x128xf32, #tpu.memory_space<hbm>>
      tpu.wait_dma2 semaphore(%arg33 : memref<!tpu.dma_semaphore, #tpu.memory_space<semaphore_mem>>) src(%arg18 : memref<4000x128xf32, #tpu.memory_space<vmem>>) dst(%dma_wait3A_262 : memref<4000x128xf32, #tpu.memory_space<hbm>>)
      %multiple_of3A_263 = arith.constant 0 : i32
      %multiple_of3A_264 = tpu.assume_multiple %multiple_of3A_263, 4000 : i32
      %dma_wait3A_265 = arith.constant 0 : i32
      %dma_wait3A_266 = tpu.memref_slice %arg13[%multiple_of3A_264, %dma_wait3A_265] : memref<100000x128xf32, #tpu.memory_space<hbm>> -> memref<4000x128xf32, #tpu.memory_space<hbm>>
      tpu.wait_dma2 semaphore(%arg34 : memref<!tpu.dma_semaphore, #tpu.memory_space<semaphore_mem>>) src(%arg19 : memref<4000x128xf32, #tpu.memory_space<vmem>>) dst(%dma_wait3A_266 : memref<4000x128xf32, #tpu.memory_space<hbm>>)
      %multiple_of3A_267 = arith.constant 0 : i32
      %multiple_of3A_268 = tpu.assume_multiple %multiple_of3A_267, 4000 : i32
      %dma_wait3A_269 = arith.constant 0 : i32
      %dma_wait3A_270 = tpu.memref_slice %arg13[%multiple_of3A_268, %dma_wait3A_269] : memref<100000x128xf32, #tpu.memory_space<hbm>> -> memref<4000x128xf32, #tpu.memory_space<hbm>>
      tpu.wait_dma2 semaphore(%arg35 : memref<!tpu.dma_semaphore, #tpu.memory_space<semaphore_mem>>) src(%arg20 : memref<4000x128xf32, #tpu.memory_space<vmem>>) dst(%dma_wait3A_270 : memref<4000x128xf32, #tpu.memory_space<hbm>>)
      %multiple_of3A_271 = arith.constant 0 : i32
      %multiple_of3A_272 = tpu.assume_multiple %multiple_of3A_271, 4000 : i32
      %dma_wait3A_273 = arith.constant 0 : i32
      %dma_wait3A_274 = tpu.memref_slice %arg13[%multiple_of3A_272, %dma_wait3A_273] : memref<100000x128xf32, #tpu.memory_space<hbm>> -> memref<4000x128xf32, #tpu.memory_space<hbm>>
      tpu.wait_dma2 semaphore(%arg36 : memref<!tpu.dma_semaphore, #tpu.memory_space<semaphore_mem>>) src(%arg21 : memref<4000x128xf32, #tpu.memory_space<vmem>>) dst(%dma_wait3A_274 : memref<4000x128xf32, #tpu.memory_space<hbm>>)
      %multiple_of3A_275 = arith.constant 0 : i32
      %multiple_of3A_276 = tpu.assume_multiple %multiple_of3A_275, 4000 : i32
      %dma_wait3A_277 = arith.constant 0 : i32
      %dma_wait3A_278 = tpu.memref_slice %arg13[%multiple_of3A_276, %dma_wait3A_277] : memref<100000x128xf32, #tpu.memory_space<hbm>> -> memref<4000x128xf32, #tpu.memory_space<hbm>>
      tpu.wait_dma2 semaphore(%arg37 : memref<!tpu.dma_semaphore, #tpu.memory_space<semaphore_mem>>) src(%arg22 : memref<4000x128xf32, #tpu.memory_space<vmem>>) dst(%dma_wait3A_278 : memref<4000x128xf32, #tpu.memory_space<hbm>>)
      tpu.wait_dma2 semaphore(%arg39 : memref<!tpu.dma_semaphore, #tpu.memory_space<semaphore_mem>>) src(%arg23 : memref<100000xf32, #tpu.memory_space<vmem>>) dst(%arg14 : memref<100000xf32, #tpu.memory_space<hbm>>)
    } else {
    }
    return
  }
  func.func @transform_0(%arg0: i32) -> (i32, i32) {
    %c0_i32 = arith.constant 0 : i32
    %c0_i32_0 = arith.constant 0 : i32
    return %arg0, %c0_i32 : i32, i32
  }
  func.func @transform_1(%arg0: i32) -> (i32, i32) {
    %c0_i32 = arith.constant 0 : i32
    %c0_i32_0 = arith.constant 0 : i32
    return %arg0, %c0_i32 : i32, i32
  }
  func.func @transform_2(%arg0: i32) -> (i32, i32) {
    %c0_i32 = arith.constant 0 : i32
    %c0_i32_0 = arith.constant 0 : i32
    %c0_i32_1 = arith.constant 0 : i32
    return %c0_i32, %c0_i32_0 : i32, i32
  }
  func.func @transform_3(%arg0: i32) -> (i32, i32) {
    %c0_i32 = arith.constant 0 : i32
    %c0_i32_0 = arith.constant 0 : i32
    %c0_i32_1 = arith.constant 0 : i32
    return %c0_i32, %c0_i32_0 : i32, i32
  }
  func.func @transform_4(%arg0: i32) -> (i32, i32) {
    %c0_i32 = arith.constant 0 : i32
    %c0_i32_0 = arith.constant 0 : i32
    %c0_i32_1 = arith.constant 0 : i32
    return %c0_i32, %c0_i32_0 : i32, i32
  }
  func.func @transform_5(%arg0: i32) -> (i32, i32) {
    %c0_i32 = arith.constant 0 : i32
    %c0_i32_0 = arith.constant 0 : i32
    %c0_i32_1 = arith.constant 0 : i32
    return %c0_i32, %c0_i32_0 : i32, i32
  }
  func.func @transform_6(%arg0: i32) -> (i32, i32, i32) {
    %c0_i32 = arith.constant 0 : i32
    %c0_i32_0 = arith.constant 0 : i32
    %c0_i32_1 = arith.constant 0 : i32
    return %arg0, %c0_i32, %c0_i32_0 : i32, i32, i32
  }
  func.func @transform_7(%arg0: i32) -> (i32, i32) {
    %c0_i32 = arith.constant 0 : i32
    %c0_i32_0 = arith.constant 0 : i32
    %c0_i32_1 = arith.constant 0 : i32
    return %c0_i32, %c0_i32_0 : i32, i32
  }
  func.func @transform_10(%arg0: i32) -> (i32, i32) {
    %c0_i32 = arith.constant 0 : i32
    %c0_i32_0 = arith.constant 0 : i32
    return %arg0, %c0_i32 : i32, i32
  }
  func.func @transform_11(%arg0: i32) -> (i32, i32, i32) {
    %c0_i32 = arith.constant 0 : i32
    %c0_i32_0 = arith.constant 0 : i32
    %c0_i32_1 = arith.constant 0 : i32
    return %arg0, %c0_i32, %c0_i32_0 : i32, i32, i32
  }
}

</mosaic_0001>

<sc_bundles>
// kernel: kernel.5.cloned.1.call-start
scs
__scs_entry_jumppad:
0x0: {  	(pc) =	sbr.rel $0x88, $3  }
0x1: {  	(tag) =	ssettag $0x0;
	lr =	simm.s32 $0x1  }
0x2: {  	[smem:$0x3F98] =	sst lr;
	_ =	strace $0xD0000000  }
0x3: {  	_ = 	snop  }
0x4: {  	_ = 	snop  }
0x5: {  	_ = 	snop  }
0x6: {  	_ = 	snop  }
0x7: {  	_ = 	snop  }
__scs_overlays_trampoline_lowered:
0x8: {  	[smem:$0x3FA7] =	sst s0  }
0x9: {  	[smem:$0x3FA8] =	sst s1  }
0xa: {  	[smem:$0x3FA9] =	sst s2  }
0xb: {  	[smem:$0x3FAA] =	sst s3  }
0xc: {  	[smem:$0x3FAB] =	sst s4  }
0xd: {  	[smem:$0x3FAC] =	sst s5  }
0xe: {  	[smem:$0x3FAD] =	sst s6  }
0xf: {  	[smem:$0x3FAE] =	sst s7  }
0x10: {  	[smem:$0x3FAF] =	sst s8  }
0x11: {  	[smem:$0x3FB0] =	sst s9;
	s0 =	simm.s32 @!p0 $0x0  }
0x12: {  	s1 =	sld [smem:$0x3F96];
	s0 =	simm.s32 @p0 $0x1  }
0x13: {  	[smem:$0x3FB1] =	sst s0;
	s0 =	simm.s32 @!p1 $0x0  }
0x14: {  	s2 =	sld [smem:$0x3F95];
	s0 =	simm.s32 @p1 $0x1  }
0x15: {  	[smem:$0x3FB2] =	sst s0;
	s0 =	simm.s32 @!p2 $0x0  }
0x16: {  	s3 =	sld [smem:$0x3FDB];
	s0 =	simm.s32 @p2 $0x1  }
0x17: {  	s4 =	simm.s32 $0x1BF5;
	[smem:$0x3FB4] =	sst s0  }
0x18: {  	s0 =	sld [smem:$0x3F97];
	_ =	swait.ge [sflag:s4], $0x0  }
0x19: {  	s7 =	sld [smem:$0x3F98]  }
0x1a: {  	s8 =	sadd.s32 $0xFFFFE003, lr  }
0x1b: {  	s9 =	sadd.s32 $0xFFFFFEF7, lr;
	s5 =	simm.s32 $0xFFFFFFFF;
	p2 =	slt.u32 s8, $0xFFFFF086  }
0x1c: {  	p1 =	slt.u32 s9, $0xF7A;
	s5 =	simm.s32 @!p2 $0x0  }
0x1d: {  	s5 =	simm.s32 @p1 $0x1;
	p0 =	seq.s32 s7, s2  }
0x1e: {  	s7 =	smul.u32 @!p0 $0xF7A, s2;
	p2 =	seq.s32 @!p0 s5, $0x0  }
0x1f: {  	s9 =	smul.u32 $0xF7A, s1;
	s8 =	simm.s32 @!p0 $0x1BF5;
	p2 =	por !p2, p0  }
0x20: {  	[sflag:s8] =	ssyncset.s32 @!p0 $0xFFFFF086;
	s6 =	sadd.s32 @!p0 s3, s7;
	s7 =	simm.s32 @!p0 $0x108  }
0x21: {  	s3 =	sadd.s32 s3, s9;
	s6 =	sadd.s32 @!p0 $0x88, s6;
	s7 =	simm.s32 @p2 $0x1082  }
0x22: {  	[simem:s7], [sflag:s8] =	dma.local @!p0 [hbm:s6], $0xF7A  }
0x23: {  	s9 =	sor.u32 $0xD0000000, s2;
	s6 =	simm.s32 $0x108;
	_ =	swait.ge @!p0 [sflag:s8], $0x0  }
0x24: {  	s3 =	sadd.s32 $0x88, s3;
	s6 =	simm.s32 @!p1 $0x1082;
	[sflag:s4] =	ssyncset.s32 $0xFFFFF086  }
0x25: {  	[simem:s6], [sflag:s4] =	dma.local [hbm:s3], $0xF7A  }
0x26: {  	[smem:$0x3F98] =	sst s1;
	(tag) =	ssettag s2;
	_ =	strace s9  }
0x27: {  	s1 =	sld [smem:$0x3FA8]  }
0x28: {  	s2 =	sld [smem:$0x3FA9]  }
0x29: {  	s4 =	sld [smem:$0x3FAB]  }
0x2a: {  	p0 =	seq.s32 s5, $0x0;
	s5 =	sld [smem:$0x3FAC]  }
0x2b: {  	s6 =	sld [smem:$0x3FAD]  }
0x2c: {  	s7 =	sld [smem:$0x3FAE]  }
0x2d: {  	s3 =	simm.s32 $0x108;
	s8 =	sld [smem:$0x3FAF]  }
0x2e: {  	s3 =	simm.s32 @!p0 $0x1082;
	s9 =	sld [smem:$0x3FB0]  }
0x2f: {  	lr =	sadd.s32 s0, s3;
	s0 =	sld [smem:$0x3FA7]  }
0x30: {  	s3 =	sld [smem:$0x3FAA]  }
0x31: {  	[smem:$0x3FB3] =	sst s10  }
0x32: {  	s10 =	sld [smem:$0x3FB1];
	_ =	sdelay $0x3  }
0x33: {  	p0 =	seq.s32 s10, $0x1;
	s10 =	sld [smem:$0x3FB3];
	_ =	sdelay $0x3  }
0x34: {  	[smem:$0x3FB3] =	sst s10  }
0x35: {  	s10 =	sld [smem:$0x3FB2];
	_ =	sdelay $0x3  }
0x36: {  	p1 =	seq.s32 s10, $0x1;
	s10 =	sld [smem:$0x3FB3];
	_ =	sdelay $0x3  }
0x37: {  	[smem:$0x3FB3] =	sst s10  }
0x38: {  	s10 =	sld [smem:$0x3FB4]  }
0x39: {  	_ = 	snop;
	(pc) =	sbr.ind lr, $3  }
0x3a: {  	_ = 	snop  }
0x3b: {  	_ = 	snop  }
0x3c: {  	p2 =	seq.s32 s10, $0x1;
	s10 =	sld [smem:$0x3FB3]  }
0x3d: {  	_ =	shalt  }
0x3e: {  	_ =	shalt  }
0x3f: {  	_ =	shalt  }
0x40: {  	_ =	shalt  }
0x41: {  	_ =	shalt  }
0x42: {  	_ =	shalt  }
0x43: {  	_ =	shalt  }
0x44: {  	_ =	shalt  }
0x45: {  	_ =	shalt  }
0x46: {  	_ =	shalt  }
0x47: {  	_ =	shalt  }
0x48: {  	_ =	shalt  }
0x49: {  	_ =	shalt  }
0x4a: {  	_ =	shalt  }
0x4b: {  	_ =	shalt  }
0x4c: {  	_ =	shalt  }
0x4d: {  	_ =	shalt  }
0x4e: {  	_ =	shalt  }
0x4f: {  	_ =	shalt  }
0x50: {  	_ =	shalt  }
0x51: {  	_ =	shalt  }
0x52: {  	_ =	shalt  }
0x53: {  	_ =	shalt  }
0x54: {  	_ =	shalt  }
0x55: {  	_ =	shalt  }
0x56: {  	_ =	shalt  }
0x57: {  	_ =	shalt  }
0x58: {  	_ =	shalt  }
0x59: {  	_ =	shalt  }
0x5a: {  	_ =	shalt  }
0x5b: {  	_ =	shalt  }
0x5c: {  	_ =	shalt  }
0x5d: {  	_ =	shalt  }
0x5e: {  	_ =	shalt  }
0x5f: {  	_ =	shalt  }
0x60: {  	_ =	shalt  }
0x61: {  	_ =	shalt  }
0x62: {  	_ =	shalt  }
0x63: {  	_ =	shalt  }
0x64: {  	_ =	shalt  }
0x65: {  	_ =	shalt  }
0x66: {  	_ =	shalt  }
0x67: {  	_ =	shalt  }
0x68: {  	_ =	shalt  }
0x69: {  	_ =	shalt  }
0x6a: {  	_ =	shalt  }
0x6b: {  	_ =	shalt  }
0x6c: {  	_ =	shalt  }
0x6d: {  	_ =	shalt  }
0x6e: {  	_ =	shalt  }
0x6f: {  	_ =	shalt  }
0x70: {  	_ =	shalt  }
0x71: {  	_ =	shalt  }
0x72: {  	_ =	shalt  }
0x73: {  	_ =	shalt  }
0x74: {  	_ =	shalt  }
0x75: {  	_ =	shalt  }
0x76: {  	_ =	shalt  }
0x77: {  	_ =	shalt  }
0x78: {  	_ =	shalt  }
0x79: {  	_ =	shalt  }
0x7a: {  	_ =	shalt  }
0x7b: {  	_ =	shalt  }
0x7c: {  	_ =	shalt  }
0x7d: {  	_ =	shalt  }
0x7e: {  	_ =	shalt  }
0x7f: {  	_ =	shalt  }
0x80: {  	_ =	shalt  }
0x81: {  	_ =	shalt  }
0x82: {  	_ =	shalt  }
0x83: {  	_ =	shalt  }
0x84: {  	_ =	shalt  }
0x85: {  	_ =	shalt  }
0x86: {  	_ =	shalt  }
0x87: {  	_ =	shalt  }
.Lfunc_end0:
.L_simem_size_0:
called_computation_lowered:
.L_overlay_start_0:
0x88: {  	s2 =	sld [smem:$0x3FD9]  }
0x89: {  	s3 =	sld [smem:$0x3FFE];
	_ =	sdelay $0x1  }
0x8a: {  	s1 =	srdreg.scid  }
0x8b: {  	s0 =	sand.u32 $0x1, s1  }
0x8c: {  	s15 =	sshll.u32 s0, $0xA;
	s2 =	sadd.s32 s3, s2  }
0x8d: {  	s2 =	sadd.s32 s2, s15  }
0x8e: {  	[smem:$0x3FBF] =	sst s2  }
0x8f: {  	_ = 	snop  }
0x90: {  	s2 =	sld [smem:$0x3FD0];
	_ =	sdelay $0x1  }
0x91: {  	s16 =	sld [smem:$0x3FC9]  }
0x92: {  	s5 =	simm.s32 $0xA;
	s6 =	simm.s32 $0x10;
	s4 =	sld [smem:$0x3FC7]  }
0x93: {  	[smem:s6], [sflag:s5] =	dma.local [hbm:s2], $0x1  }
0x94: {  	_ =	swait.eq [sflag:s5], $0x1  }
0x95: {  	[sflag:s5] =	ssyncset.done $0x0  }
0x96: {  	[sflag:s5] =	ssyncadd.s32 $0xFFFFFFFF  }
0x97: {  	s17 =	sld [smem:$0x10];
	(tm) =	ssettm $0x1  }
0x98: {  	s18 =	sld [smem:$0x3FFB];
	_ =	sdelay $0x3  }
0x99: {  	_ =	strace s18  }
0x9a: {  	s5 =	sld [smem:$0x3FFC];
	_ =	sdelay $0x3  }
0x9b: {  	_ =	strace s5  }
0x9c: {  	s5 =	sld [smem:$0x3FFD];
	_ =	sdelay $0x3  }
0x9d: {  	_ =	strace s5  }
0x9e: {  	_ =	strace $0x8FFFFFFF  }
0x9f: {  	s19 =	sld [smem:$0x3FDB];
	_ =	sdelay $0x1  }
0xa0: {  	s20 =	simm.s32 $_scs_section_size  }
0xa1: {  	s7 =	simm.s32 $_size__tile_overlayer_lowered;
	s8 =	simm.s32 $_tile_overlayer_lowered  }
0xa2: {  	s23 =	simm.s32 $0x1BFF;
	s22 =	sshll.u32 s8, $0x1;
	s5 =	sadd.s32 s20, s19  }
0xa3: {  	s9 =	simm.s32 $0x0;
	s21 =	sshll.u32 s7, $0x1;
	s7 =	sadd.s32 s22, s5  }
0xa4: {  	[timem:s9], [sflag:s23] =	dma.local [hbm:s7], s21  }
0xa5: {  	_ =	swait.ge [sflag:s23], s21  }
0xa6: {  	s6 =	ssub.s32 $0x0, s21;
	[sflag:s23] =	ssyncset.done $0x0  }
0xa7: {  	[sflag:s23] =	ssyncadd.s32 s6;
	_ =	sdelay $0x1  }
0xa8: {  	s24 =	simm.s32 $0x1B8B  }
0xa9: {  	_ =	swait.ge [sflag:s24], $0x1  }
0xaa: {  	[sflag:s24] =	ssyncset.done $0x0  }
0xab: {  	s25 =	simm.s32 $0x1B8E;
	[sflag:s24] =	ssyncadd.s32 $0xFFFFFFFF  }
0xac: {  	s26 =	simm.s32 $execute0_lowered;
	[smem:$0x3FD2] =	sst s25  }
0xad: {  	s6 =	sshll.u32 s26, $0x1;
	_ =	strace $0x80000046;
	[dreg:$0x1] =	wrdreg $0xFFFFFFFF  }
0xae: {  	s28 =	simm.s32 $_size_execute0_lowered;
	s5 =	sadd.s32 s5, s6;
	[dreg:$0x0] =	wrdreg $0x0  }
0xaf: {  	s6 =	sshll.u32 s28, $0x1;
	[dreg:$0x2] =	wrdreg s5  }
0xb0: {  	[dreg:$0x3] =	wrdreg s6  }
0xb1: {  	[dreg:$0x4] =	wrdreg $0xC0  }
0xb2: {  	_ =	task [dreg:s9], $0x5FFFF  }
0xb3: {  	[dreg:$0x1] =	wrdreg $0xFFFFFFFF  }
0xb4: {  	[dreg:$0x0] =	wrdreg $0x60  }
0xb5: {  	[dreg:$0x2] =	wrdreg s16  }
0xb6: {  	[dreg:$0x3] =	wrdreg s4  }
0xb7: {  	[dreg:$0x4] =	wrdreg s17  }
0xb8: {  	[dreg:$0x5] =	wrdreg $0x9  }
0xb9: {  	_ =	task.clear_ibuf [dreg:s9], $0x6FFFF;
	_ =	strace $0x90000046  }
0xba: {  	s29 =	simm.s32 $0x9;
	_ =	strace $0x80000048  }
0xbb: {  	_ =	swait.ge [sflag:s29], $0x1  }
0xbc: {  	[sflag:s29] =	ssyncadd.s32 $0xFFFFFFFF  }
0xbd: {  	_ =	strace $0x90000048  }
0xbe: {  	_ =	sfence  }
0xbf: {  	s30 =	sld [smem:$0x0];
	_ =	sdelay $0x2  }
0xc0: {  	s31 =	sshll.u32 s1, $0xD;
	s1 =	sshrl.u32 s1, $0x2  }
0xc1: {  	s3 =	sand.u32 $0x4000, s31;
	s1 =	sadd.s32 s1, s30  }
0xc2: {  	s0 =	sor.u32 s3, s0;
	s1 =	sshll.u32 s1, $0x11  }
0xc3: {  	s0 =	sor.u32 s1, s0  }
0xc4: {  	s0 =	sadd.s32 $0x8F2B, s0  }
0xc5: {  	[sflag:s0] =	ssyncadd.remote.s32 $0x1  }
0xc6: {  	_ =	sfence.sel $0xFFFF  }
0xc7: {  	[dreg:$0x0] =	wrdreg $0xFFFFFFFF;
	(pc) =	sbr.abs _section_cstart, $3  }
0xc8: {  	[dreg:$0x1] =	wrdreg $0xFFFFFFFF  }
0xc9: {  	_ =	task.clear_ibuf [dreg:s9], $0x2FFFF;
	_ =	strace $0x9FFFFFFF  }
0xca: {  	(tm) =	ssettm $0x7FFFFFFF  }
0xcb: {  	_ =	shalt  }
tec
execute0_lowered:
.L_overlay_start_1:
0x0: {  	(tag) =	ssettag $0x1  }
0x1: {  	s1 =	rddreg [dreg:$0x0]  }
0x2: {  	s2 =	srdreg.scid;
	s4 =	rddreg [dreg:$0x1]  }
0x3: {  	s0 =	stileid.u32;
	s8 =	rddreg [dreg:$0x2];
	s6 =	sand.u32 $0x1, s2  }
0x4: {  	s3 =	simm.s32 $0x0;
	s5 =	sshll.u32 s0, $0x8;
	s7 =	sshll.u32 s6, $0x7  }
0x5: {  	[smem:$0x7FF] =	sst s3;
	s9 =	sor.u32 s7, s5  }
0x6: {  	s2 =	rddreg [dreg:$0x3];
	_ =	strace $0x80000047;
	s5 =	sshrl.u32 s9, $0x3  }
0x7: {  	s10 =	ssub.s32 $0x2, s6;
	s5 =	sadd.s32 s4, s5;
	s4 =	simm.s32 $0x2  }
0x8: {  	[tilespmem:s3], [sflag:$0x2] =	stream.linear.gather [hbm4b:s5+s3], $0x80, $0x38;
	[tilespmem:$0x4080] =	vst v63  }
0x9: {  	s11 =	sshrl.u32 s10, $0x1;
	_ =	swait.ge [sflag:s4], $0x80  }
0xa: {  	s6 =	simm.s32 $0x80;
	s10 =	ssub.s32 s10, s11;
	[sflag:s4] =	ssyncset.done $0x0  }
0xb: {  	s7 =	simm.s32 $0x1;
	s31 =	smax.u32 s10, $0x1;
	[sflag:s4] =	ssyncadd.s32 $0xFFFFFF80  }
0xc: {  	[tilespmem:s6], [sflag:$0x1] =	stream.indirect.gather [hbm4b:s1+s6], $0x80, s3, s6, $0xb8;
	[tilespmem:$0x4080] =	vst v63  }
0xd: {  	p0 =	sne.s32 s31, $0x1;
	_ =	swait.ge [sflag:s7], $0x4000  }
.Ltmp0:
0xe: {  	s9 =	sshll.u32 s9, $0x4;
	[sflag:s7] =	ssyncset.done $0x0;
	(pc) =	sbr.rel @!p0 .LBB2_2-.Ltmp0, $4  }
0xf: {  	s8 =	sadd.s32 s8, s9;
	[sflag:s7] =	ssyncadd.s32 $0xFFFFC000  }
0x10: {  	[hbm4b:s8+s3] =	stream.linear.scatter [tilespmem:s6], [sflag:$0x2], $0x4000, $0x38;
	[tilespmem:$0x4080] =	vst v63  }
0x11: {  	_ =	swait.ge [sflag:s4], $0x4000  }
0x12: {  	s9 =	sadd.s32 $0xFFFFFFFF, s31;
	[sflag:s4] =	ssyncset.done $0x0  }
.LBB2_1:
0x13: {  	p0 =	sne.s32 s9, $0x1;
	s9 =	sadd.s32 $0xFFFFFFFF, s9;
	[sflag:s4] =	ssyncadd.s32 $0xFFFFC000  }
0x14: {  	[tilespmem:s3], [sflag:$0x2] =	stream.linear.gather [hbm4b:s5+s3], $0x80, $0x38;
	[tilespmem:$0x4080] =	vst v63  }
0x15: {  	_ =	swait.ge [sflag:s4], $0x80  }
0x16: {  	[sflag:s4] =	ssyncset.done $0x0  }
0x17: {  	[sflag:s4] =	ssyncadd.s32 $0xFFFFFF80  }
0x18: {  	[tilespmem:s6], [sflag:$0x1] =	stream.indirect.gather [hbm4b:s1+s6], $0x80, s3, s6, $0xb8;
	[tilespmem:$0x4080] =	vst v63  }
0x19: {  	_ =	swait.ge [sflag:s7], $0x4000  }
.Ltmp1:
0x1a: {  	[sflag:s7] =	ssyncset.done $0x0;
	(pc) =	sbr.rel @p0 .LBB2_1-.Ltmp1, $4  }
0x1b: {  	[sflag:s7] =	ssyncadd.s32 $0xFFFFC000  }
0x1c: {  	[hbm4b:s8+s3] =	stream.linear.scatter [tilespmem:s6], [sflag:$0x2], $0x4000, $0x38;
	[tilespmem:$0x4080] =	vst v63  }
0x1d: {  	_ =	swait.ge [sflag:s4], $0x4000  }
0x1e: {  	[sflag:s4] =	ssyncset.done $0x0  }
.LBB2_2:
0x1f: {  	[sflag:s4] =	ssyncadd.s32 $0xFFFFC000  }
0x20: {  	_ =	sfence.sel $0x180000  }
0x21: {  	[bflag:$0x0] =	sbarrier.arrive $0xFFFF  }
0x22: {  	p0 =	sne.s32 s0, $0x0;
	_ =	strace $0x90000047  }
0x23: {  	s0 =	sadd.s32 @!p0 $0x100000, s2;
	[bflag:$0x2] =	sbarrier.arrive $0xFFFF  }
0x24: {  	[sflag:s0] =	ssyncadd.tile.s32 @!p0 $0x1;
	_ =	shalt  }
.Lfunc_end2:
_tile_overlayer_lowered:
.L_overlay_start_2:
0x25: {  	(tag) =	ssettag $0x2  }
0x26: {  	s0 =	rddreg [dreg:$0x0];
	s2 =	stileid.u32  }
0x27: {  	s1 =	rddreg [dreg:$0x1];
	p0 =	sne.s32 s2, $0x0  }
0x28: {  	s3 =	rddreg [dreg:$0x2];
	[bflag:$0x3] =	sbarrier.arrive $0xFFFF;
	s2 =	simm.s32 @!p0 $0x1C02  }
0x29: {  	[timem:s3], [sflag:s2] =	dma.local @!p0 [hbm:s0], s1  }
0x2a: {  	s0 =	simm.s32 @!p0 $0x2  }
0x2b: {  	_ =	swait.ge @!p0 [sflag:s0], s1  }
0x2c: {  	s1 =	ssub.s32 @!p0 $0x0, s1;
	[sflag:s0] =	ssyncset.done @!p0 $0x0  }
0x2d: {  	[sflag:s0] =	ssyncadd.s32 @!p0 s1  }
0x2e: {  	[bflag:$0x3] =	sbarrier.arrive $0xFFFF  }
0x2f: {  	_ =	shalt  }

// kernel: kernel.8.cloned.1.call-start
scs
__scs_entry_jumppad:
0x0: {  	(pc) =	sbr.rel $0x88, $3  }
0x1: {  	(tag) =	ssettag $0x0;
	lr =	simm.s32 $0x1  }
0x2: {  	[smem:$0x3F98] =	sst lr;
	_ =	strace $0xD0000000  }
0x3: {  	_ = 	snop  }
0x4: {  	_ = 	snop  }
0x5: {  	_ = 	snop  }
0x6: {  	_ = 	snop  }
0x7: {  	_ = 	snop  }
__scs_overlays_trampoline_lowered:
0x8: {  	[smem:$0x3FA7] =	sst s0  }
0x9: {  	[smem:$0x3FA8] =	sst s1  }
0xa: {  	[smem:$0x3FA9] =	sst s2  }
0xb: {  	[smem:$0x3FAA] =	sst s3  }
0xc: {  	[smem:$0x3FAB] =	sst s4  }
0xd: {  	[smem:$0x3FAC] =	sst s5  }
0xe: {  	[smem:$0x3FAD] =	sst s6  }
0xf: {  	[smem:$0x3FAE] =	sst s7  }
0x10: {  	[smem:$0x3FAF] =	sst s8  }
0x11: {  	[smem:$0x3FB0] =	sst s9;
	s0 =	simm.s32 @!p0 $0x0  }
0x12: {  	s1 =	sld [smem:$0x3F96];
	s0 =	simm.s32 @p0 $0x1  }
0x13: {  	[smem:$0x3FB1] =	sst s0;
	s0 =	simm.s32 @!p1 $0x0  }
0x14: {  	s2 =	sld [smem:$0x3F95];
	s0 =	simm.s32 @p1 $0x1  }
0x15: {  	[smem:$0x3FB2] =	sst s0;
	s0 =	simm.s32 @!p2 $0x0  }
0x16: {  	s3 =	sld [smem:$0x3FDB];
	s0 =	simm.s32 @p2 $0x1  }
0x17: {  	s4 =	simm.s32 $0x1BF5;
	[smem:$0x3FB4] =	sst s0  }
0x18: {  	s0 =	sld [smem:$0x3F97];
	_ =	swait.ge [sflag:s4], $0x0  }
0x19: {  	s7 =	sld [smem:$0x3F98]  }
0x1a: {  	s8 =	sadd.s32 $0xFFFFE003, lr  }
0x1b: {  	s9 =	sadd.s32 $0xFFFFFEF7, lr;
	s5 =	simm.s32 $0xFFFFFFFF;
	p2 =	slt.u32 s8, $0xFFFFF086  }
0x1c: {  	p1 =	slt.u32 s9, $0xF7A;
	s5 =	simm.s32 @!p2 $0x0  }
0x1d: {  	s5 =	simm.s32 @p1 $0x1;
	p0 =	seq.s32 s7, s2  }
0x1e: {  	s7 =	smul.u32 @!p0 $0xF7A, s2;
	p2 =	seq.s32 @!p0 s5, $0x0  }
0x1f: {  	s9 =	smul.u32 $0xF7A, s1;
	s8 =	simm.s32 @!p0 $0x1BF5;
	p2 =	por !p2, p0  }
0x20: {  	[sflag:s8] =	ssyncset.s32 @!p0 $0xFFFFF086;
	s6 =	sadd.s32 @!p0 s3, s7;
	s7 =	simm.s32 @!p0 $0x108  }
0x21: {  	s3 =	sadd.s32 s3, s9;
	s6 =	sadd.s32 @!p0 $0x88, s6;
	s7 =	simm.s32 @p2 $0x1082  }
0x22: {  	[simem:s7], [sflag:s8] =	dma.local @!p0 [hbm:s6], $0xF7A  }
0x23: {  	s9 =	sor.u32 $0xD0000000, s2;
	s6 =	simm.s32 $0x108;
	_ =	swait.ge @!p0 [sflag:s8], $0x0  }
0x24: {  	s3 =	sadd.s32 $0x88, s3;
	s6 =	simm.s32 @!p1 $0x1082;
	[sflag:s4] =	ssyncset.s32 $0xFFFFF086  }
0x25: {  	[simem:s6], [sflag:s4] =	dma.local [hbm:s3], $0xF7A  }
0x26: {  	[smem:$0x3F98] =	sst s1;
	(tag) =	ssettag s2;
	_ =	strace s9  }
0x27: {  	s1 =	sld [smem:$0x3FA8]  }
0x28: {  	s2 =	sld [smem:$0x3FA9]  }
0x29: {  	s4 =	sld [smem:$0x3FAB]  }
0x2a: {  	p0 =	seq.s32 s5, $0x0;
	s5 =	sld [smem:$0x3FAC]  }
0x2b: {  	s6 =	sld [smem:$0x3FAD]  }
0x2c: {  	s7 =	sld [smem:$0x3FAE]  }
0x2d: {  	s3 =	simm.s32 $0x108;
	s8 =	sld [smem:$0x3FAF]  }
0x2e: {  	s3 =	simm.s32 @!p0 $0x1082;
	s9 =	sld [smem:$0x3FB0]  }
0x2f: {  	lr =	sadd.s32 s0, s3;
	s0 =	sld [smem:$0x3FA7]  }
0x30: {  	s3 =	sld [smem:$0x3FAA]  }
0x31: {  	[smem:$0x3FB3] =	sst s10  }
0x32: {  	s10 =	sld [smem:$0x3FB1];
	_ =	sdelay $0x3  }
0x33: {  	p0 =	seq.s32 s10, $0x1;
	s10 =	sld [smem:$0x3FB3];
	_ =	sdelay $0x3  }
0x34: {  	[smem:$0x3FB3] =	sst s10  }
0x35: {  	s10 =	sld [smem:$0x3FB2];
	_ =	sdelay $0x3  }
0x36: {  	p1 =	seq.s32 s10, $0x1;
	s10 =	sld [smem:$0x3FB3];
	_ =	sdelay $0x3  }
0x37: {  	[smem:$0x3FB3] =	sst s10  }
0x38: {  	s10 =	sld [smem:$0x3FB4]  }
0x39: {  	_ = 	snop;
	(pc) =	sbr.ind lr, $3  }
0x3a: {  	_ = 	snop  }
0x3b: {  	_ = 	snop  }
0x3c: {  	p2 =	seq.s32 s10, $0x1;
	s10 =	sld [smem:$0x3FB3]  }
0x3d: {  	_ =	shalt  }
0x3e: {  	_ =	shalt  }
0x3f: {  	_ =	shalt  }
0x40: {  	_ =	shalt  }
0x41: {  	_ =	shalt  }
0x42: {  	_ =	shalt  }
0x43: {  	_ =	shalt  }
0x44: {  	_ =	shalt  }
0x45: {  	_ =	shalt  }
0x46: {  	_ =	shalt  }
0x47: {  	_ =	shalt  }
0x48: {  	_ =	shalt  }
0x49: {  	_ =	shalt  }
0x4a: {  	_ =	shalt  }
0x4b: {  	_ =	shalt  }
0x4c: {  	_ =	shalt  }
0x4d: {  	_ =	shalt  }
0x4e: {  	_ =	shalt  }
0x4f: {  	_ =	shalt  }
0x50: {  	_ =	shalt  }
0x51: {  	_ =	shalt  }
0x52: {  	_ =	shalt  }
0x53: {  	_ =	shalt  }
0x54: {  	_ =	shalt  }
0x55: {  	_ =	shalt  }
0x56: {  	_ =	shalt  }
0x57: {  	_ =	shalt  }
0x58: {  	_ =	shalt  }
0x59: {  	_ =	shalt  }
0x5a: {  	_ =	shalt  }
0x5b: {  	_ =	shalt  }
0x5c: {  	_ =	shalt  }
0x5d: {  	_ =	shalt  }
0x5e: {  	_ =	shalt  }
0x5f: {  	_ =	shalt  }
0x60: {  	_ =	shalt  }
0x61: {  	_ =	shalt  }
0x62: {  	_ =	shalt  }
0x63: {  	_ =	shalt  }
0x64: {  	_ =	shalt  }
0x65: {  	_ =	shalt  }
0x66: {  	_ =	shalt  }
0x67: {  	_ =	shalt  }
0x68: {  	_ =	shalt  }
0x69: {  	_ =	shalt  }
0x6a: {  	_ =	shalt  }
0x6b: {  	_ =	shalt  }
0x6c: {  	_ =	shalt  }
0x6d: {  	_ =	shalt  }
0x6e: {  	_ =	shalt  }
0x6f: {  	_ =	shalt  }
0x70: {  	_ =	shalt  }
0x71: {  	_ =	shalt  }
0x72: {  	_ =	shalt  }
0x73: {  	_ =	shalt  }
0x74: {  	_ =	shalt  }
0x75: {  	_ =	shalt  }
0x76: {  	_ =	shalt  }
0x77: {  	_ =	shalt  }
0x78: {  	_ =	shalt  }
0x79: {  	_ =	shalt  }
0x7a: {  	_ =	shalt  }
0x7b: {  	_ =	shalt  }
0x7c: {  	_ =	shalt  }
0x7d: {  	_ =	shalt  }
0x7e: {  	_ =	shalt  }
0x7f: {  	_ =	shalt  }
0x80: {  	_ =	shalt  }
0x81: {  	_ =	shalt  }
0x82: {  	_ =	shalt  }
0x83: {  	_ =	shalt  }
0x84: {  	_ =	shalt  }
0x85: {  	_ =	shalt  }
0x86: {  	_ =	shalt  }
0x87: {  	_ =	shalt  }
.Lfunc_end0:
.L_simem_size_0:
called_computation.1_lowered:
.L_overlay_start_0:
0x88: {  	s2 =	sld [smem:$0x3FD9]  }
0x89: {  	s3 =	sld [smem:$0x3FFE];
	_ =	sdelay $0x1  }
0x8a: {  	s1 =	srdreg.scid  }
0x8b: {  	s0 =	sand.u32 $0x1, s1  }
0x8c: {  	s14 =	sshll.u32 s0, $0xA;
	s2 =	sadd.s32 s3, s2  }
0x8d: {  	s2 =	sadd.s32 s2, s14  }
0x8e: {  	[smem:$0x3FBF] =	sst s2  }
0x8f: {  	_ = 	snop  }
0x90: {  	s2 =	sld [smem:$0x3FD0];
	_ =	sdelay $0x1  }
0x91: {  	s15 =	sld [smem:$0x3FC7]  }
0x92: {  	s5 =	simm.s32 $0xA;
	s6 =	simm.s32 $0x10;
	s4 =	sld [smem:$0x3FC5]  }
0x93: {  	[smem:s6], [sflag:s5] =	dma.local [hbm:s2], $0x1  }
0x94: {  	_ =	swait.eq [sflag:s5], $0x1  }
0x95: {  	[sflag:s5] =	ssyncset.done $0x0  }
0x96: {  	s16 =	sld [smem:$0x10];
	[sflag:s5] =	ssyncadd.s32 $0xFFFFFFFF  }
0x97: {  	s17 =	sld [smem:$0x11];
	(tm) =	ssettm $0x1  }
0x98: {  	s18 =	sld [smem:$0x3FFB];
	_ =	sdelay $0x3  }
0x99: {  	_ =	strace s18  }
0x9a: {  	s6 =	sld [smem:$0x3FFC];
	_ =	sdelay $0x3  }
0x9b: {  	_ =	strace s6  }
0x9c: {  	s6 =	sld [smem:$0x3FFD];
	_ =	sdelay $0x3  }
0x9d: {  	_ =	strace s6  }
0x9e: {  	_ =	strace $0x8FFFFFFF  }
0x9f: {  	s19 =	sld [smem:$0x3FDB];
	_ =	sdelay $0x1  }
0xa0: {  	s7 =	simm.s32 $_scs_section_size  }
0xa1: {  	s8 =	simm.s32 $_size__tile_overlayer_lowered;
	s9 =	simm.s32 $_tile_overlayer_lowered  }
0xa2: {  	s22 =	simm.s32 $0x1BFF;
	s21 =	sshll.u32 s9, $0x1;
	s6 =	sadd.s32 s7, s19  }
0xa3: {  	s10 =	simm.s32 $0x0;
	s20 =	sshll.u32 s8, $0x1;
	s8 =	sadd.s32 s21, s6  }
0xa4: {  	[timem:s10], [sflag:s22] =	dma.local [hbm:s8], s20  }
0xa5: {  	_ =	swait.ge [sflag:s22], s20  }
0xa6: {  	s7 =	ssub.s32 $0x0, s20;
	[sflag:s22] =	ssyncset.done $0x0  }
0xa7: {  	[sflag:s22] =	ssyncadd.s32 s7;
	_ =	sdelay $0x1  }
0xa8: {  	s23 =	simm.s32 $0x1B8B  }
0xa9: {  	_ =	swait.ge [sflag:s23], $0x1  }
0xaa: {  	[sflag:s23] =	ssyncset.done $0x0  }
0xab: {  	s25 =	simm.s32 $0x1B8E;
	s24 =	sld [smem:$0x3FFE];
	[sflag:s23] =	ssyncadd.s32 $0xFFFFFFFF  }
0xac: {  	s26 =	simm.s32 $execute0_lowered;
	[smem:$0x3FD2] =	sst s25  }
0xad: {  	s8 =	sshll.u32 s26, $0x1;
	_ =	strace $0x80000049;
	[dreg:$0x1] =	wrdreg $0xFFFFFFFF  }
0xae: {  	s28 =	simm.s32 $_size_execute0_lowered;
	s6 =	sadd.s32 s6, s8;
	[dreg:$0x0] =	wrdreg $0x0  }
0xaf: {  	s8 =	sshll.u32 s28, $0x1;
	[dreg:$0x2] =	wrdreg s6  }
0xb0: {  	[dreg:$0x3] =	wrdreg s8  }
0xb1: {  	[dreg:$0x4] =	wrdreg $0xC0  }
0xb2: {  	_ =	task [dreg:s10], $0x5FFFF  }
0xb3: {  	[dreg:$0x1] =	wrdreg $0xFFFFFFFF  }
0xb4: {  	[dreg:$0x0] =	wrdreg $0x60  }
0xb5: {  	[dreg:$0x2] =	wrdreg s24  }
0xb6: {  	[dreg:$0x3] =	wrdreg s15  }
0xb7: {  	[dreg:$0x4] =	wrdreg s4  }
0xb8: {  	[dreg:$0x5] =	wrdreg s16  }
0xb9: {  	[dreg:$0x6] =	wrdreg s17  }
0xba: {  	[dreg:$0x7] =	wrdreg $0x9  }
0xbb: {  	_ =	task.clear_ibuf [dreg:s10], $0x8FFFF;
	_ =	strace $0x90000049  }
0xbc: {  	s29 =	simm.s32 $0x9;
	_ =	strace $0x8000004B  }
0xbd: {  	_ =	swait.ge [sflag:s29], $0x1  }
0xbe: {  	[sflag:s29] =	ssyncadd.s32 $0xFFFFFFFF  }
0xbf: {  	_ =	strace $0x9000004B  }
0xc0: {  	_ =	sfence  }
0xc1: {  	s30 =	sld [smem:$0x0];
	_ =	sdelay $0x2  }
0xc2: {  	s31 =	sshll.u32 s1, $0xD;
	s1 =	sshrl.u32 s1, $0x2  }
0xc3: {  	s3 =	sand.u32 $0x4000, s31;
	s1 =	sadd.s32 s1, s30  }
0xc4: {  	s0 =	sor.u32 s3, s0;
	s1 =	sshll.u32 s1, $0x11  }
0xc5: {  	s0 =	sor.u32 s1, s0  }
0xc6: {  	s0 =	sadd.s32 $0x8F2B, s0  }
0xc7: {  	[sflag:s0] =	ssyncadd.remote.s32 $0x1  }
0xc8: {  	_ =	sfence.sel $0xFFFF  }
0xc9: {  	[dreg:$0x0] =	wrdreg $0xFFFFFFFF;
	(pc) =	sbr.abs _section_cstart, $3  }
0xca: {  	[dreg:$0x1] =	wrdreg $0xFFFFFFFF  }
0xcb: {  	_ =	task.clear_ibuf [dreg:s10], $0x2FFFF;
	_ =	strace $0x9FFFFFFF  }
0xcc: {  	(tm) =	ssettm $0x7FFFFFFF  }
0xcd: {  	_ =	shalt  }
tec
execute0_lowered:
.L_overlay_start_1:
0x0: {  	(tag) =	ssettag $0x1  }
0x1: {  	s14 =	rddreg [dreg:$0x0]  }
0x2: {  	s10 =	rddreg [dreg:$0x1]  }
0x3: {  	s1 =	rddreg [dreg:$0x2];
	s2 =	srdreg.scid  }
0x4: {  	s3 =	rddreg [dreg:$0x3];
	s0 =	stileid.u32;
	s23 =	sand.u32 $0x1, s2  }
0x5: {  	s4 =	rddreg [dreg:$0x4];
	s6 =	sshll.u32 s0, $0x5;
	s7 =	sshll.u32 s23, $0x4  }
0x6: {  	s5 =	simm.s32 $0x0;
	s2 =	rddreg [dreg:$0x5];
	s11 =	sor.u32 s7, s6  }
0x7: {  	[smem:$0x7FF] =	sst s5;
	s8 =	sadd.s32 s11, s14  }
0x8: {  	_ =	strace $0x8000004A;
	s7 =	simm.s32 $0x4;
	s6 =	sadd.s32 $0x12000, s8  }
0x9: {  	[tilespmem:s5], [sflag:$0x4] =	stream.linear.gather [hbm4b:s6+s5], $0x40, $0x38;
	[tilespmem:$0x4280] =	vst v63  }
0xa: {  	_ =	swait.ge [sflag:s7], $0x40  }
0xb: {  	[sflag:s7] =	ssyncset.done $0x0  }
0xc: {  	s9 =	simm.s32 $0x80;
	s8 =	sadd.s32 $0x12008, s8;
	[sflag:s7] =	ssyncadd.s32 $0xFFFFFFC0  }
0xd: {  	[tilespmem:s9], [sflag:$0x4] =	stream.linear.gather [hbm4b:s8+s5], $0x40, $0x38;
	[tilespmem:$0x4280] =	vst v63  }
0xe: {  	_ =	swait.ge [sflag:s7], $0x40  }
0xf: {  	[sflag:s7] =	ssyncset.done $0x0  }
0x10: {  	s10 =	sadd.s32 s10, s11;
	s11 =	simm.s32 $0x100;
	[sflag:s7] =	ssyncadd.s32 $0xFFFFFFC0  }
0x11: {  	[tilespmem:s11], [sflag:$0x4] =	stream.linear.gather [hbm4b:s10+s5], $0x40, $0x38;
	[tilespmem:$0x4280] =	vst v63  }
0x12: {  	_ =	swait.ge [sflag:s7], $0x40  }
0x13: {  	[sflag:s7] =	ssyncset.done $0x0  }
0x14: {  	s13 =	simm.s32 $0x180;
	s12 =	sadd.s32 $0x8, s10;
	[sflag:s7] =	ssyncadd.s32 $0xFFFFFFC0  }
0x15: {  	[tilespmem:s13], [sflag:$0x4] =	stream.linear.gather [hbm4b:s12+s5], $0x40, $0x38;
	[tilespmem:$0x4280] =	vst v63  }
0x16: {  	_ =	swait.ge [sflag:s7], $0x40  }
0x17: {  	s15 =	simm.s32 $0x40;
	[sflag:s7] =	ssyncset.done $0x0  }
0x18: {  	s16 =	simm.s32 $0x200;
	s14 =	sadd.s32 $0x2000, s14;
	[sflag:s7] =	ssyncadd.s32 $0xFFFFFFC0  }
0x19: {  	[tilespmem:s16], [sflag:$0x1] =	stream.indirect.gather [hbm4b:s14+s15], $0x80, s5, s15, $0xb8;
	[tilespmem:$0x4280] =	vst v63  }
0x1a: {  	s17 =	simm.s32 $0x2200  }
0x1b: {  	[tilespmem:s17], [sflag:$0x2] =	stream.indirect.gather [hbm4b:s14+s15], $0x80, s9, s15, $0xb8;
	[tilespmem:$0x4280] =	vst v63  }
0x1c: {  	s18 =	simm.s32 $0x4200;
	s19 =	simm.s32 $0x1  }
0x1d: {  	[tilespmem:s18], [sflag:$0x3] =	stream.indirect.gather [hbm4b:s1+s15], $0x1, s5, s15, $0xb8;
	[tilespmem:$0x4280] =	vst v63  }
0x1e: {  	_ =	swait.ge [sflag:s19], $0x2000  }
0x1f: {  	[sflag:s19] =	ssyncset.done $0x0  }
0x20: {  	s20 =	simm.s32 $0x2;
	[sflag:s19] =	ssyncadd.s32 $0xFFFFE000  }
0x21: {  	[hbm4b:s3+s15] =	stream.indirect.scatter [tilespmem:s16], [sflag:$0x1], $0x80, s11, s15, $0xb8;
	[tilespmem:$0x4280] =	vst v63  }
0x22: {  	_ =	swait.ge [sflag:s20], $0x2000  }
0x23: {  	[sflag:s20] =	ssyncset.done $0x0  }
0x24: {  	s21 =	simm.s32 $0x3;
	[sflag:s20] =	ssyncadd.s32 $0xFFFFE000  }
0x25: {  	[hbm4b:s3+s15] =	stream.indirect.scatter [tilespmem:s17], [sflag:$0x2], $0x80, s13, s15, $0xb8;
	[tilespmem:$0x4280] =	vst v63  }
0x26: {  	_ =	swait.ge [sflag:s21], $0x40  }
0x27: {  	[sflag:s21] =	ssyncset.done $0x0  }
0x28: {  	s22 =	simm.s32 $0x4240;
	[sflag:s21] =	ssyncadd.s32 $0xFFFFFFC0  }
0x29: {  	[tilespmem:s22], [sflag:$0x3] =	stream.indirect.gather [hbm4b:s1+s15], $0x1, s9, s15, $0xb8;
	[tilespmem:$0x4280] =	vst v63  }
0x2a: {  	_ =	swait.ge [sflag:s21], $0x40  }
0x2b: {  	[sflag:s21] =	ssyncset.done $0x0  }
0x2c: {  	[sflag:s21] =	ssyncadd.s32 $0xFFFFFFC0  }
0x2d: {  	[hbm4b:s4+s15] =	stream.indirect.scatter [tilespmem:s18], [sflag:$0x3], $0x1, s11, s15, $0xb8;
	[tilespmem:$0x4280] =	vst v63  }
0x2e: {  	_ =	swait.ge [sflag:s21], $0x40  }
0x2f: {  	s23 =	ssub.s32 $0x2, s23;
	[sflag:s21] =	ssyncset.done $0x0  }
0x30: {  	s24 =	sshrl.u32 s23, $0x1;
	[sflag:s21] =	ssyncadd.s32 $0xFFFFFFC0  }
0x31: {  	[hbm4b:s4+s15] =	stream.indirect.scatter [tilespmem:s22], [sflag:$0x3], $0x1, s13, s15, $0xb8;
	[tilespmem:$0x4280] =	vst v63  }
0x32: {  	s23 =	ssub.s32 s23, s24;
	_ =	swait.ge [sflag:s19], $0x2000  }
0x33: {  	s23 =	smax.u32 s23, $0x1;
	[sflag:s19] =	ssyncset.done $0x0  }
0x34: {  	p0 =	sne.s32 s23, $0x1;
	[sflag:s19] =	ssyncadd.s32 $0xFFFFE000  }
.Ltmp0:
0x35: {  	_ =	swait.ge [sflag:s20], $0x2000;
	(pc) =	sbr.rel @!p0 .LBB2_2-.Ltmp0, $4  }
0x36: {  	[sflag:s20] =	ssyncset.done $0x0  }
0x37: {  	[sflag:s20] =	ssyncadd.s32 $0xFFFFE000  }
0x38: {  	_ =	swait.ge [sflag:s21], $0x40  }
0x39: {  	s23 =	sadd.s32 $0xFFFFFFFF, s23;
	[sflag:s21] =	ssyncset.done $0x0  }
.LBB2_1:
0x3a: {  	p0 =	sne.s32 s23, $0x1;
	s23 =	sadd.s32 $0xFFFFFFFF, s23;
	[sflag:s21] =	ssyncadd.s32 $0xFFFFFFC0  }
0x3b: {  	[tilespmem:s5], [sflag:$0x4] =	stream.linear.gather [hbm4b:s6+s5], $0x40, $0x38;
	[tilespmem:$0x4280] =	vst v63  }
0x3c: {  	_ =	swait.ge [sflag:s7], $0x40  }
0x3d: {  	[sflag:s7] =	ssyncset.done $0x0  }
0x3e: {  	[sflag:s7] =	ssyncadd.s32 $0xFFFFFFC0  }
0x3f: {  	[tilespmem:s9], [sflag:$0x4] =	stream.linear.gather [hbm4b:s8+s5], $0x40, $0x38;
	[tilespmem:$0x4280] =	vst v63  }
0x40: {  	_ =	swait.ge [sflag:s7], $0x40  }
0x41: {  	[sflag:s7] =	ssyncset.done $0x0  }
0x42: {  	[sflag:s7] =	ssyncadd.s32 $0xFFFFFFC0  }
0x43: {  	[tilespmem:s11], [sflag:$0x4] =	stream.linear.gather [hbm4b:s10+s5], $0x40, $0x38;
	[tilespmem:$0x4280] =	vst v63  }
0x44: {  	_ =	swait.ge [sflag:s7], $0x40  }
0x45: {  	[sflag:s7] =	ssyncset.done $0x0  }
0x46: {  	[sflag:s7] =	ssyncadd.s32 $0xFFFFFFC0  }
0x47: {  	[tilespmem:s13], [sflag:$0x4] =	stream.linear.gather [hbm4b:s12+s5], $0x40, $0x38;
	[tilespmem:$0x4280] =	vst v63  }
0x48: {  	_ =	swait.ge [sflag:s7], $0x40  }
0x49: {  	[sflag:s7] =	ssyncset.done $0x0  }
0x4a: {  	[sflag:s7] =	ssyncadd.s32 $0xFFFFFFC0  }
0x4b: {  	[tilespmem:s16], [sflag:$0x1] =	stream.indirect.gather [hbm4b:s14+s15], $0x80, s5, s15, $0xb8;
	[tilespmem:$0x4280] =	vst v63  }
0x4c: {  	_ = 	snop  }
0x4d: {  	[tilespmem:s17], [sflag:$0x2] =	stream.indirect.gather [hbm4b:s14+s15], $0x80, s9, s15, $0xb8;
	[tilespmem:$0x4280] =	vst v63  }
0x4e: {  	_ = 	snop  }
0x4f: {  	[tilespmem:s18], [sflag:$0x3] =	stream.indirect.gather [hbm4b:s1+s15], $0x1, s5, s15, $0xb8;
	[tilespmem:$0x4280] =	vst v63  }
0x50: {  	_ =	swait.ge [sflag:s19], $0x2000  }
0x51: {  	[sflag:s19] =	ssyncset.done $0x0  }
0x52: {  	[sflag:s19] =	ssyncadd.s32 $0xFFFFE000  }
0x53: {  	[hbm4b:s3+s15] =	stream.indirect.scatter [tilespmem:s16], [sflag:$0x1], $0x80, s11, s15, $0xb8;
	[tilespmem:$0x4280] =	vst v63  }
0x54: {  	_ =	swait.ge [sflag:s20], $0x2000  }
0x55: {  	[sflag:s20] =	ssyncset.done $0x0  }
0x56: {  	[sflag:s20] =	ssyncadd.s32 $0xFFFFE000  }
0x57: {  	[hbm4b:s3+s15] =	stream.indirect.scatter [tilespmem:s17], [sflag:$0x2], $0x80, s13, s15, $0xb8;
	[tilespmem:$0x4280] =	vst v63  }
0x58: {  	_ =	swait.ge [sflag:s21], $0x40  }
0x59: {  	[sflag:s21] =	ssyncset.done $0x0  }
0x5a: {  	[sflag:s21] =	ssyncadd.s32 $0xFFFFFFC0  }
0x5b: {  	[tilespmem:s22], [sflag:$0x3] =	stream.indirect.gather [hbm4b:s1+s15], $0x1, s9, s15, $0xb8;
	[tilespmem:$0x4280] =	vst v63  }
0x5c: {  	_ =	swait.ge [sflag:s21], $0x40  }
0x5d: {  	[sflag:s21] =	ssyncset.done $0x0  }
0x5e: {  	[sflag:s21] =	ssyncadd.s32 $0xFFFFFFC0  }
0x5f: {  	[hbm4b:s4+s15] =	stream.indirect.scatter [tilespmem:s18], [sflag:$0x3], $0x1, s11, s15, $0xb8;
	[tilespmem:$0x4280] =	vst v63  }
0x60: {  	_ =	swait.ge [sflag:s21], $0x40  }
0x61: {  	[sflag:s21] =	ssyncset.done $0x0  }
0x62: {  	[sflag:s21] =	ssyncadd.s32 $0xFFFFFFC0  }
0x63: {  	[hbm4b:s4+s15] =	stream.indirect.scatter [tilespmem:s22], [sflag:$0x3], $0x1, s13, s15, $0xb8;
	[tilespmem:$0x4280] =	vst v63  }
0x64: {  	_ =	swait.ge [sflag:s19], $0x2000  }
0x65: {  	[sflag:s19] =	ssyncset.done $0x0  }
0x66: {  	[sflag:s19] =	ssyncadd.s32 $0xFFFFE000  }
.Ltmp1:
0x67: {  	_ =	swait.ge [sflag:s20], $0x2000;
	(pc) =	sbr.rel @p0 .LBB2_1-.Ltmp1, $4  }
0x68: {  	[sflag:s20] =	ssyncset.done $0x0  }
0x69: {  	[sflag:s20] =	ssyncadd.s32 $0xFFFFE000  }
0x6a: {  	_ =	swait.ge [sflag:s21], $0x40  }
0x6b: {  	[sflag:s21] =	ssyncset.done $0x0  }
.LBB2_2:
0x6c: {  	[sflag:s21] =	ssyncadd.s32 $0xFFFFFFC0  }
0x6d: {  	_ =	sfence.sel $0x180000  }
0x6e: {  	[bflag:$0x0] =	sbarrier.arrive $0xFFFF  }
0x6f: {  	p0 =	sne.s32 s0, $0x0;
	_ =	strace $0x9000004A  }
0x70: {  	s0 =	sadd.s32 @!p0 $0x100000, s2;
	[bflag:$0x2] =	sbarrier.arrive $0xFFFF  }
0x71: {  	[sflag:s0] =	ssyncadd.tile.s32 @!p0 $0x1;
	_ =	shalt  }
.Lfunc_end2:
_tile_overlayer_lowered:
.L_overlay_start_2:
0x72: {  	(tag) =	ssettag $0x2  }
0x73: {  	s0 =	rddreg [dreg:$0x0];
	s2 =	stileid.u32  }
0x74: {  	s1 =	rddreg [dreg:$0x1];
	p0 =	sne.s32 s2, $0x0  }
0x75: {  	s3 =	rddreg [dreg:$0x2];
	[bflag:$0x3] =	sbarrier.arrive $0xFFFF;
	s2 =	simm.s32 @!p0 $0x1C04  }
0x76: {  	[timem:s3], [sflag:s2] =	dma.local @!p0 [hbm:s0], s1  }
0x77: {  	s0 =	simm.s32 @!p0 $0x4  }
0x78: {  	_ =	swait.ge @!p0 [sflag:s0], s1  }
0x79: {  	s1 =	ssub.s32 @!p0 $0x0, s1;
	[sflag:s0] =	ssyncset.done @!p0 $0x0  }
0x7a: {  	[sflag:s0] =	ssyncadd.s32 @!p0 s1  }
0x7b: {  	[bflag:$0x3] =	sbarrier.arrive $0xFFFF  }
0x7c: {  	_ =	shalt  }

</sc_bundles>
